<compile_context>
chip_gen: v7x
topology: tpu7x:2x2x1
jax: 0.10.2.dev20260603
libtpu: 0.0.44.dev20260713+nightly
codegen_flags: <defaults>
</compile_context>

<pallas_src>
import functools

import jax
import jax.numpy as jnp
from jax import lax
from jax.experimental import pallas as pl
from jax.experimental.pallas import tpu as pltpu
from jax.experimental.pallas import tpu_sc as plsc

N = 10000
E = 320000
D = 128
L = 16
NC = 2
NS = 16
NW = NC * NS
EPW = E // NW
B = 80
NG = EPW // B
CG = 25
NCH = NG // CG
AW = D + L
RPT = N // NS
BH = 64


def _tc_prep(x, edges, W, a):

    def body(x_ref, e_ref, w_ref, a_ref, hp_ref, s2_ref, ta_ref, tb_ref):
        h = jnp.dot(x_ref[...], w_ref[...], preferred_element_type=jnp.float32)
        s1 = jnp.dot(h, a_ref[:D, :], preferred_element_type=jnp.float32)
        hp_ref[...] = jnp.concatenate(
            [h, jnp.broadcast_to(s1, (N, L))], axis=1)
        s2_ref[...] = lax.dot_general(
            a_ref[D:, :], h, (((0,), (1,)), ((), ())),
            preferred_element_type=jnp.float32)
        t = e_ref[1]
        ta_ref[...] = t[:, :BH]
        tb_ref[...] = t[:, BH:]

    return pl.pallas_call(
        body,
        out_shape=[
            jax.ShapeDtypeStruct((N, AW), jnp.float32),
            jax.ShapeDtypeStruct((1, N), jnp.float32),
            jax.ShapeDtypeStruct((NW * NG, BH), jnp.int32),
            jax.ShapeDtypeStruct((NW * NG, B - BH), jnp.int32),
        ],
    )(x, edges, W, a)


def _sc_edge_pass(hp, s2, src, tga, tgb):
    mesh = plsc.VectorSubcoreMesh(core_axis_name="c", subcore_axis_name="s")

    @functools.partial(
        pl.kernel,
        out_type=jax.ShapeDtypeStruct((NC, N, AW), jnp.float32),
        mesh=mesh,
        scratch_types=[
            pltpu.VMEM((N,), jnp.float32),
            pltpu.VMEM((CG, B), jnp.int32),
            pltpu.VMEM((CG, BH), jnp.int32),
            pltpu.VMEM((CG, B - BH), jnp.int32),
            pltpu.VMEM((B, AW), jnp.float32),
            pltpu.VMEM((B, AW), jnp.float32),
            pltpu.VMEM((B,), jnp.float32),
            pltpu.VMEM_SHARED((N, AW), jnp.float32),
            pltpu.SemaphoreType.DMA,
            pltpu.SemaphoreType.DMA,
            pltpu.SemaphoreType.DMA,
        ],
        compiler_params=pltpu.CompilerParams(use_tc_tiling_on_sc=False,
                                             needs_layout_passes=False),
    )
    def k(hp_hbm, s2_hbm, src_hbm, tga_hbm, tgb_hbm, out_hbm,
          s2_v, src_v, tga_v, tgb_v, rows_a, rows_b, w_v, acc_sh,
          sem_a, sem_b, sem_s):
        cid = lax.axis_index("c")
        sid = lax.axis_index("s")
        wid = sid * NC + cid

        pltpu.sync_copy(s2_hbm.at[0], s2_v)

        zero = jnp.zeros((L,), jnp.float32)

        @pl.loop(0, B)
        def _(r):
            for c in range(AW // L):
                rows_a[r, pl.ds(c * L, L)] = zero

        base = sid * RPT
        nfull = RPT // B
        rem = RPT - nfull * B

        @pl.loop(0, nfull)
        def _(i):
            pltpu.sync_copy(rows_a, acc_sh.at[pl.ds(base + i * B, B)])

        pltpu.sync_copy(rows_a.at[pl.ds(0, rem)],
                        acc_sh.at[pl.ds(base + nfull * B, rem)])
        plsc.subcore_barrier()

        iota = lax.iota(jnp.int32, L)
        lane0 = iota == 0
        zeros_i = jnp.zeros((L,), jnp.int32)
        colD = zeros_i + D

        def scale_rows(rows_v, lo, hi):
            @pl.loop(lo, hi, step=2)
            def _(j0):
                for j in (j0, j0 + 1):
                    wj = plsc.load_gather(w_v, [zeros_i + j])
                    vals = [rows_v[j, pl.ds(c * L, L)] * wj
                            for c in range(D // L)]
                    for c in range(D // L):
                        rows_v[j, pl.ds(c * L, L)] = vals[c]
                    rows_v[j, pl.ds(D, L)] = jnp.where(lane0, wj, 0.0)

        def process(rows_v, g):
            for kk in range(B // L):
                pos = kk * L
                if pos < BH:
                    tv = tga_v[g, pl.ds(pos, L)]
                else:
                    tv = tgb_v[g, pl.ds(pos - BH, L)]
                s1g = plsc.load_gather(rows_v, [iota + pos, colD])
                s2g = plsc.load_gather(s2_v, [tv])
                e = s1g + s2g
                e = jnp.where(e > 0, e, 0.2 * e)
                w_v[pl.ds(pos, L)] = jnp.exp(e)

            scale_rows(rows_v, 0, BH)
            pltpu.async_copy(rows_v.at[pl.ds(0, BH)],
                             acc_sh.at[tga_v.at[g]], sem_s, add=True)
            scale_rows(rows_v, BH, B)
            pltpu.sync_copy(rows_v.at[pl.ds(BH, B - BH)],
                            acc_sh.at[tgb_v.at[g]], add=True)
            pltpu.make_async_copy(rows_v.at[pl.ds(0, BH)],
                                  acc_sh.at[tga_v.at[g]], sem_s).wait()

        @pl.loop(0, NCH)
        def _(ch):
            pltpu.sync_copy(src_hbm.at[wid, pl.ds(ch * CG, CG)], src_v)
            pltpu.sync_copy(tga_hbm.at[wid, pl.ds(ch * CG, CG)], tga_v)
            pltpu.sync_copy(tgb_hbm.at[wid, pl.ds(ch * CG, CG)], tgb_v)
            pltpu.async_copy(hp_hbm.at[src_v.at[0]], rows_a, sem_a)

            @pl.loop(0, CG // 2)
            def _(i):
                g0 = 2 * i
                pltpu.make_async_copy(
                    hp_hbm.at[src_v.at[g0]], rows_a, sem_a).wait()
                pltpu.async_copy(hp_hbm.at[src_v.at[g0 + 1]], rows_b, sem_b)
                process(rows_a, g0)
                pltpu.make_async_copy(
                    hp_hbm.at[src_v.at[g0 + 1]], rows_b, sem_b).wait()
                pltpu.async_copy(hp_hbm.at[src_v.at[g0 + 2]], rows_a, sem_a)
                process(rows_b, g0 + 1)

            pltpu.make_async_copy(
                hp_hbm.at[src_v.at[CG - 1]], rows_a, sem_a).wait()
            process(rows_a, CG - 1)

        plsc.subcore_barrier()
        pltpu.sync_copy(acc_sh.at[pl.ds(base, RPT)],
                        out_hbm.at[cid, pl.ds(base, RPT)])

    return k(hp, s2, src, tga, tgb)


def _tc_finish(parts):

    def body(p_ref, o_ref):
        p0 = p_ref[0]
        p1 = p_ref[1]
        num = p0[:, :D] + p1[:, :D]
        den = p0[:, D:D + 1] + p1[:, D:D + 1]
        z = num / (den + 1e-8)
        o_ref[...] = jnp.where(z > 0, z, jnp.exp(z) - 1.0)

    return pl.pallas_call(
        body,
        out_shape=jax.ShapeDtypeStruct((N, D), jnp.float32),
    )(parts)


def kernel(x, edge_index, W, a):
    edges = edge_index.reshape(2, NW * NG, B)
    hp, s2, tga, tgb = _tc_prep(x, edges, W, a)
    src = edges[0].reshape(NW, NG, B)
    parts = _sc_edge_pass(hp, s2, src,
                          tga.reshape(NW, NG, BH),
                          tgb.reshape(NW, NG, B - BH))
    return _tc_finish(parts)

# --- scband reference (transcript-rebuilt; emitter-appended) ---
"""Pipeline reference for scband-graph-attention-layer-13924283973765 (READ-ONLY COPY).

The authoritative reference and input builder live on the scoring server;
editing this copy changes nothing except your own understanding.
"""

import jax, jax.numpy as jnp
import numpy as np

N_NODES = 10000
N_EDGES = 320000
D_IN = 128
D_OUT = 128


def _leaky_relu(x, slope=0.2):
    return jnp.where(x > 0, x, slope * x)


def _elu(x):
    return jnp.where(x > 0, x, jnp.expm1(x))


def setup_inputs(seed: int = 0) -> dict:
    key = jax.random.key(seed)
    k1, k2, k3, k4 = jax.random.split(key, 4)
    x = jax.random.normal(k1, (N_NODES, D_IN), dtype=jnp.float32)
    edge_index = jax.random.randint(k2, (2, N_EDGES), 0, N_NODES, dtype=jnp.int32)
    # Learned params: W is nn.Linear(in, out, bias=False) weight, stored as [in, out] for x @ W
    W = jax.random.normal(k3, (D_IN, D_OUT), dtype=jnp.float32) * (1.0 / np.sqrt(D_IN))
    # attention vector a: [2*out_features, 1], xavier-ish scale
    a = jax.random.normal(k4, (2 * D_OUT, 1), dtype=jnp.float32) * np.sqrt(2.0 / (2 * D_OUT + 1)) * 1.414
    return {"x": x, "edge_index": edge_index, "W": W, "a": a}


def reference(x, edge_index, W, a):
    # h = W(x)  (linear, no bias)
    h = x @ W
    edge_src = edge_index[0]
    edge_tgt = edge_index[1]
    h_src = h[edge_src]  # gather [E, D_OUT]
    h_tgt = h[edge_tgt]  # gather [E, D_OUT]
    edge_features = jnp.concatenate([h_src, h_tgt], axis=1)  # [E, 2*D_OUT]
    e = _leaky_relu(jnp.squeeze(edge_features @ a, -1), 0.2)  # [E]
    exp_e = jnp.exp(e)
    # softmax denominator per target node via scatter-add
    attention = jax.ops.segment_sum(exp_e, edge_tgt, num_segments=N_NODES)  # [N]
    alpha = exp_e / (attention[edge_tgt] + 1e-08)  # [E]
    # dropout p=0.0 -> identity
    h_weighted = h_src * alpha[:, None]  # [E, D_OUT]
    h_prime = jax.ops.segment_sum(h_weighted, edge_tgt, num_segments=N_NODES)  # [N, D_OUT]
    # concat=True -> ELU
    return _elu(h_prime)

if __name__ == "__main__":
    import jax
    _d = setup_inputs()
    print(jax.jit(kernel)(*tuple(_d.values())))

</pallas_src>

<mosaic_0001>
#map = affine_map<(d0, d1) -> (0, 0)>
#map1 = affine_map<(d0, d1) -> (0, 0, 0)>
module attributes {stable_mosaic.version = 14 : i64} {
  func.func @k(%arg0: i32, %arg1: i32, %arg2: memref<10000x144xf32, #tpu.memory_space<hbm>>, %arg3: memref<1x10000xf32, #tpu.memory_space<hbm>>, %arg4: memref<32x125x80xi32, #tpu.memory_space<hbm>>, %arg5: memref<32x125x64xi32, #tpu.memory_space<hbm>>, %arg6: memref<32x125x16xi32, #tpu.memory_space<hbm>>, %arg7: memref<2x10000x144xf32, #tpu.memory_space<hbm>>, %arg8: memref<10000xf32, #tpu.memory_space<vmem>>, %arg9: memref<25x80xi32, #tpu.memory_space<vmem>>, %arg10: memref<25x64xi32, #tpu.memory_space<vmem>>, %arg11: memref<25x16xi32, #tpu.memory_space<vmem>>, %arg12: memref<80x144xf32, #tpu.memory_space<vmem>>, %arg13: memref<80x144xf32, #tpu.memory_space<vmem>>, %arg14: memref<80xf32, #tpu.memory_space<vmem>>, %arg15: memref<10000x144xf32, #tpu.memory_space<vmem_shared>>, %arg16: memref<!tpu.dma_semaphore, #tpu.memory_space<semaphore_mem>>, %arg17: memref<!tpu.dma_semaphore, #tpu.memory_space<semaphore_mem>>, %arg18: memref<!tpu.dma_semaphore, #tpu.memory_space<semaphore_mem>>) attributes {dimension_semantics = [#tpu.dimension_semantics<core_parallel>, #tpu.dimension_semantics<subcore_parallel>], iteration_bounds = array<i64: 2, 16>, scalar_prefetch = 0 : i64, scratch_operands = 11 : i64, tpu.core_type = #tpu.core_type<sc_vector_subcore>, window_params = [{transform_indices = #map}, {transform_indices = #map}, {transform_indices = #map1}, {transform_indices = #map1}, {transform_indices = #map1}, {transform_indices = #map1}]} {
    %mul3A = arith.constant 2 : i32
    %mul3A_0 = arith.muli %arg1, %mul3A : i32
    %add3A = arith.addi %mul3A_0, %arg0 : i32
    %run_scoped3A = arith.constant 0 : i32
    "tpu.region"() ({
      %run_scoped3A_28 = tpu.sem_alloc : memref<!tpu.dma_semaphore, #tpu.memory_space<semaphore_mem>>
      %dma_start3A = arith.constant 0 : i32
      %dma_start3A_29 = tpu.memref_slice %arg3[%run_scoped3A, %dma_start3A] : memref<1x10000xf32, #tpu.memory_space<hbm>> -> memref<1x10000xf32, #tpu.memory_space<hbm>>
      %dma_start3A_30 = tpu.memref_squeeze %dma_start3A_29 : memref<1x10000xf32, #tpu.memory_space<hbm>> -> memref<10000xf32, #tpu.memory_space<hbm>>
      %dma_start3A_31 = arith.constant 0 : i32
      %dma_start3A_32 = tpu.memref_slice %arg3[%run_scoped3A, %dma_start3A_31] : memref<1x10000xf32, #tpu.memory_space<hbm>> -> memref<1x10000xf32, #tpu.memory_space<hbm>>
      %dma_start3A_33 = tpu.memref_squeeze %dma_start3A_32 : memref<1x10000xf32, #tpu.memory_space<hbm>> -> memref<10000xf32, #tpu.memory_space<hbm>>
      tpu.enqueue_dma source(%dma_start3A_33 : memref<10000xf32, #tpu.memory_space<hbm>>) target(%arg8 : memref<10000xf32, #tpu.memory_space<vmem>>) target_semaphore(%run_scoped3A_28 : memref<!tpu.dma_semaphore, #tpu.memory_space<semaphore_mem>>)
      %dma_wait3A = arith.constant 0 : i32
      %dma_wait3A_34 = tpu.memref_slice %arg3[%run_scoped3A, %dma_wait3A] : memref<1x10000xf32, #tpu.memory_space<hbm>> -> memref<1x10000xf32, #tpu.memory_space<hbm>>
      %dma_wait3A_35 = tpu.memref_squeeze %dma_wait3A_34 : memref<1x10000xf32, #tpu.memory_space<hbm>> -> memref<10000xf32, #tpu.memory_space<hbm>>
      %dma_wait3A_36 = arith.constant 0 : i32
      %dma_wait3A_37 = tpu.memref_slice %arg3[%run_scoped3A, %dma_wait3A_36] : memref<1x10000xf32, #tpu.memory_space<hbm>> -> memref<1x10000xf32, #tpu.memory_space<hbm>>
      %dma_wait3A_38 = tpu.memref_squeeze %dma_wait3A_37 : memref<1x10000xf32, #tpu.memory_space<hbm>> -> memref<10000xf32, #tpu.memory_space<hbm>>
      tpu.wait_dma2 semaphore(%run_scoped3A_28 : memref<!tpu.dma_semaphore, #tpu.memory_space<semaphore_mem>>) src(%dma_wait3A_38 : memref<10000xf32, #tpu.memory_space<hbm>>) dst(%arg8 : memref<10000xf32, #tpu.memory_space<vmem>>)
      tpu.yield
    }) : () -> ()
    %broadcast_in_dim3A = arith.constant 0.000000e+00 : f32
    %broadcast_in_dim3A_1 = vector.broadcast %broadcast_in_dim3A : f32 to vector<16xf32>
    %scan3A = arith.constant 0 : i32
    %scan3A_2 = arith.constant 80 : i32
    %scan3A_3 = arith.addi %scan3A, %scan3A_2 : i32
    %scan3A_4 = arith.constant 1 : i32
    scf.for %scan3A_28 = %scan3A to %scan3A_3 step %scan3A_4  : i32 {
      %mul3A_29 = arith.constant 1 : i32
      %mul3A_30 = arith.muli %scan3A_28, %mul3A_29 : i32
      %add3A_31 = arith.constant 0 : i32
      %add3A_32 = arith.addi %add3A_31, %mul3A_30 : i32
      %swap3A = arith.index_cast %add3A_32 : i32 to index
      %swap3A_33 = arith.constant 0 : index
      %swap3A_34 = tpu.vector_load %arg12[%swap3A, %swap3A_33] {strides = array<i32>} : memref<80x144xf32, #tpu.memory_space<vmem>>, vector<16xf32>,
      tpu.vector_store %arg12[%swap3A, %swap3A_33], %broadcast_in_dim3A_1 {strides = array<i32>} : memref<80x144xf32, #tpu.memory_space<vmem>>, vector<16xf32>,
      %swap3A_35 = arith.index_cast %add3A_32 : i32 to index
      %swap3A_36 = arith.constant 16 : index
      %swap3A_37 = tpu.vector_load %arg12[%swap3A_35, %swap3A_36] {strides = array<i32>} : memref<80x144xf32, #tpu.memory_space<vmem>>, vector<16xf32>,
      tpu.vector_store %arg12[%swap3A_35, %swap3A_36], %broadcast_in_dim3A_1 {strides = array<i32>} : memref<80x144xf32, #tpu.memory_space<vmem>>, vector<16xf32>,
      %swap3A_38 = arith.index_cast %add3A_32 : i32 to index
      %swap3A_39 = arith.constant 32 : index
      %swap3A_40 = tpu.vector_load %arg12[%swap3A_38, %swap3A_39] {strides = array<i32>} : memref<80x144xf32, #tpu.memory_space<vmem>>, vector<16xf32>,
      tpu.vector_store %arg12[%swap3A_38, %swap3A_39], %broadcast_in_dim3A_1 {strides = array<i32>} : memref<80x144xf32, #tpu.memory_space<vmem>>, vector<16xf32>,
      %swap3A_41 = arith.index_cast %add3A_32 : i32 to index
      %swap3A_42 = arith.constant 48 : index
      %swap3A_43 = tpu.vector_load %arg12[%swap3A_41, %swap3A_42] {strides = array<i32>} : memref<80x144xf32, #tpu.memory_space<vmem>>, vector<16xf32>,
      tpu.vector_store %arg12[%swap3A_41, %swap3A_42], %broadcast_in_dim3A_1 {strides = array<i32>} : memref<80x144xf32, #tpu.memory_space<vmem>>, vector<16xf32>,
      %swap3A_44 = arith.index_cast %add3A_32 : i32 to index
      %swap3A_45 = arith.constant 64 : index
      %swap3A_46 = tpu.vector_load %arg12[%swap3A_44, %swap3A_45] {strides = array<i32>} : memref<80x144xf32, #tpu.memory_space<vmem>>, vector<16xf32>,
      tpu.vector_store %arg12[%swap3A_44, %swap3A_45], %broadcast_in_dim3A_1 {strides = array<i32>} : memref<80x144xf32, #tpu.memory_space<vmem>>, vector<16xf32>,
      %swap3A_47 = arith.index_cast %add3A_32 : i32 to index
      %swap3A_48 = arith.constant 80 : index
      %swap3A_49 = tpu.vector_load %arg12[%swap3A_47, %swap3A_48] {strides = array<i32>} : memref<80x144xf32, #tpu.memory_space<vmem>>, vector<16xf32>,
      tpu.vector_store %arg12[%swap3A_47, %swap3A_48], %broadcast_in_dim3A_1 {strides = array<i32>} : memref<80x144xf32, #tpu.memory_space<vmem>>, vector<16xf32>,
      %swap3A_50 = arith.index_cast %add3A_32 : i32 to index
      %swap3A_51 = arith.constant 96 : index
      %swap3A_52 = tpu.vector_load %arg12[%swap3A_50, %swap3A_51] {strides = array<i32>} : memref<80x144xf32, #tpu.memory_space<vmem>>, vector<16xf32>,
      tpu.vector_store %arg12[%swap3A_50, %swap3A_51], %broadcast_in_dim3A_1 {strides = array<i32>} : memref<80x144xf32, #tpu.memory_space<vmem>>, vector<16xf32>,
      %swap3A_53 = arith.index_cast %add3A_32 : i32 to index
      %swap3A_54 = arith.constant 112 : index
      %swap3A_55 = tpu.vector_load %arg12[%swap3A_53, %swap3A_54] {strides = array<i32>} : memref<80x144xf32, #tpu.memory_space<vmem>>, vector<16xf32>,
      tpu.vector_store %arg12[%swap3A_53, %swap3A_54], %broadcast_in_dim3A_1 {strides = array<i32>} : memref<80x144xf32, #tpu.memory_space<vmem>>, vector<16xf32>,
      %swap3A_56 = arith.index_cast %add3A_32 : i32 to index
      %swap3A_57 = arith.constant 128 : index
      %swap3A_58 = tpu.vector_load %arg12[%swap3A_56, %swap3A_57] {strides = array<i32>} : memref<80x144xf32, #tpu.memory_space<vmem>>, vector<16xf32>,
      tpu.vector_store %arg12[%swap3A_56, %swap3A_57], %broadcast_in_dim3A_1 {strides = array<i32>} : memref<80x144xf32, #tpu.memory_space<vmem>>, vector<16xf32>,
    }
    %scan3A_5 = arith.constant 80 : i32
    %mul3A_6 = arith.constant 625 : i32
    %mul3A_7 = arith.muli %arg1, %mul3A_6 : i32
    %scan3A_8 = arith.constant 0 : i32
    %scan3A_9 = arith.constant 7 : i32
    %scan3A_10 = arith.addi %scan3A_8, %scan3A_9 : i32
    %scan3A_11 = arith.constant 1 : i32
    scf.for %scan3A_28 = %scan3A_8 to %scan3A_10 step %scan3A_11  : i32 {
      %mul3A_29 = arith.constant 1 : i32
      %mul3A_30 = arith.muli %scan3A_28, %mul3A_29 : i32
      %add3A_31 = arith.constant 0 : i32
      %add3A_32 = arith.addi %add3A_31, %mul3A_30 : i32
      %mul3A_33 = arith.constant 80 : i32
      %mul3A_34 = arith.muli %add3A_32, %mul3A_33 : i32
      %add3A_35 = arith.addi %mul3A_7, %mul3A_34 : i32
      "tpu.region"() ({
        %run_scoped3A_36 = tpu.sem_alloc : memref<!tpu.dma_semaphore, #tpu.memory_space<semaphore_mem>>
        %dma_start3A = arith.constant 0 : i32
        %dma_start3A_37 = tpu.memref_slice %arg15[%add3A_35, %dma_start3A] : memref<10000x144xf32, #tpu.memory_space<vmem_shared>> -> memref<80x144xf32, #tpu.memory_space<vmem_shared>>
        %dma_start3A_38 = arith.constant 0 : i32
        %dma_start3A_39 = tpu.memref_slice %arg15[%add3A_35, %dma_start3A_38] : memref<10000x144xf32, #tpu.memory_space<vmem_shared>> -> memref<80x144xf32, #tpu.memory_space<vmem_shared>>
        tpu.enqueue_dma source(%arg12 : memref<80x144xf32, #tpu.memory_space<vmem>>) target(%dma_start3A_39 : memref<80x144xf32, #tpu.memory_space<vmem_shared>>) target_semaphore(%run_scoped3A_36 : memref<!tpu.dma_semaphore, #tpu.memory_space<semaphore_mem>>)
        %dma_wait3A = arith.constant 0 : i32
        %dma_wait3A_40 = tpu.memref_slice %arg15[%add3A_35, %dma_wait3A] : memref<10000x144xf32, #tpu.memory_space<vmem_shared>> -> memref<80x144xf32, #tpu.memory_space<vmem_shared>>
        %dma_wait3A_41 = arith.constant 0 : i32
        %dma_wait3A_42 = tpu.memref_slice %arg15[%add3A_35, %dma_wait3A_41] : memref<10000x144xf32, #tpu.memory_space<vmem_shared>> -> memref<80x144xf32, #tpu.memory_space<vmem_shared>>
        tpu.wait_dma2 semaphore(%run_scoped3A_36 : memref<!tpu.dma_semaphore, #tpu.memory_space<semaphore_mem>>) src(%arg12 : memref<80x144xf32, #tpu.memory_space<vmem>>) dst(%dma_wait3A_42 : memref<80x144xf32, #tpu.memory_space<vmem_shared>>)
        tpu.yield
      }) : () -> ()
    }
    %scan3A_12 = arith.constant 7 : i32
    %add3A_13 = arith.constant 560 : i32
    %add3A_14 = arith.addi %mul3A_7, %add3A_13 : i32
    "tpu.region"() ({
      %run_scoped3A_28 = tpu.sem_alloc : memref<!tpu.dma_semaphore, #tpu.memory_space<semaphore_mem>>
      %dma_start3A = arith.constant 0 : i32
      %dma_start3A_29 = arith.constant 0 : i32
      %dma_start3A_30 = tpu.memref_slice %arg12[%dma_start3A, %dma_start3A_29] : memref<80x144xf32, #tpu.memory_space<vmem>> -> memref<65x144xf32, #tpu.memory_space<vmem>>
      %dma_start3A_31 = arith.constant 0 : i32
      %dma_start3A_32 = tpu.memref_slice %arg15[%add3A_14, %dma_start3A_31] : memref<10000x144xf32, #tpu.memory_space<vmem_shared>> -> memref<65x144xf32, #tpu.memory_space<vmem_shared>>
      %dma_start3A_33 = arith.constant 0 : i32
      %dma_start3A_34 = tpu.memref_slice %arg15[%add3A_14, %dma_start3A_33] : memref<10000x144xf32, #tpu.memory_space<vmem_shared>> -> memref<65x144xf32, #tpu.memory_space<vmem_shared>>
      %dma_start3A_35 = arith.constant 0 : i32
      %dma_start3A_36 = arith.constant 0 : i32
      %dma_start3A_37 = tpu.memref_slice %arg12[%dma_start3A_35, %dma_start3A_36] : memref<80x144xf32, #tpu.memory_space<vmem>> -> memref<65x144xf32, #tpu.memory_space<vmem>>
      tpu.enqueue_dma source(%dma_start3A_37 : memref<65x144xf32, #tpu.memory_space<vmem>>) target(%dma_start3A_34 : memref<65x144xf32, #tpu.memory_space<vmem_shared>>) target_semaphore(%run_scoped3A_28 : memref<!tpu.dma_semaphore, #tpu.memory_space<semaphore_mem>>)
      %dma_wait3A = arith.constant 0 : i32
      %dma_wait3A_38 = arith.constant 0 : i32
      %dma_wait3A_39 = tpu.memref_slice %arg12[%dma_wait3A, %dma_wait3A_38] : memref<80x144xf32, #tpu.memory_space<vmem>> -> memref<65x144xf32, #tpu.memory_space<vmem>>
      %dma_wait3A_40 = arith.constant 0 : i32
      %dma_wait3A_41 = tpu.memref_slice %arg15[%add3A_14, %dma_wait3A_40] : memref<10000x144xf32, #tpu.memory_space<vmem_shared>> -> memref<65x144xf32, #tpu.memory_space<vmem_shared>>
      %dma_wait3A_42 = arith.constant 0 : i32
      %dma_wait3A_43 = tpu.memref_slice %arg15[%add3A_14, %dma_wait3A_42] : memref<10000x144xf32, #tpu.memory_space<vmem_shared>> -> memref<65x144xf32, #tpu.memory_space<vmem_shared>>
      %dma_wait3A_44 = arith.constant 0 : i32
      %dma_wait3A_45 = arith.constant 0 : i32
      %dma_wait3A_46 = tpu.memref_slice %arg12[%dma_wait3A_44, %dma_wait3A_45] : memref<80x144xf32, #tpu.memory_space<vmem>> -> memref<65x144xf32, #tpu.memory_space<vmem>>
      tpu.wait_dma2 semaphore(%run_scoped3A_28 : memref<!tpu.dma_semaphore, #tpu.memory_space<semaphore_mem>>) src(%dma_wait3A_46 : memref<65x144xf32, #tpu.memory_space<vmem>>) dst(%dma_wait3A_43 : memref<65x144xf32, #tpu.memory_space<vmem_shared>>)
      tpu.yield
    }) : () -> ()
    %barrier3A = arith.constant 0 : index
    tpu.barrier barrier_id(%barrier3A)
    %iota3A = tpu.iota {dimensions = array<i32: 0>} : vector<16xi32>
    %eq3A = arith.constant 0 : i32
    %eq3A_15 = vector.broadcast %eq3A : i32 to vector<16xi32>
    %eq3A_16 = arith.cmpi eq, %iota3A, %eq3A_15 : vector<16xi32>
    %broadcast_in_dim3A_17 = arith.constant 0 : i32
    %broadcast_in_dim3A_18 = vector.broadcast %broadcast_in_dim3A_17 : i32 to vector<16xi32>
    %add3A_19 = arith.constant 128 : i32
    %add3A_20 = vector.broadcast %add3A_19 : i32 to vector<16xi32>
    %add3A_21 = arith.addi %broadcast_in_dim3A_18, %add3A_20 : vector<16xi32>
    %scan3A_22 = arith.constant 0 : i32
    %scan3A_23 = arith.constant 5 : i32
    %scan3A_24 = arith.addi %scan3A_22, %scan3A_23 : i32
    %scan3A_25 = arith.constant 1 : i32
    scf.for %scan3A_28 = %scan3A_22 to %scan3A_24 step %scan3A_25  : i32 {
      %mul3A_29 = arith.constant 1 : i32
      %mul3A_30 = arith.muli %scan3A_28, %mul3A_29 : i32
      %add3A_31 = arith.constant 0 : i32
      %add3A_32 = arith.addi %add3A_31, %mul3A_30 : i32
      %mul3A_33 = arith.constant 25 : i32
      %mul3A_34 = arith.muli %add3A_32, %mul3A_33 : i32
      "tpu.region"() ({
        %run_scoped3A_181 = tpu.sem_alloc : memref<!tpu.dma_semaphore, #tpu.memory_space<semaphore_mem>>
        %dma_start3A_182 = arith.constant 0 : i32
        %dma_start3A_183 = tpu.memref_slice %arg4[%add3A, %mul3A_34, %dma_start3A_182] : memref<32x125x80xi32, #tpu.memory_space<hbm>> -> memref<1x25x80xi32, #tpu.memory_space<hbm>>
        %dma_start3A_184 = tpu.memref_squeeze %dma_start3A_183 : memref<1x25x80xi32, #tpu.memory_space<hbm>> -> memref<25x80xi32, #tpu.memory_space<hbm>>
        %dma_start3A_185 = arith.constant 0 : i32
        %dma_start3A_186 = tpu.memref_slice %arg4[%add3A, %mul3A_34, %dma_start3A_185] : memref<32x125x80xi32, #tpu.memory_space<hbm>> -> memref<1x25x80xi32, #tpu.memory_space<hbm>>
        %dma_start3A_187 = tpu.memref_squeeze %dma_start3A_186 : memref<1x25x80xi32, #tpu.memory_space<hbm>> -> memref<25x80xi32, #tpu.memory_space<hbm>>
        tpu.enqueue_dma source(%dma_start3A_187 : memref<25x80xi32, #tpu.memory_space<hbm>>) target(%arg9 : memref<25x80xi32, #tpu.memory_space<vmem>>) target_semaphore(%run_scoped3A_181 : memref<!tpu.dma_semaphore, #tpu.memory_space<semaphore_mem>>)
        %dma_wait3A_188 = arith.constant 0 : i32
        %dma_wait3A_189 = tpu.memref_slice %arg4[%add3A, %mul3A_34, %dma_wait3A_188] : memref<32x125x80xi32, #tpu.memory_space<hbm>> -> memref<1x25x80xi32, #tpu.memory_space<hbm>>
        %dma_wait3A_190 = tpu.memref_squeeze %dma_wait3A_189 : memref<1x25x80xi32, #tpu.memory_space<hbm>> -> memref<25x80xi32, #tpu.memory_space<hbm>>
        %dma_wait3A_191 = arith.constant 0 : i32
        %dma_wait3A_192 = tpu.memref_slice %arg4[%add3A, %mul3A_34, %dma_wait3A_191] : memref<32x125x80xi32, #tpu.memory_space<hbm>> -> memref<1x25x80xi32, #tpu.memory_space<hbm>>
        %dma_wait3A_193 = tpu.memref_squeeze %dma_wait3A_192 : memref<1x25x80xi32, #tpu.memory_space<hbm>> -> memref<25x80xi32, #tpu.memory_space<hbm>>
        tpu.wait_dma2 semaphore(%run_scoped3A_181 : memref<!tpu.dma_semaphore, #tpu.memory_space<semaphore_mem>>) src(%dma_wait3A_193 : memref<25x80xi32, #tpu.memory_space<hbm>>) dst(%arg9 : memref<25x80xi32, #tpu.memory_space<vmem>>)
        tpu.yield
      }) : () -> ()
      %mul3A_35 = arith.constant 25 : i32
      %mul3A_36 = arith.muli %add3A_32, %mul3A_35 : i32
      "tpu.region"() ({
        %run_scoped3A_181 = tpu.sem_alloc : memref<!tpu.dma_semaphore, #tpu.memory_space<semaphore_mem>>
        %dma_start3A_182 = arith.constant 0 : i32
        %dma_start3A_183 = tpu.memref_slice %arg5[%add3A, %mul3A_36, %dma_start3A_182] : memref<32x125x64xi32, #tpu.memory_space<hbm>> -> memref<1x25x64xi32, #tpu.memory_space<hbm>>
        %dma_start3A_184 = tpu.memref_squeeze %dma_start3A_183 : memref<1x25x64xi32, #tpu.memory_space<hbm>> -> memref<25x64xi32, #tpu.memory_space<hbm>>
        %dma_start3A_185 = arith.constant 0 : i32
        %dma_start3A_186 = tpu.memref_slice %arg5[%add3A, %mul3A_36, %dma_start3A_185] : memref<32x125x64xi32, #tpu.memory_space<hbm>> -> memref<1x25x64xi32, #tpu.memory_space<hbm>>
        %dma_start3A_187 = tpu.memref_squeeze %dma_start3A_186 : memref<1x25x64xi32, #tpu.memory_space<hbm>> -> memref<25x64xi32, #tpu.memory_space<hbm>>
        tpu.enqueue_dma source(%dma_start3A_187 : memref<25x64xi32, #tpu.memory_space<hbm>>) target(%arg10 : memref<25x64xi32, #tpu.memory_space<vmem>>) target_semaphore(%run_scoped3A_181 : memref<!tpu.dma_semaphore, #tpu.memory_space<semaphore_mem>>)
        %dma_wait3A_188 = arith.constant 0 : i32
        %dma_wait3A_189 = tpu.memref_slice %arg5[%add3A, %mul3A_36, %dma_wait3A_188] : memref<32x125x64xi32, #tpu.memory_space<hbm>> -> memref<1x25x64xi32, #tpu.memory_space<hbm>>
        %dma_wait3A_190 = tpu.memref_squeeze %dma_wait3A_189 : memref<1x25x64xi32, #tpu.memory_space<hbm>> -> memref<25x64xi32, #tpu.memory_space<hbm>>
        %dma_wait3A_191 = arith.constant 0 : i32
        %dma_wait3A_192 = tpu.memref_slice %arg5[%add3A, %mul3A_36, %dma_wait3A_191] : memref<32x125x64xi32, #tpu.memory_space<hbm>> -> memref<1x25x64xi32, #tpu.memory_space<hbm>>
        %dma_wait3A_193 = tpu.memref_squeeze %dma_wait3A_192 : memref<1x25x64xi32, #tpu.memory_space<hbm>> -> memref<25x64xi32, #tpu.memory_space<hbm>>
        tpu.wait_dma2 semaphore(%run_scoped3A_181 : memref<!tpu.dma_semaphore, #tpu.memory_space<semaphore_mem>>) src(%dma_wait3A_193 : memref<25x64xi32, #tpu.memory_space<hbm>>) dst(%arg10 : memref<25x64xi32, #tpu.memory_space<vmem>>)
        tpu.yield
      }) : () -> ()
      %mul3A_37 = arith.constant 25 : i32
      %mul3A_38 = arith.muli %add3A_32, %mul3A_37 : i32
      "tpu.region"() ({
        %run_scoped3A_181 = tpu.sem_alloc : memref<!tpu.dma_semaphore, #tpu.memory_space<semaphore_mem>>
        %dma_start3A_182 = arith.constant 0 : i32
        %dma_start3A_183 = tpu.memref_slice %arg6[%add3A, %mul3A_38, %dma_start3A_182] : memref<32x125x16xi32, #tpu.memory_space<hbm>> -> memref<1x25x16xi32, #tpu.memory_space<hbm>>
        %dma_start3A_184 = tpu.memref_squeeze %dma_start3A_183 : memref<1x25x16xi32, #tpu.memory_space<hbm>> -> memref<25x16xi32, #tpu.memory_space<hbm>>
        %dma_start3A_185 = arith.constant 0 : i32
        %dma_start3A_186 = tpu.memref_slice %arg6[%add3A, %mul3A_38, %dma_start3A_185] : memref<32x125x16xi32, #tpu.memory_space<hbm>> -> memref<1x25x16xi32, #tpu.memory_space<hbm>>
        %dma_start3A_187 = tpu.memref_squeeze %dma_start3A_186 : memref<1x25x16xi32, #tpu.memory_space<hbm>> -> memref<25x16xi32, #tpu.memory_space<hbm>>
        tpu.enqueue_dma source(%dma_start3A_187 : memref<25x16xi32, #tpu.memory_space<hbm>>) target(%arg11 : memref<25x16xi32, #tpu.memory_space<vmem>>) target_semaphore(%run_scoped3A_181 : memref<!tpu.dma_semaphore, #tpu.memory_space<semaphore_mem>>)
        %dma_wait3A_188 = arith.constant 0 : i32
        %dma_wait3A_189 = tpu.memref_slice %arg6[%add3A, %mul3A_38, %dma_wait3A_188] : memref<32x125x16xi32, #tpu.memory_space<hbm>> -> memref<1x25x16xi32, #tpu.memory_space<hbm>>
        %dma_wait3A_190 = tpu.memref_squeeze %dma_wait3A_189 : memref<1x25x16xi32, #tpu.memory_space<hbm>> -> memref<25x16xi32, #tpu.memory_space<hbm>>
        %dma_wait3A_191 = arith.constant 0 : i32
        %dma_wait3A_192 = tpu.memref_slice %arg6[%add3A, %mul3A_38, %dma_wait3A_191] : memref<32x125x16xi32, #tpu.memory_space<hbm>> -> memref<1x25x16xi32, #tpu.memory_space<hbm>>
        %dma_wait3A_193 = tpu.memref_squeeze %dma_wait3A_192 : memref<1x25x16xi32, #tpu.memory_space<hbm>> -> memref<25x16xi32, #tpu.memory_space<hbm>>
        tpu.wait_dma2 semaphore(%run_scoped3A_181 : memref<!tpu.dma_semaphore, #tpu.memory_space<semaphore_mem>>) src(%dma_wait3A_193 : memref<25x16xi32, #tpu.memory_space<hbm>>) dst(%arg11 : memref<25x16xi32, #tpu.memory_space<vmem>>)
        tpu.yield
      }) : () -> ()
      %dma_start3A = arith.constant 0 : i32
      %dma_start3A_39 = arith.constant 0 : i32
      %dma_start3A_40 = tpu.memref_slice %arg9[%dma_start3A, %dma_start3A_39] : memref<25x80xi32, #tpu.memory_space<vmem>> -> memref<1x80xi32, #tpu.memory_space<vmem>>
      %dma_start3A_41 = tpu.memref_squeeze %dma_start3A_40 : memref<1x80xi32, #tpu.memory_space<vmem>> -> memref<80xi32, #tpu.memory_space<vmem>>
      %dma_start3A_42 = arith.constant 0 : i32
      %dma_start3A_43 = arith.constant 0 : i32
      %dma_start3A_44 = tpu.memref_slice %arg2[%dma_start3A_42, %dma_start3A_43] : memref<10000x144xf32, #tpu.memory_space<hbm>> -> memref<10000x144xf32, #tpu.memory_space<hbm>>
      tpu.enqueue_indirect_dma source(%dma_start3A_44 : memref<10000x144xf32, #tpu.memory_space<hbm>>) target(%arg12 : memref<80x144xf32, #tpu.memory_space<vmem>>) offsets(%dma_start3A_41 : memref<80xi32, #tpu.memory_space<vmem>>) semaphore(%arg16 : memref<!tpu.dma_semaphore, #tpu.memory_space<semaphore_mem>>)
      %scan3A_45 = arith.constant 0 : i32
      %scan3A_46 = arith.constant 12 : i32
      %scan3A_47 = arith.addi %scan3A_45, %scan3A_46 : i32
      %scan3A_48 = arith.constant 1 : i32
      scf.for %scan3A_181 = %scan3A_45 to %scan3A_47 step %scan3A_48  : i32 {
        %mul3A_182 = arith.constant 1 : i32
        %mul3A_183 = arith.muli %scan3A_181, %mul3A_182 : i32
        %add3A_184 = arith.constant 0 : i32
        %add3A_185 = arith.addi %add3A_184, %mul3A_183 : i32
        %mul3A_186 = arith.constant 2 : i32
        %mul3A_187 = arith.muli %mul3A_186, %add3A_185 : i32
        %dma_wait3A_188 = arith.constant 0 : i32
        %dma_wait3A_189 = tpu.memref_slice %arg9[%mul3A_187, %dma_wait3A_188] : memref<25x80xi32, #tpu.memory_space<vmem>> -> memref<1x80xi32, #tpu.memory_space<vmem>>
        %dma_wait3A_190 = tpu.memref_squeeze %dma_wait3A_189 : memref<1x80xi32, #tpu.memory_space<vmem>> -> memref<80xi32, #tpu.memory_space<vmem>>
        %dma_wait3A_191 = arith.constant 0 : i32
        %dma_wait3A_192 = arith.constant 0 : i32
        %dma_wait3A_193 = tpu.memref_slice %arg2[%dma_wait3A_191, %dma_wait3A_192] : memref<10000x144xf32, #tpu.memory_space<hbm>> -> memref<10000x144xf32, #tpu.memory_space<hbm>>
        tpu.wait_indirect_dma semaphore(%arg16 : memref<!tpu.dma_semaphore, #tpu.memory_space<semaphore_mem>>) src(%dma_wait3A_193 : memref<10000x144xf32, #tpu.memory_space<hbm>>) dst(%arg12 : memref<80x144xf32, #tpu.memory_space<vmem>>)
        %add3A_194 = arith.constant 1 : i32
        %add3A_195 = arith.addi %mul3A_187, %add3A_194 : i32
        %dma_start3A_196 = arith.constant 0 : i32
        %dma_start3A_197 = tpu.memref_slice %arg9[%add3A_195, %dma_start3A_196] : memref<25x80xi32, #tpu.memory_space<vmem>> -> memref<1x80xi32, #tpu.memory_space<vmem>>
        %dma_start3A_198 = tpu.memref_squeeze %dma_start3A_197 : memref<1x80xi32, #tpu.memory_space<vmem>> -> memref<80xi32, #tpu.memory_space<vmem>>
        %dma_start3A_199 = arith.constant 0 : i32
        %dma_start3A_200 = arith.constant 0 : i32
        %dma_start3A_201 = tpu.memref_slice %arg2[%dma_start3A_199, %dma_start3A_200] : memref<10000x144xf32, #tpu.memory_space<hbm>> -> memref<10000x144xf32, #tpu.memory_space<hbm>>
        tpu.enqueue_indirect_dma source(%dma_start3A_201 : memref<10000x144xf32, #tpu.memory_space<hbm>>) target(%arg13 : memref<80x144xf32, #tpu.memory_space<vmem>>) offsets(%dma_start3A_198 : memref<80xi32, #tpu.memory_space<vmem>>) semaphore(%arg17 : memref<!tpu.dma_semaphore, #tpu.memory_space<semaphore_mem>>)
        %get3A_202 = arith.index_cast %mul3A_187 : i32 to index
        %get3A_203 = arith.constant 0 : index
        %get3A_204 = tpu.vector_load %arg10[%get3A_202, %get3A_203] {strides = array<i32>} : memref<25x64xi32, #tpu.memory_space<vmem>>, vector<16xi32>,
        %add3A_205 = arith.constant 0 : i32
        %add3A_206 = vector.broadcast %add3A_205 : i32 to vector<16xi32>
        %add3A_207 = arith.addi %iota3A, %add3A_206 : vector<16xi32>
        %gather3A_208 = tpu.vector_load_idx %arg12[%add3A_207, %add3A_21] : memref<80x144xf32, #tpu.memory_space<vmem>>[vector<16xi32>, vector<16xi32>], vector<16xf32>,
        %gather3A_209 = tpu.vector_load_idx %arg8[%get3A_204] : memref<10000xf32, #tpu.memory_space<vmem>>[vector<16xi32>], vector<16xf32>,
        %add3A_210 = arith.addf %gather3A_208, %gather3A_209 : vector<16xf32>
        %gt3A_211 = arith.constant 0.000000e+00 : f32
        %gt3A_212 = vector.broadcast %gt3A_211 : f32 to vector<16xf32>
        %gt3A_213 = arith.cmpf ogt, %add3A_210, %gt3A_212 : vector<16xf32>
        %mul3A_214 = arith.constant 2.000000e-01 : f32
        %mul3A_215 = vector.broadcast %mul3A_214 : f32 to vector<16xf32>
        %mul3A_216 = arith.mulf %mul3A_215, %add3A_210 : vector<16xf32>
        %select_n3A_217 = arith.select %gt3A_213, %add3A_210, %mul3A_216 : vector<16xi1>, vector<16xf32>
        %exp3A_218 = math.exp %select_n3A_217 : vector<16xf32>
        %swap3A_219 = arith.constant 0 : index
        %swap3A_220 = tpu.vector_load %arg14[%swap3A_219] {strides = array<i32>} : memref<80xf32, #tpu.memory_space<vmem>>, vector<16xf32>,
        tpu.vector_store %arg14[%swap3A_219], %exp3A_218 {strides = array<i32>} : memref<80xf32, #tpu.memory_space<vmem>>, vector<16xf32>,
        %get3A_221 = arith.index_cast %mul3A_187 : i32 to index
        %get3A_222 = arith.constant 16 : index
        %get3A_223 = tpu.vector_load %arg10[%get3A_221, %get3A_222] {strides = array<i32>} : memref<25x64xi32, #tpu.memory_space<vmem>>, vector<16xi32>,
        %add3A_224 = arith.constant 16 : i32
        %add3A_225 = vector.broadcast %add3A_224 : i32 to vector<16xi32>
        %add3A_226 = arith.addi %iota3A, %add3A_225 : vector<16xi32>
        %gather3A_227 = tpu.vector_load_idx %arg12[%add3A_226, %add3A_21] : memref<80x144xf32, #tpu.memory_space<vmem>>[vector<16xi32>, vector<16xi32>], vector<16xf32>,
        %gather3A_228 = tpu.vector_load_idx %arg8[%get3A_223] : memref<10000xf32, #tpu.memory_space<vmem>>[vector<16xi32>], vector<16xf32>,
        %add3A_229 = arith.addf %gather3A_227, %gather3A_228 : vector<16xf32>
        %gt3A_230 = arith.constant 0.000000e+00 : f32
        %gt3A_231 = vector.broadcast %gt3A_230 : f32 to vector<16xf32>
        %gt3A_232 = arith.cmpf ogt, %add3A_229, %gt3A_231 : vector<16xf32>
        %mul3A_233 = arith.constant 2.000000e-01 : f32
        %mul3A_234 = vector.broadcast %mul3A_233 : f32 to vector<16xf32>
        %mul3A_235 = arith.mulf %mul3A_234, %add3A_229 : vector<16xf32>
        %select_n3A_236 = arith.select %gt3A_232, %add3A_229, %mul3A_235 : vector<16xi1>, vector<16xf32>
        %exp3A_237 = math.exp %select_n3A_236 : vector<16xf32>
        %swap3A_238 = arith.constant 16 : index
        %swap3A_239 = tpu.vector_load %arg14[%swap3A_238] {strides = array<i32>} : memref<80xf32, #tpu.memory_space<vmem>>, vector<16xf32>,
        tpu.vector_store %arg14[%swap3A_238], %exp3A_237 {strides = array<i32>} : memref<80xf32, #tpu.memory_space<vmem>>, vector<16xf32>,
        %get3A_240 = arith.index_cast %mul3A_187 : i32 to index
        %get3A_241 = arith.constant 32 : index
        %get3A_242 = tpu.vector_load %arg10[%get3A_240, %get3A_241] {strides = array<i32>} : memref<25x64xi32, #tpu.memory_space<vmem>>, vector<16xi32>,
        %add3A_243 = arith.constant 32 : i32
        %add3A_244 = vector.broadcast %add3A_243 : i32 to vector<16xi32>
        %add3A_245 = arith.addi %iota3A, %add3A_244 : vector<16xi32>
        %gather3A_246 = tpu.vector_load_idx %arg12[%add3A_245, %add3A_21] : memref<80x144xf32, #tpu.memory_space<vmem>>[vector<16xi32>, vector<16xi32>], vector<16xf32>,
        %gather3A_247 = tpu.vector_load_idx %arg8[%get3A_242] : memref<10000xf32, #tpu.memory_space<vmem>>[vector<16xi32>], vector<16xf32>,
        %add3A_248 = arith.addf %gather3A_246, %gather3A_247 : vector<16xf32>
        %gt3A_249 = arith.constant 0.000000e+00 : f32
        %gt3A_250 = vector.broadcast %gt3A_249 : f32 to vector<16xf32>
        %gt3A_251 = arith.cmpf ogt, %add3A_248, %gt3A_250 : vector<16xf32>
        %mul3A_252 = arith.constant 2.000000e-01 : f32
        %mul3A_253 = vector.broadcast %mul3A_252 : f32 to vector<16xf32>
        %mul3A_254 = arith.mulf %mul3A_253, %add3A_248 : vector<16xf32>
        %select_n3A_255 = arith.select %gt3A_251, %add3A_248, %mul3A_254 : vector<16xi1>, vector<16xf32>
        %exp3A_256 = math.exp %select_n3A_255 : vector<16xf32>
        %swap3A_257 = arith.constant 32 : index
        %swap3A_258 = tpu.vector_load %arg14[%swap3A_257] {strides = array<i32>} : memref<80xf32, #tpu.memory_space<vmem>>, vector<16xf32>,
        tpu.vector_store %arg14[%swap3A_257], %exp3A_256 {strides = array<i32>} : memref<80xf32, #tpu.memory_space<vmem>>, vector<16xf32>,
        %get3A_259 = arith.index_cast %mul3A_187 : i32 to index
        %get3A_260 = arith.constant 48 : index
        %get3A_261 = tpu.vector_load %arg10[%get3A_259, %get3A_260] {strides = array<i32>} : memref<25x64xi32, #tpu.memory_space<vmem>>, vector<16xi32>,
        %add3A_262 = arith.constant 48 : i32
        %add3A_263 = vector.broadcast %add3A_262 : i32 to vector<16xi32>
        %add3A_264 = arith.addi %iota3A, %add3A_263 : vector<16xi32>
        %gather3A_265 = tpu.vector_load_idx %arg12[%add3A_264, %add3A_21] : memref<80x144xf32, #tpu.memory_space<vmem>>[vector<16xi32>, vector<16xi32>], vector<16xf32>,
        %gather3A_266 = tpu.vector_load_idx %arg8[%get3A_261] : memref<10000xf32, #tpu.memory_space<vmem>>[vector<16xi32>], vector<16xf32>,
        %add3A_267 = arith.addf %gather3A_265, %gather3A_266 : vector<16xf32>
        %gt3A_268 = arith.constant 0.000000e+00 : f32
        %gt3A_269 = vector.broadcast %gt3A_268 : f32 to vector<16xf32>
        %gt3A_270 = arith.cmpf ogt, %add3A_267, %gt3A_269 : vector<16xf32>
        %mul3A_271 = arith.constant 2.000000e-01 : f32
        %mul3A_272 = vector.broadcast %mul3A_271 : f32 to vector<16xf32>
        %mul3A_273 = arith.mulf %mul3A_272, %add3A_267 : vector<16xf32>
        %select_n3A_274 = arith.select %gt3A_270, %add3A_267, %mul3A_273 : vector<16xi1>, vector<16xf32>
        %exp3A_275 = math.exp %select_n3A_274 : vector<16xf32>
        %swap3A_276 = arith.constant 48 : index
        %swap3A_277 = tpu.vector_load %arg14[%swap3A_276] {strides = array<i32>} : memref<80xf32, #tpu.memory_space<vmem>>, vector<16xf32>,
        tpu.vector_store %arg14[%swap3A_276], %exp3A_275 {strides = array<i32>} : memref<80xf32, #tpu.memory_space<vmem>>, vector<16xf32>,
        %get3A_278 = arith.index_cast %mul3A_187 : i32 to index
        %get3A_279 = arith.constant 0 : index
        %get3A_280 = tpu.vector_load %arg11[%get3A_278, %get3A_279] {strides = array<i32>} : memref<25x16xi32, #tpu.memory_space<vmem>>, vector<16xi32>,
        %add3A_281 = arith.constant 64 : i32
        %add3A_282 = vector.broadcast %add3A_281 : i32 to vector<16xi32>
        %add3A_283 = arith.addi %iota3A, %add3A_282 : vector<16xi32>
        %gather3A_284 = tpu.vector_load_idx %arg12[%add3A_283, %add3A_21] : memref<80x144xf32, #tpu.memory_space<vmem>>[vector<16xi32>, vector<16xi32>], vector<16xf32>,
        %gather3A_285 = tpu.vector_load_idx %arg8[%get3A_280] : memref<10000xf32, #tpu.memory_space<vmem>>[vector<16xi32>], vector<16xf32>,
        %add3A_286 = arith.addf %gather3A_284, %gather3A_285 : vector<16xf32>
        %gt3A_287 = arith.constant 0.000000e+00 : f32
        %gt3A_288 = vector.broadcast %gt3A_287 : f32 to vector<16xf32>
        %gt3A_289 = arith.cmpf ogt, %add3A_286, %gt3A_288 : vector<16xf32>
        %mul3A_290 = arith.constant 2.000000e-01 : f32
        %mul3A_291 = vector.broadcast %mul3A_290 : f32 to vector<16xf32>
        %mul3A_292 = arith.mulf %mul3A_291, %add3A_286 : vector<16xf32>
        %select_n3A_293 = arith.select %gt3A_289, %add3A_286, %mul3A_292 : vector<16xi1>, vector<16xf32>
        %exp3A_294 = math.exp %select_n3A_293 : vector<16xf32>
        %swap3A_295 = arith.constant 64 : index
        %swap3A_296 = tpu.vector_load %arg14[%swap3A_295] {strides = array<i32>} : memref<80xf32, #tpu.memory_space<vmem>>, vector<16xf32>,
        tpu.vector_store %arg14[%swap3A_295], %exp3A_294 {strides = array<i32>} : memref<80xf32, #tpu.memory_space<vmem>>, vector<16xf32>,
        %scan3A_297 = arith.constant 0 : i32
        %scan3A_298 = arith.constant 32 : i32
        %scan3A_299 = arith.addi %scan3A_297, %scan3A_298 : i32
        %scan3A_300 = arith.constant 1 : i32
        scf.for %scan3A_466 = %scan3A_297 to %scan3A_299 step %scan3A_300  : i32 {
          %mul3A_467 = arith.constant 2 : i32
          %mul3A_468 = arith.muli %scan3A_466, %mul3A_467 : i32
          %add3A_469 = arith.constant 0 : i32
          %add3A_470 = arith.addi %add3A_469, %mul3A_468 : i32
          %add3A_471 = arith.constant 1 : i32
          %add3A_472 = arith.addi %add3A_470, %add3A_471 : i32
          %add3A_473 = vector.broadcast %add3A_470 : i32 to vector<16xi32>
          %add3A_474 = arith.addi %broadcast_in_dim3A_18, %add3A_473 : vector<16xi32>
          %gather3A_475 = tpu.vector_load_idx %arg14[%add3A_474] : memref<80xf32, #tpu.memory_space<vmem>>[vector<16xi32>], vector<16xf32>,
          %get3A_476 = arith.index_cast %add3A_470 : i32 to index
          %get3A_477 = arith.constant 0 : index
          %get3A_478 = tpu.vector_load %arg12[%get3A_476, %get3A_477] {strides = array<i32>} : memref<80x144xf32, #tpu.memory_space<vmem>>, vector<16xf32>,
          %mul3A_479 = arith.mulf %get3A_478, %gather3A_475 : vector<16xf32>
          %get3A_480 = arith.index_cast %add3A_470 : i32 to index
          %get3A_481 = arith.constant 16 : index
          %get3A_482 = tpu.vector_load %arg12[%get3A_480, %get3A_481] {strides = array<i32>} : memref<80x144xf32, #tpu.memory_space<vmem>>, vector<16xf32>,
          %mul3A_483 = arith.mulf %get3A_482, %gather3A_475 : vector<16xf32>
          %get3A_484 = arith.index_cast %add3A_470 : i32 to index
          %get3A_485 = arith.constant 32 : index
          %get3A_486 = tpu.vector_load %arg12[%get3A_484, %get3A_485] {strides = array<i32>} : memref<80x144xf32, #tpu.memory_space<vmem>>, vector<16xf32>,
          %mul3A_487 = arith.mulf %get3A_486, %gather3A_475 : vector<16xf32>
          %get3A_488 = arith.index_cast %add3A_470 : i32 to index
          %get3A_489 = arith.constant 48 : index
          %get3A_490 = tpu.vector_load %arg12[%get3A_488, %get3A_489] {strides = array<i32>} : memref<80x144xf32, #tpu.memory_space<vmem>>, vector<16xf32>,
          %mul3A_491 = arith.mulf %get3A_490, %gather3A_475 : vector<16xf32>
          %get3A_492 = arith.index_cast %add3A_470 : i32 to index
          %get3A_493 = arith.constant 64 : index
          %get3A_494 = tpu.vector_load %arg12[%get3A_492, %get3A_493] {strides = array<i32>} : memref<80x144xf32, #tpu.memory_space<vmem>>, vector<16xf32>,
          %mul3A_495 = arith.mulf %get3A_494, %gather3A_475 : vector<16xf32>
          %get3A_496 = arith.index_cast %add3A_470 : i32 to index
          %get3A_497 = arith.constant 80 : index
          %get3A_498 = tpu.vector_load %arg12[%get3A_496, %get3A_497] {strides = array<i32>} : memref<80x144xf32, #tpu.memory_space<vmem>>, vector<16xf32>,
          %mul3A_499 = arith.mulf %get3A_498, %gather3A_475 : vector<16xf32>
          %get3A_500 = arith.index_cast %add3A_470 : i32 to index
          %get3A_501 = arith.constant 96 : index
          %get3A_502 = tpu.vector_load %arg12[%get3A_500, %get3A_501] {strides = array<i32>} : memref<80x144xf32, #tpu.memory_space<vmem>>, vector<16xf32>,
          %mul3A_503 = arith.mulf %get3A_502, %gather3A_475 : vector<16xf32>
          %get3A_504 = arith.index_cast %add3A_470 : i32 to index
          %get3A_505 = arith.constant 112 : index
          %get3A_506 = tpu.vector_load %arg12[%get3A_504, %get3A_505] {strides = array<i32>} : memref<80x144xf32, #tpu.memory_space<vmem>>, vector<16xf32>,
          %mul3A_507 = arith.mulf %get3A_506, %gather3A_475 : vector<16xf32>
          %swap3A_508 = arith.index_cast %add3A_470 : i32 to index
          %swap3A_509 = arith.constant 0 : index
          %swap3A_510 = tpu.vector_load %arg12[%swap3A_508, %swap3A_509] {strides = array<i32>} : memref<80x144xf32, #tpu.memory_space<vmem>>, vector<16xf32>,
          tpu.vector_store %arg12[%swap3A_508, %swap3A_509], %mul3A_479 {strides = array<i32>} : memref<80x144xf32, #tpu.memory_space<vmem>>, vector<16xf32>,
          %swap3A_511 = arith.index_cast %add3A_470 : i32 to index
          %swap3A_512 = arith.constant 16 : index
          %swap3A_513 = tpu.vector_load %arg12[%swap3A_511, %swap3A_512] {strides = array<i32>} : memref<80x144xf32, #tpu.memory_space<vmem>>, vector<16xf32>,
          tpu.vector_store %arg12[%swap3A_511, %swap3A_512], %mul3A_483 {strides = array<i32>} : memref<80x144xf32, #tpu.memory_space<vmem>>, vector<16xf32>,
          %swap3A_514 = arith.index_cast %add3A_470 : i32 to index
          %swap3A_515 = arith.constant 32 : index
          %swap3A_516 = tpu.vector_load %arg12[%swap3A_514, %swap3A_515] {strides = array<i32>} : memref<80x144xf32, #tpu.memory_space<vmem>>, vector<16xf32>,
          tpu.vector_store %arg12[%swap3A_514, %swap3A_515], %mul3A_487 {strides = array<i32>} : memref<80x144xf32, #tpu.memory_space<vmem>>, vector<16xf32>,
          %swap3A_517 = arith.index_cast %add3A_470 : i32 to index
          %swap3A_518 = arith.constant 48 : index
          %swap3A_519 = tpu.vector_load %arg12[%swap3A_517, %swap3A_518] {strides = array<i32>} : memref<80x144xf32, #tpu.memory_space<vmem>>, vector<16xf32>,
          tpu.vector_store %arg12[%swap3A_517, %swap3A_518], %mul3A_491 {strides = array<i32>} : memref<80x144xf32, #tpu.memory_space<vmem>>, vector<16xf32>,
          %swap3A_520 = arith.index_cast %add3A_470 : i32 to index
          %swap3A_521 = arith.constant 64 : index
          %swap3A_522 = tpu.vector_load %arg12[%swap3A_520, %swap3A_521] {strides = array<i32>} : memref<80x144xf32, #tpu.memory_space<vmem>>, vector<16xf32>,
          tpu.vector_store %arg12[%swap3A_520, %swap3A_521], %mul3A_495 {strides = array<i32>} : memref<80x144xf32, #tpu.memory_space<vmem>>, vector<16xf32>,
          %swap3A_523 = arith.index_cast %add3A_470 : i32 to index
          %swap3A_524 = arith.constant 80 : index
          %swap3A_525 = tpu.vector_load %arg12[%swap3A_523, %swap3A_524] {strides = array<i32>} : memref<80x144xf32, #tpu.memory_space<vmem>>, vector<16xf32>,
          tpu.vector_store %arg12[%swap3A_523, %swap3A_524], %mul3A_499 {strides = array<i32>} : memref<80x144xf32, #tpu.memory_space<vmem>>, vector<16xf32>,
          %swap3A_526 = arith.index_cast %add3A_470 : i32 to index
          %swap3A_527 = arith.constant 96 : index
          %swap3A_528 = tpu.vector_load %arg12[%swap3A_526, %swap3A_527] {strides = array<i32>} : memref<80x144xf32, #tpu.memory_space<vmem>>, vector<16xf32>,
          tpu.vector_store %arg12[%swap3A_526, %swap3A_527], %mul3A_503 {strides = array<i32>} : memref<80x144xf32, #tpu.memory_space<vmem>>, vector<16xf32>,
          %swap3A_529 = arith.index_cast %add3A_470 : i32 to index
          %swap3A_530 = arith.constant 112 : index
          %swap3A_531 = tpu.vector_load %arg12[%swap3A_529, %swap3A_530] {strides = array<i32>} : memref<80x144xf32, #tpu.memory_space<vmem>>, vector<16xf32>,
          tpu.vector_store %arg12[%swap3A_529, %swap3A_530], %mul3A_507 {strides = array<i32>} : memref<80x144xf32, #tpu.memory_space<vmem>>, vector<16xf32>,
          %jit3A = arith.constant 0.000000e+00 : f32
          %broadcast_in_dim3A_532 = vector.broadcast %jit3A : f32 to vector<16xf32>
          %select_n3A_533 = arith.select %eq3A_16, %gather3A_475, %broadcast_in_dim3A_532 : vector<16xi1>, vector<16xf32>
          %swap3A_534 = arith.index_cast %add3A_470 : i32 to index
          %swap3A_535 = arith.constant 128 : index
          %swap3A_536 = tpu.vector_load %arg12[%swap3A_534, %swap3A_535] {strides = array<i32>} : memref<80x144xf32, #tpu.memory_space<vmem>>, vector<16xf32>,
          tpu.vector_store %arg12[%swap3A_534, %swap3A_535], %select_n3A_533 {strides = array<i32>} : memref<80x144xf32, #tpu.memory_space<vmem>>, vector<16xf32>,
          %add3A_537 = vector.broadcast %add3A_472 : i32 to vector<16xi32>
          %add3A_538 = arith.addi %broadcast_in_dim3A_18, %add3A_537 : vector<16xi32>
          %gather3A_539 = tpu.vector_load_idx %arg14[%add3A_538] : memref<80xf32, #tpu.memory_space<vmem>>[vector<16xi32>], vector<16xf32>,
          %get3A_540 = arith.index_cast %add3A_472 : i32 to index
          %get3A_541 = arith.constant 0 : index
          %get3A_542 = tpu.vector_load %arg12[%get3A_540, %get3A_541] {strides = array<i32>} : memref<80x144xf32, #tpu.memory_space<vmem>>, vector<16xf32>,
          %mul3A_543 = arith.mulf %get3A_542, %gather3A_539 : vector<16xf32>
          %get3A_544 = arith.index_cast %add3A_472 : i32 to index
          %get3A_545 = arith.constant 16 : index
          %get3A_546 = tpu.vector_load %arg12[%get3A_544, %get3A_545] {strides = array<i32>} : memref<80x144xf32, #tpu.memory_space<vmem>>, vector<16xf32>,
          %mul3A_547 = arith.mulf %get3A_546, %gather3A_539 : vector<16xf32>
          %get3A_548 = arith.index_cast %add3A_472 : i32 to index
          %get3A_549 = arith.constant 32 : index
          %get3A_550 = tpu.vector_load %arg12[%get3A_548, %get3A_549] {strides = array<i32>} : memref<80x144xf32, #tpu.memory_space<vmem>>, vector<16xf32>,
          %mul3A_551 = arith.mulf %get3A_550, %gather3A_539 : vector<16xf32>
          %get3A_552 = arith.index_cast %add3A_472 : i32 to index
          %get3A_553 = arith.constant 48 : index
          %get3A_554 = tpu.vector_load %arg12[%get3A_552, %get3A_553] {strides = array<i32>} : memref<80x144xf32, #tpu.memory_space<vmem>>, vector<16xf32>,
          %mul3A_555 = arith.mulf %get3A_554, %gather3A_539 : vector<16xf32>
          %get3A_556 = arith.index_cast %add3A_472 : i32 to index
          %get3A_557 = arith.constant 64 : index
          %get3A_558 = tpu.vector_load %arg12[%get3A_556, %get3A_557] {strides = array<i32>} : memref<80x144xf32, #tpu.memory_space<vmem>>, vector<16xf32>,
          %mul3A_559 = arith.mulf %get3A_558, %gather3A_539 : vector<16xf32>
          %get3A_560 = arith.index_cast %add3A_472 : i32 to index
          %get3A_561 = arith.constant 80 : index
          %get3A_562 = tpu.vector_load %arg12[%get3A_560, %get3A_561] {strides = array<i32>} : memref<80x144xf32, #tpu.memory_space<vmem>>, vector<16xf32>,
          %mul3A_563 = arith.mulf %get3A_562, %gather3A_539 : vector<16xf32>
          %get3A_564 = arith.index_cast %add3A_472 : i32 to index
          %get3A_565 = arith.constant 96 : index
          %get3A_566 = tpu.vector_load %arg12[%get3A_564, %get3A_565] {strides = array<i32>} : memref<80x144xf32, #tpu.memory_space<vmem>>, vector<16xf32>,
          %mul3A_567 = arith.mulf %get3A_566, %gather3A_539 : vector<16xf32>
          %get3A_568 = arith.index_cast %add3A_472 : i32 to index
          %get3A_569 = arith.constant 112 : index
          %get3A_570 = tpu.vector_load %arg12[%get3A_568, %get3A_569] {strides = array<i32>} : memref<80x144xf32, #tpu.memory_space<vmem>>, vector<16xf32>,
          %mul3A_571 = arith.mulf %get3A_570, %gather3A_539 : vector<16xf32>
          %swap3A_572 = arith.index_cast %add3A_472 : i32 to index
          %swap3A_573 = arith.constant 0 : index
          %swap3A_574 = tpu.vector_load %arg12[%swap3A_572, %swap3A_573] {strides = array<i32>} : memref<80x144xf32, #tpu.memory_space<vmem>>, vector<16xf32>,
          tpu.vector_store %arg12[%swap3A_572, %swap3A_573], %mul3A_543 {strides = array<i32>} : memref<80x144xf32, #tpu.memory_space<vmem>>, vector<16xf32>,
          %swap3A_575 = arith.index_cast %add3A_472 : i32 to index
          %swap3A_576 = arith.constant 16 : index
          %swap3A_577 = tpu.vector_load %arg12[%swap3A_575, %swap3A_576] {strides = array<i32>} : memref<80x144xf32, #tpu.memory_space<vmem>>, vector<16xf32>,
          tpu.vector_store %arg12[%swap3A_575, %swap3A_576], %mul3A_547 {strides = array<i32>} : memref<80x144xf32, #tpu.memory_space<vmem>>, vector<16xf32>,
          %swap3A_578 = arith.index_cast %add3A_472 : i32 to index
          %swap3A_579 = arith.constant 32 : index
          %swap3A_580 = tpu.vector_load %arg12[%swap3A_578, %swap3A_579] {strides = array<i32>} : memref<80x144xf32, #tpu.memory_space<vmem>>, vector<16xf32>,
          tpu.vector_store %arg12[%swap3A_578, %swap3A_579], %mul3A_551 {strides = array<i32>} : memref<80x144xf32, #tpu.memory_space<vmem>>, vector<16xf32>,
          %swap3A_581 = arith.index_cast %add3A_472 : i32 to index
          %swap3A_582 = arith.constant 48 : index
          %swap3A_583 = tpu.vector_load %arg12[%swap3A_581, %swap3A_582] {strides = array<i32>} : memref<80x144xf32, #tpu.memory_space<vmem>>, vector<16xf32>,
          tpu.vector_store %arg12[%swap3A_581, %swap3A_582], %mul3A_555 {strides = array<i32>} : memref<80x144xf32, #tpu.memory_space<vmem>>, vector<16xf32>,
          %swap3A_584 = arith.index_cast %add3A_472 : i32 to index
          %swap3A_585 = arith.constant 64 : index
          %swap3A_586 = tpu.vector_load %arg12[%swap3A_584, %swap3A_585] {strides = array<i32>} : memref<80x144xf32, #tpu.memory_space<vmem>>, vector<16xf32>,
          tpu.vector_store %arg12[%swap3A_584, %swap3A_585], %mul3A_559 {strides = array<i32>} : memref<80x144xf32, #tpu.memory_space<vmem>>, vector<16xf32>,
          %swap3A_587 = arith.index_cast %add3A_472 : i32 to index
          %swap3A_588 = arith.constant 80 : index
          %swap3A_589 = tpu.vector_load %arg12[%swap3A_587, %swap3A_588] {strides = array<i32>} : memref<80x144xf32, #tpu.memory_space<vmem>>, vector<16xf32>,
          tpu.vector_store %arg12[%swap3A_587, %swap3A_588], %mul3A_563 {strides = array<i32>} : memref<80x144xf32, #tpu.memory_space<vmem>>, vector<16xf32>,
          %swap3A_590 = arith.index_cast %add3A_472 : i32 to index
          %swap3A_591 = arith.constant 96 : index
          %swap3A_592 = tpu.vector_load %arg12[%swap3A_590, %swap3A_591] {strides = array<i32>} : memref<80x144xf32, #tpu.memory_space<vmem>>, vector<16xf32>,
          tpu.vector_store %arg12[%swap3A_590, %swap3A_591], %mul3A_567 {strides = array<i32>} : memref<80x144xf32, #tpu.memory_space<vmem>>, vector<16xf32>,
          %swap3A_593 = arith.index_cast %add3A_472 : i32 to index
          %swap3A_594 = arith.constant 112 : index
          %swap3A_595 = tpu.vector_load %arg12[%swap3A_593, %swap3A_594] {strides = array<i32>} : memref<80x144xf32, #tpu.memory_space<vmem>>, vector<16xf32>,
          tpu.vector_store %arg12[%swap3A_593, %swap3A_594], %mul3A_571 {strides = array<i32>} : memref<80x144xf32, #tpu.memory_space<vmem>>, vector<16xf32>,
          %jit3A_596 = arith.constant 0.000000e+00 : f32
          %broadcast_in_dim3A_597 = vector.broadcast %jit3A_596 : f32 to vector<16xf32>
          %select_n3A_598 = arith.select %eq3A_16, %gather3A_539, %broadcast_in_dim3A_597 : vector<16xi1>, vector<16xf32>
          %swap3A_599 = arith.index_cast %add3A_472 : i32 to index
          %swap3A_600 = arith.constant 128 : index
          %swap3A_601 = tpu.vector_load %arg12[%swap3A_599, %swap3A_600] {strides = array<i32>} : memref<80x144xf32, #tpu.memory_space<vmem>>, vector<16xf32>,
          tpu.vector_store %arg12[%swap3A_599, %swap3A_600], %select_n3A_598 {strides = array<i32>} : memref<80x144xf32, #tpu.memory_space<vmem>>, vector<16xf32>,
        }
        %scan3A_301 = arith.constant 32 : i32
        %dma_start3A_302 = arith.constant 0 : i32
        %dma_start3A_303 = arith.constant 0 : i32
        %dma_start3A_304 = tpu.memref_slice %arg12[%dma_start3A_302, %dma_start3A_303] : memref<80x144xf32, #tpu.memory_space<vmem>> -> memref<64x144xf32, #tpu.memory_space<vmem>>
        %dma_start3A_305 = arith.constant 0 : i32
        %dma_start3A_306 = tpu.memref_slice %arg10[%mul3A_187, %dma_start3A_305] : memref<25x64xi32, #tpu.memory_space<vmem>> -> memref<1x64xi32, #tpu.memory_space<vmem>>
        %dma_start3A_307 = tpu.memref_squeeze %dma_start3A_306 : memref<1x64xi32, #tpu.memory_space<vmem>> -> memref<64xi32, #tpu.memory_space<vmem>>
        %dma_start3A_308 = arith.constant 0 : i32
        %dma_start3A_309 = arith.constant 0 : i32
        %dma_start3A_310 = tpu.memref_slice %arg15[%dma_start3A_308, %dma_start3A_309] : memref<10000x144xf32, #tpu.memory_space<vmem_shared>> -> memref<10000x144xf32, #tpu.memory_space<vmem_shared>>
        tpu.enqueue_indirect_dma source(%dma_start3A_304 : memref<64x144xf32, #tpu.memory_space<vmem>>) target(%dma_start3A_310 : memref<10000x144xf32, #tpu.memory_space<vmem_shared>>) offsets(%dma_start3A_307 : memref<64xi32, #tpu.memory_space<vmem>>) semaphore(%arg18 : memref<!tpu.dma_semaphore, #tpu.memory_space<semaphore_mem>>) {add = true}
        %scan3A_311 = arith.constant 0 : i32
        %scan3A_312 = arith.constant 8 : i32
        %scan3A_313 = arith.addi %scan3A_311, %scan3A_312 : i32
        %scan3A_314 = arith.constant 1 : i32
        scf.for %scan3A_466 = %scan3A_311 to %scan3A_313 step %scan3A_314  : i32 {
          %mul3A_467 = arith.constant 2 : i32
          %mul3A_468 = arith.muli %scan3A_466, %mul3A_467 : i32
          %add3A_469 = arith.constant 64 : i32
          %add3A_470 = arith.addi %add3A_469, %mul3A_468 : i32
          %add3A_471 = arith.constant 1 : i32
          %add3A_472 = arith.addi %add3A_470, %add3A_471 : i32
          %add3A_473 = vector.broadcast %add3A_470 : i32 to vector<16xi32>
          %add3A_474 = arith.addi %broadcast_in_dim3A_18, %add3A_473 : vector<16xi32>
          %gather3A_475 = tpu.vector_load_idx %arg14[%add3A_474] : memref<80xf32, #tpu.memory_space<vmem>>[vector<16xi32>], vector<16xf32>,
          %get3A_476 = arith.index_cast %add3A_470 : i32 to index
          %get3A_477 = arith.constant 0 : index
          %get3A_478 = tpu.vector_load %arg12[%get3A_476, %get3A_477] {strides = array<i32>} : memref<80x144xf32, #tpu.memory_space<vmem>>, vector<16xf32>,
          %mul3A_479 = arith.mulf %get3A_478, %gather3A_475 : vector<16xf32>
          %get3A_480 = arith.index_cast %add3A_470 : i32 to index
          %get3A_481 = arith.constant 16 : index
          %get3A_482 = tpu.vector_load %arg12[%get3A_480, %get3A_481] {strides = array<i32>} : memref<80x144xf32, #tpu.memory_space<vmem>>, vector<16xf32>,
          %mul3A_483 = arith.mulf %get3A_482, %gather3A_475 : vector<16xf32>
          %get3A_484 = arith.index_cast %add3A_470 : i32 to index
          %get3A_485 = arith.constant 32 : index
          %get3A_486 = tpu.vector_load %arg12[%get3A_484, %get3A_485] {strides = array<i32>} : memref<80x144xf32, #tpu.memory_space<vmem>>, vector<16xf32>,
          %mul3A_487 = arith.mulf %get3A_486, %gather3A_475 : vector<16xf32>
          %get3A_488 = arith.index_cast %add3A_470 : i32 to index
          %get3A_489 = arith.constant 48 : index
          %get3A_490 = tpu.vector_load %arg12[%get3A_488, %get3A_489] {strides = array<i32>} : memref<80x144xf32, #tpu.memory_space<vmem>>, vector<16xf32>,
          %mul3A_491 = arith.mulf %get3A_490, %gather3A_475 : vector<16xf32>
          %get3A_492 = arith.index_cast %add3A_470 : i32 to index
          %get3A_493 = arith.constant 64 : index
          %get3A_494 = tpu.vector_load %arg12[%get3A_492, %get3A_493] {strides = array<i32>} : memref<80x144xf32, #tpu.memory_space<vmem>>, vector<16xf32>,
          %mul3A_495 = arith.mulf %get3A_494, %gather3A_475 : vector<16xf32>
          %get3A_496 = arith.index_cast %add3A_470 : i32 to index
          %get3A_497 = arith.constant 80 : index
          %get3A_498 = tpu.vector_load %arg12[%get3A_496, %get3A_497] {strides = array<i32>} : memref<80x144xf32, #tpu.memory_space<vmem>>, vector<16xf32>,
          %mul3A_499 = arith.mulf %get3A_498, %gather3A_475 : vector<16xf32>
          %get3A_500 = arith.index_cast %add3A_470 : i32 to index
          %get3A_501 = arith.constant 96 : index
          %get3A_502 = tpu.vector_load %arg12[%get3A_500, %get3A_501] {strides = array<i32>} : memref<80x144xf32, #tpu.memory_space<vmem>>, vector<16xf32>,
          %mul3A_503 = arith.mulf %get3A_502, %gather3A_475 : vector<16xf32>
          %get3A_504 = arith.index_cast %add3A_470 : i32 to index
          %get3A_505 = arith.constant 112 : index
          %get3A_506 = tpu.vector_load %arg12[%get3A_504, %get3A_505] {strides = array<i32>} : memref<80x144xf32, #tpu.memory_space<vmem>>, vector<16xf32>,
          %mul3A_507 = arith.mulf %get3A_506, %gather3A_475 : vector<16xf32>
          %swap3A_508 = arith.index_cast %add3A_470 : i32 to index
          %swap3A_509 = arith.constant 0 : index
          %swap3A_510 = tpu.vector_load %arg12[%swap3A_508, %swap3A_509] {strides = array<i32>} : memref<80x144xf32, #tpu.memory_space<vmem>>, vector<16xf32>,
          tpu.vector_store %arg12[%swap3A_508, %swap3A_509], %mul3A_479 {strides = array<i32>} : memref<80x144xf32, #tpu.memory_space<vmem>>, vector<16xf32>,
          %swap3A_511 = arith.index_cast %add3A_470 : i32 to index
          %swap3A_512 = arith.constant 16 : index
          %swap3A_513 = tpu.vector_load %arg12[%swap3A_511, %swap3A_512] {strides = array<i32>} : memref<80x144xf32, #tpu.memory_space<vmem>>, vector<16xf32>,
          tpu.vector_store %arg12[%swap3A_511, %swap3A_512], %mul3A_483 {strides = array<i32>} : memref<80x144xf32, #tpu.memory_space<vmem>>, vector<16xf32>,
          %swap3A_514 = arith.index_cast %add3A_470 : i32 to index
          %swap3A_515 = arith.constant 32 : index
          %swap3A_516 = tpu.vector_load %arg12[%swap3A_514, %swap3A_515] {strides = array<i32>} : memref<80x144xf32, #tpu.memory_space<vmem>>, vector<16xf32>,
          tpu.vector_store %arg12[%swap3A_514, %swap3A_515], %mul3A_487 {strides = array<i32>} : memref<80x144xf32, #tpu.memory_space<vmem>>, vector<16xf32>,
          %swap3A_517 = arith.index_cast %add3A_470 : i32 to index
          %swap3A_518 = arith.constant 48 : index
          %swap3A_519 = tpu.vector_load %arg12[%swap3A_517, %swap3A_518] {strides = array<i32>} : memref<80x144xf32, #tpu.memory_space<vmem>>, vector<16xf32>,
          tpu.vector_store %arg12[%swap3A_517, %swap3A_518], %mul3A_491 {strides = array<i32>} : memref<80x144xf32, #tpu.memory_space<vmem>>, vector<16xf32>,
          %swap3A_520 = arith.index_cast %add3A_470 : i32 to index
          %swap3A_521 = arith.constant 64 : index
          %swap3A_522 = tpu.vector_load %arg12[%swap3A_520, %swap3A_521] {strides = array<i32>} : memref<80x144xf32, #tpu.memory_space<vmem>>, vector<16xf32>,
          tpu.vector_store %arg12[%swap3A_520, %swap3A_521], %mul3A_495 {strides = array<i32>} : memref<80x144xf32, #tpu.memory_space<vmem>>, vector<16xf32>,
          %swap3A_523 = arith.index_cast %add3A_470 : i32 to index
          %swap3A_524 = arith.constant 80 : index
          %swap3A_525 = tpu.vector_load %arg12[%swap3A_523, %swap3A_524] {strides = array<i32>} : memref<80x144xf32, #tpu.memory_space<vmem>>, vector<16xf32>,
          tpu.vector_store %arg12[%swap3A_523, %swap3A_524], %mul3A_499 {strides = array<i32>} : memref<80x144xf32, #tpu.memory_space<vmem>>, vector<16xf32>,
          %swap3A_526 = arith.index_cast %add3A_470 : i32 to index
          %swap3A_527 = arith.constant 96 : index
          %swap3A_528 = tpu.vector_load %arg12[%swap3A_526, %swap3A_527] {strides = array<i32>} : memref<80x144xf32, #tpu.memory_space<vmem>>, vector<16xf32>,
          tpu.vector_store %arg12[%swap3A_526, %swap3A_527], %mul3A_503 {strides = array<i32>} : memref<80x144xf32, #tpu.memory_space<vmem>>, vector<16xf32>,
          %swap3A_529 = arith.index_cast %add3A_470 : i32 to index
          %swap3A_530 = arith.constant 112 : index
          %swap3A_531 = tpu.vector_load %arg12[%swap3A_529, %swap3A_530] {strides = array<i32>} : memref<80x144xf32, #tpu.memory_space<vmem>>, vector<16xf32>,
          tpu.vector_store %arg12[%swap3A_529, %swap3A_530], %mul3A_507 {strides = array<i32>} : memref<80x144xf32, #tpu.memory_space<vmem>>, vector<16xf32>,
          %jit3A = arith.constant 0.000000e+00 : f32
          %broadcast_in_dim3A_532 = vector.broadcast %jit3A : f32 to vector<16xf32>
          %select_n3A_533 = arith.select %eq3A_16, %gather3A_475, %broadcast_in_dim3A_532 : vector<16xi1>, vector<16xf32>
          %swap3A_534 = arith.index_cast %add3A_470 : i32 to index
          %swap3A_535 = arith.constant 128 : index
          %swap3A_536 = tpu.vector_load %arg12[%swap3A_534, %swap3A_535] {strides = array<i32>} : memref<80x144xf32, #tpu.memory_space<vmem>>, vector<16xf32>,
          tpu.vector_store %arg12[%swap3A_534, %swap3A_535], %select_n3A_533 {strides = array<i32>} : memref<80x144xf32, #tpu.memory_space<vmem>>, vector<16xf32>,
          %add3A_537 = vector.broadcast %add3A_472 : i32 to vector<16xi32>
          %add3A_538 = arith.addi %broadcast_in_dim3A_18, %add3A_537 : vector<16xi32>
          %gather3A_539 = tpu.vector_load_idx %arg14[%add3A_538] : memref<80xf32, #tpu.memory_space<vmem>>[vector<16xi32>], vector<16xf32>,
          %get3A_540 = arith.index_cast %add3A_472 : i32 to index
          %get3A_541 = arith.constant 0 : index
          %get3A_542 = tpu.vector_load %arg12[%get3A_540, %get3A_541] {strides = array<i32>} : memref<80x144xf32, #tpu.memory_space<vmem>>, vector<16xf32>,
          %mul3A_543 = arith.mulf %get3A_542, %gather3A_539 : vector<16xf32>
          %get3A_544 = arith.index_cast %add3A_472 : i32 to index
          %get3A_545 = arith.constant 16 : index
          %get3A_546 = tpu.vector_load %arg12[%get3A_544, %get3A_545] {strides = array<i32>} : memref<80x144xf32, #tpu.memory_space<vmem>>, vector<16xf32>,
          %mul3A_547 = arith.mulf %get3A_546, %gather3A_539 : vector<16xf32>
          %get3A_548 = arith.index_cast %add3A_472 : i32 to index
          %get3A_549 = arith.constant 32 : index
          %get3A_550 = tpu.vector_load %arg12[%get3A_548, %get3A_549] {strides = array<i32>} : memref<80x144xf32, #tpu.memory_space<vmem>>, vector<16xf32>,
          %mul3A_551 = arith.mulf %get3A_550, %gather3A_539 : vector<16xf32>
          %get3A_552 = arith.index_cast %add3A_472 : i32 to index
          %get3A_553 = arith.constant 48 : index
          %get3A_554 = tpu.vector_load %arg12[%get3A_552, %get3A_553] {strides = array<i32>} : memref<80x144xf32, #tpu.memory_space<vmem>>, vector<16xf32>,
          %mul3A_555 = arith.mulf %get3A_554, %gather3A_539 : vector<16xf32>
          %get3A_556 = arith.index_cast %add3A_472 : i32 to index
          %get3A_557 = arith.constant 64 : index
          %get3A_558 = tpu.vector_load %arg12[%get3A_556, %get3A_557] {strides = array<i32>} : memref<80x144xf32, #tpu.memory_space<vmem>>, vector<16xf32>,
          %mul3A_559 = arith.mulf %get3A_558, %gather3A_539 : vector<16xf32>
          %get3A_560 = arith.index_cast %add3A_472 : i32 to index
          %get3A_561 = arith.constant 80 : index
          %get3A_562 = tpu.vector_load %arg12[%get3A_560, %get3A_561] {strides = array<i32>} : memref<80x144xf32, #tpu.memory_space<vmem>>, vector<16xf32>,
          %mul3A_563 = arith.mulf %get3A_562, %gather3A_539 : vector<16xf32>
          %get3A_564 = arith.index_cast %add3A_472 : i32 to index
          %get3A_565 = arith.constant 96 : index
          %get3A_566 = tpu.vector_load %arg12[%get3A_564, %get3A_565] {strides = array<i32>} : memref<80x144xf32, #tpu.memory_space<vmem>>, vector<16xf32>,
          %mul3A_567 = arith.mulf %get3A_566, %gather3A_539 : vector<16xf32>
          %get3A_568 = arith.index_cast %add3A_472 : i32 to index
          %get3A_569 = arith.constant 112 : index
          %get3A_570 = tpu.vector_load %arg12[%get3A_568, %get3A_569] {strides = array<i32>} : memref<80x144xf32, #tpu.memory_space<vmem>>, vector<16xf32>,
          %mul3A_571 = arith.mulf %get3A_570, %gather3A_539 : vector<16xf32>
          %swap3A_572 = arith.index_cast %add3A_472 : i32 to index
          %swap3A_573 = arith.constant 0 : index
          %swap3A_574 = tpu.vector_load %arg12[%swap3A_572, %swap3A_573] {strides = array<i32>} : memref<80x144xf32, #tpu.memory_space<vmem>>, vector<16xf32>,
          tpu.vector_store %arg12[%swap3A_572, %swap3A_573], %mul3A_543 {strides = array<i32>} : memref<80x144xf32, #tpu.memory_space<vmem>>, vector<16xf32>,
          %swap3A_575 = arith.index_cast %add3A_472 : i32 to index
          %swap3A_576 = arith.constant 16 : index
          %swap3A_577 = tpu.vector_load %arg12[%swap3A_575, %swap3A_576] {strides = array<i32>} : memref<80x144xf32, #tpu.memory_space<vmem>>, vector<16xf32>,
          tpu.vector_store %arg12[%swap3A_575, %swap3A_576], %mul3A_547 {strides = array<i32>} : memref<80x144xf32, #tpu.memory_space<vmem>>, vector<16xf32>,
          %swap3A_578 = arith.index_cast %add3A_472 : i32 to index
          %swap3A_579 = arith.constant 32 : index
          %swap3A_580 = tpu.vector_load %arg12[%swap3A_578, %swap3A_579] {strides = array<i32>} : memref<80x144xf32, #tpu.memory_space<vmem>>, vector<16xf32>,
          tpu.vector_store %arg12[%swap3A_578, %swap3A_579], %mul3A_551 {strides = array<i32>} : memref<80x144xf32, #tpu.memory_space<vmem>>, vector<16xf32>,
          %swap3A_581 = arith.index_cast %add3A_472 : i32 to index
          %swap3A_582 = arith.constant 48 : index
          %swap3A_583 = tpu.vector_load %arg12[%swap3A_581, %swap3A_582] {strides = array<i32>} : memref<80x144xf32, #tpu.memory_space<vmem>>, vector<16xf32>,
          tpu.vector_store %arg12[%swap3A_581, %swap3A_582], %mul3A_555 {strides = array<i32>} : memref<80x144xf32, #tpu.memory_space<vmem>>, vector<16xf32>,
          %swap3A_584 = arith.index_cast %add3A_472 : i32 to index
          %swap3A_585 = arith.constant 64 : index
          %swap3A_586 = tpu.vector_load %arg12[%swap3A_584, %swap3A_585] {strides = array<i32>} : memref<80x144xf32, #tpu.memory_space<vmem>>, vector<16xf32>,
          tpu.vector_store %arg12[%swap3A_584, %swap3A_585], %mul3A_559 {strides = array<i32>} : memref<80x144xf32, #tpu.memory_space<vmem>>, vector<16xf32>,
          %swap3A_587 = arith.index_cast %add3A_472 : i32 to index
          %swap3A_588 = arith.constant 80 : index
          %swap3A_589 = tpu.vector_load %arg12[%swap3A_587, %swap3A_588] {strides = array<i32>} : memref<80x144xf32, #tpu.memory_space<vmem>>, vector<16xf32>,
          tpu.vector_store %arg12[%swap3A_587, %swap3A_588], %mul3A_563 {strides = array<i32>} : memref<80x144xf32, #tpu.memory_space<vmem>>, vector<16xf32>,
          %swap3A_590 = arith.index_cast %add3A_472 : i32 to index
          %swap3A_591 = arith.constant 96 : index
          %swap3A_592 = tpu.vector_load %arg12[%swap3A_590, %swap3A_591] {strides = array<i32>} : memref<80x144xf32, #tpu.memory_space<vmem>>, vector<16xf32>,
          tpu.vector_store %arg12[%swap3A_590, %swap3A_591], %mul3A_567 {strides = array<i32>} : memref<80x144xf32, #tpu.memory_space<vmem>>, vector<16xf32>,
          %swap3A_593 = arith.index_cast %add3A_472 : i32 to index
          %swap3A_594 = arith.constant 112 : index
          %swap3A_595 = tpu.vector_load %arg12[%swap3A_593, %swap3A_594] {strides = array<i32>} : memref<80x144xf32, #tpu.memory_space<vmem>>, vector<16xf32>,
          tpu.vector_store %arg12[%swap3A_593, %swap3A_594], %mul3A_571 {strides = array<i32>} : memref<80x144xf32, #tpu.memory_space<vmem>>, vector<16xf32>,
          %jit3A_596 = arith.constant 0.000000e+00 : f32
          %broadcast_in_dim3A_597 = vector.broadcast %jit3A_596 : f32 to vector<16xf32>
          %select_n3A_598 = arith.select %eq3A_16, %gather3A_539, %broadcast_in_dim3A_597 : vector<16xi1>, vector<16xf32>
          %swap3A_599 = arith.index_cast %add3A_472 : i32 to index
          %swap3A_600 = arith.constant 128 : index
          %swap3A_601 = tpu.vector_load %arg12[%swap3A_599, %swap3A_600] {strides = array<i32>} : memref<80x144xf32, #tpu.memory_space<vmem>>, vector<16xf32>,
          tpu.vector_store %arg12[%swap3A_599, %swap3A_600], %select_n3A_598 {strides = array<i32>} : memref<80x144xf32, #tpu.memory_space<vmem>>, vector<16xf32>,
        }
        %scan3A_315 = arith.constant 8 : i32
        "tpu.region"() ({
          %run_scoped3A_466 = tpu.sem_alloc : memref<!tpu.dma_semaphore, #tpu.memory_space<semaphore_mem>>
          %dma_start3A_467 = arith.constant 64 : i32
          %dma_start3A_468 = arith.constant 0 : i32
          %dma_start3A_469 = tpu.memref_slice %arg12[%dma_start3A_467, %dma_start3A_468] : memref<80x144xf32, #tpu.memory_space<vmem>> -> memref<16x144xf32, #tpu.memory_space<vmem>>
          %dma_start3A_470 = arith.constant 0 : i32
          %dma_start3A_471 = tpu.memref_slice %arg11[%mul3A_187, %dma_start3A_470] : memref<25x16xi32, #tpu.memory_space<vmem>> -> memref<1x16xi32, #tpu.memory_space<vmem>>
          %dma_start3A_472 = tpu.memref_squeeze %dma_start3A_471 : memref<1x16xi32, #tpu.memory_space<vmem>> -> memref<16xi32, #tpu.memory_space<vmem>>
          %dma_start3A_473 = arith.constant 0 : i32
          %dma_start3A_474 = arith.constant 0 : i32
          %dma_start3A_475 = tpu.memref_slice %arg15[%dma_start3A_473, %dma_start3A_474] : memref<10000x144xf32, #tpu.memory_space<vmem_shared>> -> memref<10000x144xf32, #tpu.memory_space<vmem_shared>>
          tpu.enqueue_indirect_dma source(%dma_start3A_469 : memref<16x144xf32, #tpu.memory_space<vmem>>) target(%dma_start3A_475 : memref<10000x144xf32, #tpu.memory_space<vmem_shared>>) offsets(%dma_start3A_472 : memref<16xi32, #tpu.memory_space<vmem>>) semaphore(%run_scoped3A_466 : memref<!tpu.dma_semaphore, #tpu.memory_space<semaphore_mem>>) {add = true}
          %dma_wait3A_476 = arith.constant 64 : i32
          %dma_wait3A_477 = arith.constant 0 : i32
          %dma_wait3A_478 = tpu.memref_slice %arg12[%dma_wait3A_476, %dma_wait3A_477] : memref<80x144xf32, #tpu.memory_space<vmem>> -> memref<16x144xf32, #tpu.memory_space<vmem>>
          %dma_wait3A_479 = arith.constant 0 : i32
          %dma_wait3A_480 = tpu.memref_slice %arg11[%mul3A_187, %dma_wait3A_479] : memref<25x16xi32, #tpu.memory_space<vmem>> -> memref<1x16xi32, #tpu.memory_space<vmem>>
          %dma_wait3A_481 = tpu.memref_squeeze %dma_wait3A_480 : memref<1x16xi32, #tpu.memory_space<vmem>> -> memref<16xi32, #tpu.memory_space<vmem>>
          %dma_wait3A_482 = arith.constant 0 : i32
          %dma_wait3A_483 = arith.constant 0 : i32
          %dma_wait3A_484 = tpu.memref_slice %arg15[%dma_wait3A_482, %dma_wait3A_483] : memref<10000x144xf32, #tpu.memory_space<vmem_shared>> -> memref<10000x144xf32, #tpu.memory_space<vmem_shared>>
          tpu.wait_indirect_dma semaphore(%run_scoped3A_466 : memref<!tpu.dma_semaphore, #tpu.memory_space<semaphore_mem>>) src(%dma_wait3A_478 : memref<16x144xf32, #tpu.memory_space<vmem>>) dst(%dma_wait3A_484 : memref<10000x144xf32, #tpu.memory_space<vmem_shared>>)
          tpu.yield
        }) : () -> ()
        %dma_wait3A_316 = arith.constant 0 : i32
        %dma_wait3A_317 = arith.constant 0 : i32
        %dma_wait3A_318 = tpu.memref_slice %arg12[%dma_wait3A_316, %dma_wait3A_317] : memref<80x144xf32, #tpu.memory_space<vmem>> -> memref<64x144xf32, #tpu.memory_space<vmem>>
        %dma_wait3A_319 = arith.constant 0 : i32
        %dma_wait3A_320 = tpu.memref_slice %arg10[%mul3A_187, %dma_wait3A_319] : memref<25x64xi32, #tpu.memory_space<vmem>> -> memref<1x64xi32, #tpu.memory_space<vmem>>
        %dma_wait3A_321 = tpu.memref_squeeze %dma_wait3A_320 : memref<1x64xi32, #tpu.memory_space<vmem>> -> memref<64xi32, #tpu.memory_space<vmem>>
        %dma_wait3A_322 = arith.constant 0 : i32
        %dma_wait3A_323 = arith.constant 0 : i32
        %dma_wait3A_324 = tpu.memref_slice %arg15[%dma_wait3A_322, %dma_wait3A_323] : memref<10000x144xf32, #tpu.memory_space<vmem_shared>> -> memref<10000x144xf32, #tpu.memory_space<vmem_shared>>
        tpu.wait_indirect_dma semaphore(%arg18 : memref<!tpu.dma_semaphore, #tpu.memory_space<semaphore_mem>>) src(%dma_wait3A_318 : memref<64x144xf32, #tpu.memory_space<vmem>>) dst(%dma_wait3A_324 : memref<10000x144xf32, #tpu.memory_space<vmem_shared>>)
        %add3A_325 = arith.constant 1 : i32
        %add3A_326 = arith.addi %mul3A_187, %add3A_325 : i32
        %dma_wait3A_327 = arith.constant 0 : i32
        %dma_wait3A_328 = tpu.memref_slice %arg9[%add3A_326, %dma_wait3A_327] : memref<25x80xi32, #tpu.memory_space<vmem>> -> memref<1x80xi32, #tpu.memory_space<vmem>>
        %dma_wait3A_329 = tpu.memref_squeeze %dma_wait3A_328 : memref<1x80xi32, #tpu.memory_space<vmem>> -> memref<80xi32, #tpu.memory_space<vmem>>
        %dma_wait3A_330 = arith.constant 0 : i32
        %dma_wait3A_331 = arith.constant 0 : i32
        %dma_wait3A_332 = tpu.memref_slice %arg2[%dma_wait3A_330, %dma_wait3A_331] : memref<10000x144xf32, #tpu.memory_space<hbm>> -> memref<10000x144xf32, #tpu.memory_space<hbm>>
        tpu.wait_indirect_dma semaphore(%arg17 : memref<!tpu.dma_semaphore, #tpu.memory_space<semaphore_mem>>) src(%dma_wait3A_332 : memref<10000x144xf32, #tpu.memory_space<hbm>>) dst(%arg13 : memref<80x144xf32, #tpu.memory_space<vmem>>)
        %add3A_333 = arith.constant 2 : i32
        %add3A_334 = arith.addi %mul3A_187, %add3A_333 : i32
        %dma_start3A_335 = arith.constant 0 : i32
        %dma_start3A_336 = tpu.memref_slice %arg9[%add3A_334, %dma_start3A_335] : memref<25x80xi32, #tpu.memory_space<vmem>> -> memref<1x80xi32, #tpu.memory_space<vmem>>
        %dma_start3A_337 = tpu.memref_squeeze %dma_start3A_336 : memref<1x80xi32, #tpu.memory_space<vmem>> -> memref<80xi32, #tpu.memory_space<vmem>>
        %dma_start3A_338 = arith.constant 0 : i32
        %dma_start3A_339 = arith.constant 0 : i32
        %dma_start3A_340 = tpu.memref_slice %arg2[%dma_start3A_338, %dma_start3A_339] : memref<10000x144xf32, #tpu.memory_space<hbm>> -> memref<10000x144xf32, #tpu.memory_space<hbm>>
        tpu.enqueue_indirect_dma source(%dma_start3A_340 : memref<10000x144xf32, #tpu.memory_space<hbm>>) target(%arg12 : memref<80x144xf32, #tpu.memory_space<vmem>>) offsets(%dma_start3A_337 : memref<80xi32, #tpu.memory_space<vmem>>) semaphore(%arg16 : memref<!tpu.dma_semaphore, #tpu.memory_space<semaphore_mem>>)
        %add3A_341 = arith.constant 1 : i32
        %add3A_342 = arith.addi %mul3A_187, %add3A_341 : i32
        %get3A_343 = arith.index_cast %add3A_342 : i32 to index
        %get3A_344 = arith.constant 0 : index
        %get3A_345 = tpu.vector_load %arg10[%get3A_343, %get3A_344] {strides = array<i32>} : memref<25x64xi32, #tpu.memory_space<vmem>>, vector<16xi32>,
        %add3A_346 = arith.constant 0 : i32
        %add3A_347 = vector.broadcast %add3A_346 : i32 to vector<16xi32>
        %add3A_348 = arith.addi %iota3A, %add3A_347 : vector<16xi32>
        %gather3A_349 = tpu.vector_load_idx %arg13[%add3A_348, %add3A_21] : memref<80x144xf32, #tpu.memory_space<vmem>>[vector<16xi32>, vector<16xi32>], vector<16xf32>,
        %gather3A_350 = tpu.vector_load_idx %arg8[%get3A_345] : memref<10000xf32, #tpu.memory_space<vmem>>[vector<16xi32>], vector<16xf32>,
        %add3A_351 = arith.addf %gather3A_349, %gather3A_350 : vector<16xf32>
        %gt3A_352 = arith.constant 0.000000e+00 : f32
        %gt3A_353 = vector.broadcast %gt3A_352 : f32 to vector<16xf32>
        %gt3A_354 = arith.cmpf ogt, %add3A_351, %gt3A_353 : vector<16xf32>
        %mul3A_355 = arith.constant 2.000000e-01 : f32
        %mul3A_356 = vector.broadcast %mul3A_355 : f32 to vector<16xf32>
        %mul3A_357 = arith.mulf %mul3A_356, %add3A_351 : vector<16xf32>
        %select_n3A_358 = arith.select %gt3A_354, %add3A_351, %mul3A_357 : vector<16xi1>, vector<16xf32>
        %exp3A_359 = math.exp %select_n3A_358 : vector<16xf32>
        %swap3A_360 = arith.constant 0 : index
        %swap3A_361 = tpu.vector_load %arg14[%swap3A_360] {strides = array<i32>} : memref<80xf32, #tpu.memory_space<vmem>>, vector<16xf32>,
        tpu.vector_store %arg14[%swap3A_360], %exp3A_359 {strides = array<i32>} : memref<80xf32, #tpu.memory_space<vmem>>, vector<16xf32>,
        %get3A_362 = arith.index_cast %add3A_342 : i32 to index
        %get3A_363 = arith.constant 16 : index
        %get3A_364 = tpu.vector_load %arg10[%get3A_362, %get3A_363] {strides = array<i32>} : memref<25x64xi32, #tpu.memory_space<vmem>>, vector<16xi32>,
        %add3A_365 = arith.constant 16 : i32
        %add3A_366 = vector.broadcast %add3A_365 : i32 to vector<16xi32>
        %add3A_367 = arith.addi %iota3A, %add3A_366 : vector<16xi32>
        %gather3A_368 = tpu.vector_load_idx %arg13[%add3A_367, %add3A_21] : memref<80x144xf32, #tpu.memory_space<vmem>>[vector<16xi32>, vector<16xi32>], vector<16xf32>,
        %gather3A_369 = tpu.vector_load_idx %arg8[%get3A_364] : memref<10000xf32, #tpu.memory_space<vmem>>[vector<16xi32>], vector<16xf32>,
        %add3A_370 = arith.addf %gather3A_368, %gather3A_369 : vector<16xf32>
        %gt3A_371 = arith.constant 0.000000e+00 : f32
        %gt3A_372 = vector.broadcast %gt3A_371 : f32 to vector<16xf32>
        %gt3A_373 = arith.cmpf ogt, %add3A_370, %gt3A_372 : vector<16xf32>
        %mul3A_374 = arith.constant 2.000000e-01 : f32
        %mul3A_375 = vector.broadcast %mul3A_374 : f32 to vector<16xf32>
        %mul3A_376 = arith.mulf %mul3A_375, %add3A_370 : vector<16xf32>
        %select_n3A_377 = arith.select %gt3A_373, %add3A_370, %mul3A_376 : vector<16xi1>, vector<16xf32>
        %exp3A_378 = math.exp %select_n3A_377 : vector<16xf32>
        %swap3A_379 = arith.constant 16 : index
        %swap3A_380 = tpu.vector_load %arg14[%swap3A_379] {strides = array<i32>} : memref<80xf32, #tpu.memory_space<vmem>>, vector<16xf32>,
        tpu.vector_store %arg14[%swap3A_379], %exp3A_378 {strides = array<i32>} : memref<80xf32, #tpu.memory_space<vmem>>, vector<16xf32>,
        %get3A_381 = arith.index_cast %add3A_342 : i32 to index
        %get3A_382 = arith.constant 32 : index
        %get3A_383 = tpu.vector_load %arg10[%get3A_381, %get3A_382] {strides = array<i32>} : memref<25x64xi32, #tpu.memory_space<vmem>>, vector<16xi32>,
        %add3A_384 = arith.constant 32 : i32
        %add3A_385 = vector.broadcast %add3A_384 : i32 to vector<16xi32>
        %add3A_386 = arith.addi %iota3A, %add3A_385 : vector<16xi32>
        %gather3A_387 = tpu.vector_load_idx %arg13[%add3A_386, %add3A_21] : memref<80x144xf32, #tpu.memory_space<vmem>>[vector<16xi32>, vector<16xi32>], vector<16xf32>,
        %gather3A_388 = tpu.vector_load_idx %arg8[%get3A_383] : memref<10000xf32, #tpu.memory_space<vmem>>[vector<16xi32>], vector<16xf32>,
        %add3A_389 = arith.addf %gather3A_387, %gather3A_388 : vector<16xf32>
        %gt3A_390 = arith.constant 0.000000e+00 : f32
        %gt3A_391 = vector.broadcast %gt3A_390 : f32 to vector<16xf32>
        %gt3A_392 = arith.cmpf ogt, %add3A_389, %gt3A_391 : vector<16xf32>
        %mul3A_393 = arith.constant 2.000000e-01 : f32
        %mul3A_394 = vector.broadcast %mul3A_393 : f32 to vector<16xf32>
        %mul3A_395 = arith.mulf %mul3A_394, %add3A_389 : vector<16xf32>
        %select_n3A_396 = arith.select %gt3A_392, %add3A_389, %mul3A_395 : vector<16xi1>, vector<16xf32>
        %exp3A_397 = math.exp %select_n3A_396 : vector<16xf32>
        %swap3A_398 = arith.constant 32 : index
        %swap3A_399 = tpu.vector_load %arg14[%swap3A_398] {strides = array<i32>} : memref<80xf32, #tpu.memory_space<vmem>>, vector<16xf32>,
        tpu.vector_store %arg14[%swap3A_398], %exp3A_397 {strides = array<i32>} : memref<80xf32, #tpu.memory_space<vmem>>, vector<16xf32>,
        %get3A_400 = arith.index_cast %add3A_342 : i32 to index
        %get3A_401 = arith.constant 48 : index
        %get3A_402 = tpu.vector_load %arg10[%get3A_400, %get3A_401] {strides = array<i32>} : memref<25x64xi32, #tpu.memory_space<vmem>>, vector<16xi32>,
        %add3A_403 = arith.constant 48 : i32
        %add3A_404 = vector.broadcast %add3A_403 : i32 to vector<16xi32>
        %add3A_405 = arith.addi %iota3A, %add3A_404 : vector<16xi32>
        %gather3A_406 = tpu.vector_load_idx %arg13[%add3A_405, %add3A_21] : memref<80x144xf32, #tpu.memory_space<vmem>>[vector<16xi32>, vector<16xi32>], vector<16xf32>,
        %gather3A_407 = tpu.vector_load_idx %arg8[%get3A_402] : memref<10000xf32, #tpu.memory_space<vmem>>[vector<16xi32>], vector<16xf32>,
        %add3A_408 = arith.addf %gather3A_406, %gather3A_407 : vector<16xf32>
        %gt3A_409 = arith.constant 0.000000e+00 : f32
        %gt3A_410 = vector.broadcast %gt3A_409 : f32 to vector<16xf32>
        %gt3A_411 = arith.cmpf ogt, %add3A_408, %gt3A_410 : vector<16xf32>
        %mul3A_412 = arith.constant 2.000000e-01 : f32
        %mul3A_413 = vector.broadcast %mul3A_412 : f32 to vector<16xf32>
        %mul3A_414 = arith.mulf %mul3A_413, %add3A_408 : vector<16xf32>
        %select_n3A_415 = arith.select %gt3A_411, %add3A_408, %mul3A_414 : vector<16xi1>, vector<16xf32>
        %exp3A_416 = math.exp %select_n3A_415 : vector<16xf32>
        %swap3A_417 = arith.constant 48 : index
        %swap3A_418 = tpu.vector_load %arg14[%swap3A_417] {strides = array<i32>} : memref<80xf32, #tpu.memory_space<vmem>>, vector<16xf32>,
        tpu.vector_store %arg14[%swap3A_417], %exp3A_416 {strides = array<i32>} : memref<80xf32, #tpu.memory_space<vmem>>, vector<16xf32>,
        %get3A_419 = arith.index_cast %add3A_342 : i32 to index
        %get3A_420 = arith.constant 0 : index
        %get3A_421 = tpu.vector_load %arg11[%get3A_419, %get3A_420] {strides = array<i32>} : memref<25x16xi32, #tpu.memory_space<vmem>>, vector<16xi32>,
        %add3A_422 = arith.constant 64 : i32
        %add3A_423 = vector.broadcast %add3A_422 : i32 to vector<16xi32>
        %add3A_424 = arith.addi %iota3A, %add3A_423 : vector<16xi32>
        %gather3A_425 = tpu.vector_load_idx %arg13[%add3A_424, %add3A_21] : memref<80x144xf32, #tpu.memory_space<vmem>>[vector<16xi32>, vector<16xi32>], vector<16xf32>,
        %gather3A_426 = tpu.vector_load_idx %arg8[%get3A_421] : memref<10000xf32, #tpu.memory_space<vmem>>[vector<16xi32>], vector<16xf32>,
        %add3A_427 = arith.addf %gather3A_425, %gather3A_426 : vector<16xf32>
        %gt3A_428 = arith.constant 0.000000e+00 : f32
        %gt3A_429 = vector.broadcast %gt3A_428 : f32 to vector<16xf32>
        %gt3A_430 = arith.cmpf ogt, %add3A_427, %gt3A_429 : vector<16xf32>
        %mul3A_431 = arith.constant 2.000000e-01 : f32
        %mul3A_432 = vector.broadcast %mul3A_431 : f32 to vector<16xf32>
        %mul3A_433 = arith.mulf %mul3A_432, %add3A_427 : vector<16xf32>
        %select_n3A_434 = arith.select %gt3A_430, %add3A_427, %mul3A_433 : vector<16xi1>, vector<16xf32>
        %exp3A_435 = math.exp %select_n3A_434 : vector<16xf32>
        %swap3A_436 = arith.constant 64 : index
        %swap3A_437 = tpu.vector_load %arg14[%swap3A_436] {strides = array<i32>} : memref<80xf32, #tpu.memory_space<vmem>>, vector<16xf32>,
        tpu.vector_store %arg14[%swap3A_436], %exp3A_435 {strides = array<i32>} : memref<80xf32, #tpu.memory_space<vmem>>, vector<16xf32>,
        %scan3A_438 = arith.constant 0 : i32
        %scan3A_439 = arith.constant 32 : i32
        %scan3A_440 = arith.addi %scan3A_438, %scan3A_439 : i32
        %scan3A_441 = arith.constant 1 : i32
        scf.for %scan3A_466 = %scan3A_438 to %scan3A_440 step %scan3A_441  : i32 {
          %mul3A_467 = arith.constant 2 : i32
          %mul3A_468 = arith.muli %scan3A_466, %mul3A_467 : i32
          %add3A_469 = arith.constant 0 : i32
          %add3A_470 = arith.addi %add3A_469, %mul3A_468 : i32
          %add3A_471 = arith.constant 1 : i32
          %add3A_472 = arith.addi %add3A_470, %add3A_471 : i32
          %add3A_473 = vector.broadcast %add3A_470 : i32 to vector<16xi32>
          %add3A_474 = arith.addi %broadcast_in_dim3A_18, %add3A_473 : vector<16xi32>
          %gather3A_475 = tpu.vector_load_idx %arg14[%add3A_474] : memref<80xf32, #tpu.memory_space<vmem>>[vector<16xi32>], vector<16xf32>,
          %get3A_476 = arith.index_cast %add3A_470 : i32 to index
          %get3A_477 = arith.constant 0 : index
          %get3A_478 = tpu.vector_load %arg13[%get3A_476, %get3A_477] {strides = array<i32>} : memref<80x144xf32, #tpu.memory_space<vmem>>, vector<16xf32>,
          %mul3A_479 = arith.mulf %get3A_478, %gather3A_475 : vector<16xf32>
          %get3A_480 = arith.index_cast %add3A_470 : i32 to index
          %get3A_481 = arith.constant 16 : index
          %get3A_482 = tpu.vector_load %arg13[%get3A_480, %get3A_481] {strides = array<i32>} : memref<80x144xf32, #tpu.memory_space<vmem>>, vector<16xf32>,
          %mul3A_483 = arith.mulf %get3A_482, %gather3A_475 : vector<16xf32>
          %get3A_484 = arith.index_cast %add3A_470 : i32 to index
          %get3A_485 = arith.constant 32 : index
          %get3A_486 = tpu.vector_load %arg13[%get3A_484, %get3A_485] {strides = array<i32>} : memref<80x144xf32, #tpu.memory_space<vmem>>, vector<16xf32>,
          %mul3A_487 = arith.mulf %get3A_486, %gather3A_475 : vector<16xf32>
          %get3A_488 = arith.index_cast %add3A_470 : i32 to index
          %get3A_489 = arith.constant 48 : index
          %get3A_490 = tpu.vector_load %arg13[%get3A_488, %get3A_489] {strides = array<i32>} : memref<80x144xf32, #tpu.memory_space<vmem>>, vector<16xf32>,
          %mul3A_491 = arith.mulf %get3A_490, %gather3A_475 : vector<16xf32>
          %get3A_492 = arith.index_cast %add3A_470 : i32 to index
          %get3A_493 = arith.constant 64 : index
          %get3A_494 = tpu.vector_load %arg13[%get3A_492, %get3A_493] {strides = array<i32>} : memref<80x144xf32, #tpu.memory_space<vmem>>, vector<16xf32>,
          %mul3A_495 = arith.mulf %get3A_494, %gather3A_475 : vector<16xf32>
          %get3A_496 = arith.index_cast %add3A_470 : i32 to index
          %get3A_497 = arith.constant 80 : index
          %get3A_498 = tpu.vector_load %arg13[%get3A_496, %get3A_497] {strides = array<i32>} : memref<80x144xf32, #tpu.memory_space<vmem>>, vector<16xf32>,
          %mul3A_499 = arith.mulf %get3A_498, %gather3A_475 : vector<16xf32>
          %get3A_500 = arith.index_cast %add3A_470 : i32 to index
          %get3A_501 = arith.constant 96 : index
          %get3A_502 = tpu.vector_load %arg13[%get3A_500, %get3A_501] {strides = array<i32>} : memref<80x144xf32, #tpu.memory_space<vmem>>, vector<16xf32>,
          %mul3A_503 = arith.mulf %get3A_502, %gather3A_475 : vector<16xf32>
          %get3A_504 = arith.index_cast %add3A_470 : i32 to index
          %get3A_505 = arith.constant 112 : index
          %get3A_506 = tpu.vector_load %arg13[%get3A_504, %get3A_505] {strides = array<i32>} : memref<80x144xf32, #tpu.memory_space<vmem>>, vector<16xf32>,
          %mul3A_507 = arith.mulf %get3A_506, %gather3A_475 : vector<16xf32>
          %swap3A_508 = arith.index_cast %add3A_470 : i32 to index
          %swap3A_509 = arith.constant 0 : index
          %swap3A_510 = tpu.vector_load %arg13[%swap3A_508, %swap3A_509] {strides = array<i32>} : memref<80x144xf32, #tpu.memory_space<vmem>>, vector<16xf32>,
          tpu.vector_store %arg13[%swap3A_508, %swap3A_509], %mul3A_479 {strides = array<i32>} : memref<80x144xf32, #tpu.memory_space<vmem>>, vector<16xf32>,
          %swap3A_511 = arith.index_cast %add3A_470 : i32 to index
          %swap3A_512 = arith.constant 16 : index
          %swap3A_513 = tpu.vector_load %arg13[%swap3A_511, %swap3A_512] {strides = array<i32>} : memref<80x144xf32, #tpu.memory_space<vmem>>, vector<16xf32>,
          tpu.vector_store %arg13[%swap3A_511, %swap3A_512], %mul3A_483 {strides = array<i32>} : memref<80x144xf32, #tpu.memory_space<vmem>>, vector<16xf32>,
          %swap3A_514 = arith.index_cast %add3A_470 : i32 to index
          %swap3A_515 = arith.constant 32 : index
          %swap3A_516 = tpu.vector_load %arg13[%swap3A_514, %swap3A_515] {strides = array<i32>} : memref<80x144xf32, #tpu.memory_space<vmem>>, vector<16xf32>,
          tpu.vector_store %arg13[%swap3A_514, %swap3A_515], %mul3A_487 {strides = array<i32>} : memref<80x144xf32, #tpu.memory_space<vmem>>, vector<16xf32>,
          %swap3A_517 = arith.index_cast %add3A_470 : i32 to index
          %swap3A_518 = arith.constant 48 : index
          %swap3A_519 = tpu.vector_load %arg13[%swap3A_517, %swap3A_518] {strides = array<i32>} : memref<80x144xf32, #tpu.memory_space<vmem>>, vector<16xf32>,
          tpu.vector_store %arg13[%swap3A_517, %swap3A_518], %mul3A_491 {strides = array<i32>} : memref<80x144xf32, #tpu.memory_space<vmem>>, vector<16xf32>,
          %swap3A_520 = arith.index_cast %add3A_470 : i32 to index
          %swap3A_521 = arith.constant 64 : index
          %swap3A_522 = tpu.vector_load %arg13[%swap3A_520, %swap3A_521] {strides = array<i32>} : memref<80x144xf32, #tpu.memory_space<vmem>>, vector<16xf32>,
          tpu.vector_store %arg13[%swap3A_520, %swap3A_521], %mul3A_495 {strides = array<i32>} : memref<80x144xf32, #tpu.memory_space<vmem>>, vector<16xf32>,
          %swap3A_523 = arith.index_cast %add3A_470 : i32 to index
          %swap3A_524 = arith.constant 80 : index
          %swap3A_525 = tpu.vector_load %arg13[%swap3A_523, %swap3A_524] {strides = array<i32>} : memref<80x144xf32, #tpu.memory_space<vmem>>, vector<16xf32>,
          tpu.vector_store %arg13[%swap3A_523, %swap3A_524], %mul3A_499 {strides = array<i32>} : memref<80x144xf32, #tpu.memory_space<vmem>>, vector<16xf32>,
          %swap3A_526 = arith.index_cast %add3A_470 : i32 to index
          %swap3A_527 = arith.constant 96 : index
          %swap3A_528 = tpu.vector_load %arg13[%swap3A_526, %swap3A_527] {strides = array<i32>} : memref<80x144xf32, #tpu.memory_space<vmem>>, vector<16xf32>,
          tpu.vector_store %arg13[%swap3A_526, %swap3A_527], %mul3A_503 {strides = array<i32>} : memref<80x144xf32, #tpu.memory_space<vmem>>, vector<16xf32>,
          %swap3A_529 = arith.index_cast %add3A_470 : i32 to index
          %swap3A_530 = arith.constant 112 : index
          %swap3A_531 = tpu.vector_load %arg13[%swap3A_529, %swap3A_530] {strides = array<i32>} : memref<80x144xf32, #tpu.memory_space<vmem>>, vector<16xf32>,
          tpu.vector_store %arg13[%swap3A_529, %swap3A_530], %mul3A_507 {strides = array<i32>} : memref<80x144xf32, #tpu.memory_space<vmem>>, vector<16xf32>,
          %jit3A = arith.constant 0.000000e+00 : f32
          %broadcast_in_dim3A_532 = vector.broadcast %jit3A : f32 to vector<16xf32>
          %select_n3A_533 = arith.select %eq3A_16, %gather3A_475, %broadcast_in_dim3A_532 : vector<16xi1>, vector<16xf32>
          %swap3A_534 = arith.index_cast %add3A_470 : i32 to index
          %swap3A_535 = arith.constant 128 : index
          %swap3A_536 = tpu.vector_load %arg13[%swap3A_534, %swap3A_535] {strides = array<i32>} : memref<80x144xf32, #tpu.memory_space<vmem>>, vector<16xf32>,
          tpu.vector_store %arg13[%swap3A_534, %swap3A_535], %select_n3A_533 {strides = array<i32>} : memref<80x144xf32, #tpu.memory_space<vmem>>, vector<16xf32>,
          %add3A_537 = vector.broadcast %add3A_472 : i32 to vector<16xi32>
          %add3A_538 = arith.addi %broadcast_in_dim3A_18, %add3A_537 : vector<16xi32>
          %gather3A_539 = tpu.vector_load_idx %arg14[%add3A_538] : memref<80xf32, #tpu.memory_space<vmem>>[vector<16xi32>], vector<16xf32>,
          %get3A_540 = arith.index_cast %add3A_472 : i32 to index
          %get3A_541 = arith.constant 0 : index
          %get3A_542 = tpu.vector_load %arg13[%get3A_540, %get3A_541] {strides = array<i32>} : memref<80x144xf32, #tpu.memory_space<vmem>>, vector<16xf32>,
          %mul3A_543 = arith.mulf %get3A_542, %gather3A_539 : vector<16xf32>
          %get3A_544 = arith.index_cast %add3A_472 : i32 to index
          %get3A_545 = arith.constant 16 : index
          %get3A_546 = tpu.vector_load %arg13[%get3A_544, %get3A_545] {strides = array<i32>} : memref<80x144xf32, #tpu.memory_space<vmem>>, vector<16xf32>,
          %mul3A_547 = arith.mulf %get3A_546, %gather3A_539 : vector<16xf32>
          %get3A_548 = arith.index_cast %add3A_472 : i32 to index
          %get3A_549 = arith.constant 32 : index
          %get3A_550 = tpu.vector_load %arg13[%get3A_548, %get3A_549] {strides = array<i32>} : memref<80x144xf32, #tpu.memory_space<vmem>>, vector<16xf32>,
          %mul3A_551 = arith.mulf %get3A_550, %gather3A_539 : vector<16xf32>
          %get3A_552 = arith.index_cast %add3A_472 : i32 to index
          %get3A_553 = arith.constant 48 : index
          %get3A_554 = tpu.vector_load %arg13[%get3A_552, %get3A_553] {strides = array<i32>} : memref<80x144xf32, #tpu.memory_space<vmem>>, vector<16xf32>,
          %mul3A_555 = arith.mulf %get3A_554, %gather3A_539 : vector<16xf32>
          %get3A_556 = arith.index_cast %add3A_472 : i32 to index
          %get3A_557 = arith.constant 64 : index
          %get3A_558 = tpu.vector_load %arg13[%get3A_556, %get3A_557] {strides = array<i32>} : memref<80x144xf32, #tpu.memory_space<vmem>>, vector<16xf32>,
          %mul3A_559 = arith.mulf %get3A_558, %gather3A_539 : vector<16xf32>
          %get3A_560 = arith.index_cast %add3A_472 : i32 to index
          %get3A_561 = arith.constant 80 : index
          %get3A_562 = tpu.vector_load %arg13[%get3A_560, %get3A_561] {strides = array<i32>} : memref<80x144xf32, #tpu.memory_space<vmem>>, vector<16xf32>,
          %mul3A_563 = arith.mulf %get3A_562, %gather3A_539 : vector<16xf32>
          %get3A_564 = arith.index_cast %add3A_472 : i32 to index
          %get3A_565 = arith.constant 96 : index
          %get3A_566 = tpu.vector_load %arg13[%get3A_564, %get3A_565] {strides = array<i32>} : memref<80x144xf32, #tpu.memory_space<vmem>>, vector<16xf32>,
          %mul3A_567 = arith.mulf %get3A_566, %gather3A_539 : vector<16xf32>
          %get3A_568 = arith.index_cast %add3A_472 : i32 to index
          %get3A_569 = arith.constant 112 : index
          %get3A_570 = tpu.vector_load %arg13[%get3A_568, %get3A_569] {strides = array<i32>} : memref<80x144xf32, #tpu.memory_space<vmem>>, vector<16xf32>,
          %mul3A_571 = arith.mulf %get3A_570, %gather3A_539 : vector<16xf32>
          %swap3A_572 = arith.index_cast %add3A_472 : i32 to index
          %swap3A_573 = arith.constant 0 : index
          %swap3A_574 = tpu.vector_load %arg13[%swap3A_572, %swap3A_573] {strides = array<i32>} : memref<80x144xf32, #tpu.memory_space<vmem>>, vector<16xf32>,
          tpu.vector_store %arg13[%swap3A_572, %swap3A_573], %mul3A_543 {strides = array<i32>} : memref<80x144xf32, #tpu.memory_space<vmem>>, vector<16xf32>,
          %swap3A_575 = arith.index_cast %add3A_472 : i32 to index
          %swap3A_576 = arith.constant 16 : index
          %swap3A_577 = tpu.vector_load %arg13[%swap3A_575, %swap3A_576] {strides = array<i32>} : memref<80x144xf32, #tpu.memory_space<vmem>>, vector<16xf32>,
          tpu.vector_store %arg13[%swap3A_575, %swap3A_576], %mul3A_547 {strides = array<i32>} : memref<80x144xf32, #tpu.memory_space<vmem>>, vector<16xf32>,
          %swap3A_578 = arith.index_cast %add3A_472 : i32 to index
          %swap3A_579 = arith.constant 32 : index
          %swap3A_580 = tpu.vector_load %arg13[%swap3A_578, %swap3A_579] {strides = array<i32>} : memref<80x144xf32, #tpu.memory_space<vmem>>, vector<16xf32>,
          tpu.vector_store %arg13[%swap3A_578, %swap3A_579], %mul3A_551 {strides = array<i32>} : memref<80x144xf32, #tpu.memory_space<vmem>>, vector<16xf32>,
          %swap3A_581 = arith.index_cast %add3A_472 : i32 to index
          %swap3A_582 = arith.constant 48 : index
          %swap3A_583 = tpu.vector_load %arg13[%swap3A_581, %swap3A_582] {strides = array<i32>} : memref<80x144xf32, #tpu.memory_space<vmem>>, vector<16xf32>,
          tpu.vector_store %arg13[%swap3A_581, %swap3A_582], %mul3A_555 {strides = array<i32>} : memref<80x144xf32, #tpu.memory_space<vmem>>, vector<16xf32>,
          %swap3A_584 = arith.index_cast %add3A_472 : i32 to index
          %swap3A_585 = arith.constant 64 : index
          %swap3A_586 = tpu.vector_load %arg13[%swap3A_584, %swap3A_585] {strides = array<i32>} : memref<80x144xf32, #tpu.memory_space<vmem>>, vector<16xf32>,
          tpu.vector_store %arg13[%swap3A_584, %swap3A_585], %mul3A_559 {strides = array<i32>} : memref<80x144xf32, #tpu.memory_space<vmem>>, vector<16xf32>,
          %swap3A_587 = arith.index_cast %add3A_472 : i32 to index
          %swap3A_588 = arith.constant 80 : index
          %swap3A_589 = tpu.vector_load %arg13[%swap3A_587, %swap3A_588] {strides = array<i32>} : memref<80x144xf32, #tpu.memory_space<vmem>>, vector<16xf32>,
          tpu.vector_store %arg13[%swap3A_587, %swap3A_588], %mul3A_563 {strides = array<i32>} : memref<80x144xf32, #tpu.memory_space<vmem>>, vector<16xf32>,
          %swap3A_590 = arith.index_cast %add3A_472 : i32 to index
          %swap3A_591 = arith.constant 96 : index
          %swap3A_592 = tpu.vector_load %arg13[%swap3A_590, %swap3A_591] {strides = array<i32>} : memref<80x144xf32, #tpu.memory_space<vmem>>, vector<16xf32>,
          tpu.vector_store %arg13[%swap3A_590, %swap3A_591], %mul3A_567 {strides = array<i32>} : memref<80x144xf32, #tpu.memory_space<vmem>>, vector<16xf32>,
          %swap3A_593 = arith.index_cast %add3A_472 : i32 to index
          %swap3A_594 = arith.constant 112 : index
          %swap3A_595 = tpu.vector_load %arg13[%swap3A_593, %swap3A_594] {strides = array<i32>} : memref<80x144xf32, #tpu.memory_space<vmem>>, vector<16xf32>,
          tpu.vector_store %arg13[%swap3A_593, %swap3A_594], %mul3A_571 {strides = array<i32>} : memref<80x144xf32, #tpu.memory_space<vmem>>, vector<16xf32>,
          %jit3A_596 = arith.constant 0.000000e+00 : f32
          %broadcast_in_dim3A_597 = vector.broadcast %jit3A_596 : f32 to vector<16xf32>
          %select_n3A_598 = arith.select %eq3A_16, %gather3A_539, %broadcast_in_dim3A_597 : vector<16xi1>, vector<16xf32>
          %swap3A_599 = arith.index_cast %add3A_472 : i32 to index
          %swap3A_600 = arith.constant 128 : index
          %swap3A_601 = tpu.vector_load %arg13[%swap3A_599, %swap3A_600] {strides = array<i32>} : memref<80x144xf32, #tpu.memory_space<vmem>>, vector<16xf32>,
          tpu.vector_store %arg13[%swap3A_599, %swap3A_600], %select_n3A_598 {strides = array<i32>} : memref<80x144xf32, #tpu.memory_space<vmem>>, vector<16xf32>,
        }
        %scan3A_442 = arith.constant 32 : i32
        %dma_start3A_443 = arith.constant 0 : i32
        %dma_start3A_444 = arith.constant 0 : i32
        %dma_start3A_445 = tpu.memref_slice %arg13[%dma_start3A_443, %dma_start3A_444] : memref<80x144xf32, #tpu.memory_space<vmem>> -> memref<64x144xf32, #tpu.memory_space<vmem>>
        %dma_start3A_446 = arith.constant 0 : i32
        %dma_start3A_447 = tpu.memref_slice %arg10[%add3A_342, %dma_start3A_446] : memref<25x64xi32, #tpu.memory_space<vmem>> -> memref<1x64xi32, #tpu.memory_space<vmem>>
        %dma_start3A_448 = tpu.memref_squeeze %dma_start3A_447 : memref<1x64xi32, #tpu.memory_space<vmem>> -> memref<64xi32, #tpu.memory_space<vmem>>
        %dma_start3A_449 = arith.constant 0 : i32
        %dma_start3A_450 = arith.constant 0 : i32
        %dma_start3A_451 = tpu.memref_slice %arg15[%dma_start3A_449, %dma_start3A_450] : memref<10000x144xf32, #tpu.memory_space<vmem_shared>> -> memref<10000x144xf32, #tpu.memory_space<vmem_shared>>
        tpu.enqueue_indirect_dma source(%dma_start3A_445 : memref<64x144xf32, #tpu.memory_space<vmem>>) target(%dma_start3A_451 : memref<10000x144xf32, #tpu.memory_space<vmem_shared>>) offsets(%dma_start3A_448 : memref<64xi32, #tpu.memory_space<vmem>>) semaphore(%arg18 : memref<!tpu.dma_semaphore, #tpu.memory_space<semaphore_mem>>) {add = true}
        %scan3A_452 = arith.constant 0 : i32
        %scan3A_453 = arith.constant 8 : i32
        %scan3A_454 = arith.addi %scan3A_452, %scan3A_453 : i32
        %scan3A_455 = arith.constant 1 : i32
        scf.for %scan3A_466 = %scan3A_452 to %scan3A_454 step %scan3A_455  : i32 {
          %mul3A_467 = arith.constant 2 : i32
          %mul3A_468 = arith.muli %scan3A_466, %mul3A_467 : i32
          %add3A_469 = arith.constant 64 : i32
          %add3A_470 = arith.addi %add3A_469, %mul3A_468 : i32
          %add3A_471 = arith.constant 1 : i32
          %add3A_472 = arith.addi %add3A_470, %add3A_471 : i32
          %add3A_473 = vector.broadcast %add3A_470 : i32 to vector<16xi32>
          %add3A_474 = arith.addi %broadcast_in_dim3A_18, %add3A_473 : vector<16xi32>
          %gather3A_475 = tpu.vector_load_idx %arg14[%add3A_474] : memref<80xf32, #tpu.memory_space<vmem>>[vector<16xi32>], vector<16xf32>,
          %get3A_476 = arith.index_cast %add3A_470 : i32 to index
          %get3A_477 = arith.constant 0 : index
          %get3A_478 = tpu.vector_load %arg13[%get3A_476, %get3A_477] {strides = array<i32>} : memref<80x144xf32, #tpu.memory_space<vmem>>, vector<16xf32>,
          %mul3A_479 = arith.mulf %get3A_478, %gather3A_475 : vector<16xf32>
          %get3A_480 = arith.index_cast %add3A_470 : i32 to index
          %get3A_481 = arith.constant 16 : index
          %get3A_482 = tpu.vector_load %arg13[%get3A_480, %get3A_481] {strides = array<i32>} : memref<80x144xf32, #tpu.memory_space<vmem>>, vector<16xf32>,
          %mul3A_483 = arith.mulf %get3A_482, %gather3A_475 : vector<16xf32>
          %get3A_484 = arith.index_cast %add3A_470 : i32 to index
          %get3A_485 = arith.constant 32 : index
          %get3A_486 = tpu.vector_load %arg13[%get3A_484, %get3A_485] {strides = array<i32>} : memref<80x144xf32, #tpu.memory_space<vmem>>, vector<16xf32>,
          %mul3A_487 = arith.mulf %get3A_486, %gather3A_475 : vector<16xf32>
          %get3A_488 = arith.index_cast %add3A_470 : i32 to index
          %get3A_489 = arith.constant 48 : index
          %get3A_490 = tpu.vector_load %arg13[%get3A_488, %get3A_489] {strides = array<i32>} : memref<80x144xf32, #tpu.memory_space<vmem>>, vector<16xf32>,
          %mul3A_491 = arith.mulf %get3A_490, %gather3A_475 : vector<16xf32>
          %get3A_492 = arith.index_cast %add3A_470 : i32 to index
          %get3A_493 = arith.constant 64 : index
          %get3A_494 = tpu.vector_load %arg13[%get3A_492, %get3A_493] {strides = array<i32>} : memref<80x144xf32, #tpu.memory_space<vmem>>, vector<16xf32>,
          %mul3A_495 = arith.mulf %get3A_494, %gather3A_475 : vector<16xf32>
          %get3A_496 = arith.index_cast %add3A_470 : i32 to index
          %get3A_497 = arith.constant 80 : index
          %get3A_498 = tpu.vector_load %arg13[%get3A_496, %get3A_497] {strides = array<i32>} : memref<80x144xf32, #tpu.memory_space<vmem>>, vector<16xf32>,
          %mul3A_499 = arith.mulf %get3A_498, %gather3A_475 : vector<16xf32>
          %get3A_500 = arith.index_cast %add3A_470 : i32 to index
          %get3A_501 = arith.constant 96 : index
          %get3A_502 = tpu.vector_load %arg13[%get3A_500, %get3A_501] {strides = array<i32>} : memref<80x144xf32, #tpu.memory_space<vmem>>, vector<16xf32>,
          %mul3A_503 = arith.mulf %get3A_502, %gather3A_475 : vector<16xf32>
          %get3A_504 = arith.index_cast %add3A_470 : i32 to index
          %get3A_505 = arith.constant 112 : index
          %get3A_506 = tpu.vector_load %arg13[%get3A_504, %get3A_505] {strides = array<i32>} : memref<80x144xf32, #tpu.memory_space<vmem>>, vector<16xf32>,
          %mul3A_507 = arith.mulf %get3A_506, %gather3A_475 : vector<16xf32>
          %swap3A_508 = arith.index_cast %add3A_470 : i32 to index
          %swap3A_509 = arith.constant 0 : index
          %swap3A_510 = tpu.vector_load %arg13[%swap3A_508, %swap3A_509] {strides = array<i32>} : memref<80x144xf32, #tpu.memory_space<vmem>>, vector<16xf32>,
          tpu.vector_store %arg13[%swap3A_508, %swap3A_509], %mul3A_479 {strides = array<i32>} : memref<80x144xf32, #tpu.memory_space<vmem>>, vector<16xf32>,
          %swap3A_511 = arith.index_cast %add3A_470 : i32 to index
          %swap3A_512 = arith.constant 16 : index
          %swap3A_513 = tpu.vector_load %arg13[%swap3A_511, %swap3A_512] {strides = array<i32>} : memref<80x144xf32, #tpu.memory_space<vmem>>, vector<16xf32>,
          tpu.vector_store %arg13[%swap3A_511, %swap3A_512], %mul3A_483 {strides = array<i32>} : memref<80x144xf32, #tpu.memory_space<vmem>>, vector<16xf32>,
          %swap3A_514 = arith.index_cast %add3A_470 : i32 to index
          %swap3A_515 = arith.constant 32 : index
          %swap3A_516 = tpu.vector_load %arg13[%swap3A_514, %swap3A_515] {strides = array<i32>} : memref<80x144xf32, #tpu.memory_space<vmem>>, vector<16xf32>,
          tpu.vector_store %arg13[%swap3A_514, %swap3A_515], %mul3A_487 {strides = array<i32>} : memref<80x144xf32, #tpu.memory_space<vmem>>, vector<16xf32>,
          %swap3A_517 = arith.index_cast %add3A_470 : i32 to index
          %swap3A_518 = arith.constant 48 : index
          %swap3A_519 = tpu.vector_load %arg13[%swap3A_517, %swap3A_518] {strides = array<i32>} : memref<80x144xf32, #tpu.memory_space<vmem>>, vector<16xf32>,
          tpu.vector_store %arg13[%swap3A_517, %swap3A_518], %mul3A_491 {strides = array<i32>} : memref<80x144xf32, #tpu.memory_space<vmem>>, vector<16xf32>,
          %swap3A_520 = arith.index_cast %add3A_470 : i32 to index
          %swap3A_521 = arith.constant 64 : index
          %swap3A_522 = tpu.vector_load %arg13[%swap3A_520, %swap3A_521] {strides = array<i32>} : memref<80x144xf32, #tpu.memory_space<vmem>>, vector<16xf32>,
          tpu.vector_store %arg13[%swap3A_520, %swap3A_521], %mul3A_495 {strides = array<i32>} : memref<80x144xf32, #tpu.memory_space<vmem>>, vector<16xf32>,
          %swap3A_523 = arith.index_cast %add3A_470 : i32 to index
          %swap3A_524 = arith.constant 80 : index
          %swap3A_525 = tpu.vector_load %arg13[%swap3A_523, %swap3A_524] {strides = array<i32>} : memref<80x144xf32, #tpu.memory_space<vmem>>, vector<16xf32>,
          tpu.vector_store %arg13[%swap3A_523, %swap3A_524], %mul3A_499 {strides = array<i32>} : memref<80x144xf32, #tpu.memory_space<vmem>>, vector<16xf32>,
          %swap3A_526 = arith.index_cast %add3A_470 : i32 to index
          %swap3A_527 = arith.constant 96 : index
          %swap3A_528 = tpu.vector_load %arg13[%swap3A_526, %swap3A_527] {strides = array<i32>} : memref<80x144xf32, #tpu.memory_space<vmem>>, vector<16xf32>,
          tpu.vector_store %arg13[%swap3A_526, %swap3A_527], %mul3A_503 {strides = array<i32>} : memref<80x144xf32, #tpu.memory_space<vmem>>, vector<16xf32>,
          %swap3A_529 = arith.index_cast %add3A_470 : i32 to index
          %swap3A_530 = arith.constant 112 : index
          %swap3A_531 = tpu.vector_load %arg13[%swap3A_529, %swap3A_530] {strides = array<i32>} : memref<80x144xf32, #tpu.memory_space<vmem>>, vector<16xf32>,
          tpu.vector_store %arg13[%swap3A_529, %swap3A_530], %mul3A_507 {strides = array<i32>} : memref<80x144xf32, #tpu.memory_space<vmem>>, vector<16xf32>,
          %jit3A = arith.constant 0.000000e+00 : f32
          %broadcast_in_dim3A_532 = vector.broadcast %jit3A : f32 to vector<16xf32>
          %select_n3A_533 = arith.select %eq3A_16, %gather3A_475, %broadcast_in_dim3A_532 : vector<16xi1>, vector<16xf32>
          %swap3A_534 = arith.index_cast %add3A_470 : i32 to index
          %swap3A_535 = arith.constant 128 : index
          %swap3A_536 = tpu.vector_load %arg13[%swap3A_534, %swap3A_535] {strides = array<i32>} : memref<80x144xf32, #tpu.memory_space<vmem>>, vector<16xf32>,
          tpu.vector_store %arg13[%swap3A_534, %swap3A_535], %select_n3A_533 {strides = array<i32>} : memref<80x144xf32, #tpu.memory_space<vmem>>, vector<16xf32>,
          %add3A_537 = vector.broadcast %add3A_472 : i32 to vector<16xi32>
          %add3A_538 = arith.addi %broadcast_in_dim3A_18, %add3A_537 : vector<16xi32>
          %gather3A_539 = tpu.vector_load_idx %arg14[%add3A_538] : memref<80xf32, #tpu.memory_space<vmem>>[vector<16xi32>], vector<16xf32>,
          %get3A_540 = arith.index_cast %add3A_472 : i32 to index
          %get3A_541 = arith.constant 0 : index
          %get3A_542 = tpu.vector_load %arg13[%get3A_540, %get3A_541] {strides = array<i32>} : memref<80x144xf32, #tpu.memory_space<vmem>>, vector<16xf32>,
          %mul3A_543 = arith.mulf %get3A_542, %gather3A_539 : vector<16xf32>
          %get3A_544 = arith.index_cast %add3A_472 : i32 to index
          %get3A_545 = arith.constant 16 : index
          %get3A_546 = tpu.vector_load %arg13[%get3A_544, %get3A_545] {strides = array<i32>} : memref<80x144xf32, #tpu.memory_space<vmem>>, vector<16xf32>,
          %mul3A_547 = arith.mulf %get3A_546, %gather3A_539 : vector<16xf32>
          %get3A_548 = arith.index_cast %add3A_472 : i32 to index
          %get3A_549 = arith.constant 32 : index
          %get3A_550 = tpu.vector_load %arg13[%get3A_548, %get3A_549] {strides = array<i32>} : memref<80x144xf32, #tpu.memory_space<vmem>>, vector<16xf32>,
          %mul3A_551 = arith.mulf %get3A_550, %gather3A_539 : vector<16xf32>
          %get3A_552 = arith.index_cast %add3A_472 : i32 to index
          %get3A_553 = arith.constant 48 : index
          %get3A_554 = tpu.vector_load %arg13[%get3A_552, %get3A_553] {strides = array<i32>} : memref<80x144xf32, #tpu.memory_space<vmem>>, vector<16xf32>,
          %mul3A_555 = arith.mulf %get3A_554, %gather3A_539 : vector<16xf32>
          %get3A_556 = arith.index_cast %add3A_472 : i32 to index
          %get3A_557 = arith.constant 64 : index
          %get3A_558 = tpu.vector_load %arg13[%get3A_556, %get3A_557] {strides = array<i32>} : memref<80x144xf32, #tpu.memory_space<vmem>>, vector<16xf32>,
          %mul3A_559 = arith.mulf %get3A_558, %gather3A_539 : vector<16xf32>
          %get3A_560 = arith.index_cast %add3A_472 : i32 to index
          %get3A_561 = arith.constant 80 : index
          %get3A_562 = tpu.vector_load %arg13[%get3A_560, %get3A_561] {strides = array<i32>} : memref<80x144xf32, #tpu.memory_space<vmem>>, vector<16xf32>,
          %mul3A_563 = arith.mulf %get3A_562, %gather3A_539 : vector<16xf32>
          %get3A_564 = arith.index_cast %add3A_472 : i32 to index
          %get3A_565 = arith.constant 96 : index
          %get3A_566 = tpu.vector_load %arg13[%get3A_564, %get3A_565] {strides = array<i32>} : memref<80x144xf32, #tpu.memory_space<vmem>>, vector<16xf32>,
          %mul3A_567 = arith.mulf %get3A_566, %gather3A_539 : vector<16xf32>
          %get3A_568 = arith.index_cast %add3A_472 : i32 to index
          %get3A_569 = arith.constant 112 : index
          %get3A_570 = tpu.vector_load %arg13[%get3A_568, %get3A_569] {strides = array<i32>} : memref<80x144xf32, #tpu.memory_space<vmem>>, vector<16xf32>,
          %mul3A_571 = arith.mulf %get3A_570, %gather3A_539 : vector<16xf32>
          %swap3A_572 = arith.index_cast %add3A_472 : i32 to index
          %swap3A_573 = arith.constant 0 : index
          %swap3A_574 = tpu.vector_load %arg13[%swap3A_572, %swap3A_573] {strides = array<i32>} : memref<80x144xf32, #tpu.memory_space<vmem>>, vector<16xf32>,
          tpu.vector_store %arg13[%swap3A_572, %swap3A_573], %mul3A_543 {strides = array<i32>} : memref<80x144xf32, #tpu.memory_space<vmem>>, vector<16xf32>,
          %swap3A_575 = arith.index_cast %add3A_472 : i32 to index
          %swap3A_576 = arith.constant 16 : index
          %swap3A_577 = tpu.vector_load %arg13[%swap3A_575, %swap3A_576] {strides = array<i32>} : memref<80x144xf32, #tpu.memory_space<vmem>>, vector<16xf32>,
          tpu.vector_store %arg13[%swap3A_575, %swap3A_576], %mul3A_547 {strides = array<i32>} : memref<80x144xf32, #tpu.memory_space<vmem>>, vector<16xf32>,
          %swap3A_578 = arith.index_cast %add3A_472 : i32 to index
          %swap3A_579 = arith.constant 32 : index
          %swap3A_580 = tpu.vector_load %arg13[%swap3A_578, %swap3A_579] {strides = array<i32>} : memref<80x144xf32, #tpu.memory_space<vmem>>, vector<16xf32>,
          tpu.vector_store %arg13[%swap3A_578, %swap3A_579], %mul3A_551 {strides = array<i32>} : memref<80x144xf32, #tpu.memory_space<vmem>>, vector<16xf32>,
          %swap3A_581 = arith.index_cast %add3A_472 : i32 to index
          %swap3A_582 = arith.constant 48 : index
          %swap3A_583 = tpu.vector_load %arg13[%swap3A_581, %swap3A_582] {strides = array<i32>} : memref<80x144xf32, #tpu.memory_space<vmem>>, vector<16xf32>,
          tpu.vector_store %arg13[%swap3A_581, %swap3A_582], %mul3A_555 {strides = array<i32>} : memref<80x144xf32, #tpu.memory_space<vmem>>, vector<16xf32>,
          %swap3A_584 = arith.index_cast %add3A_472 : i32 to index
          %swap3A_585 = arith.constant 64 : index
          %swap3A_586 = tpu.vector_load %arg13[%swap3A_584, %swap3A_585] {strides = array<i32>} : memref<80x144xf32, #tpu.memory_space<vmem>>, vector<16xf32>,
          tpu.vector_store %arg13[%swap3A_584, %swap3A_585], %mul3A_559 {strides = array<i32>} : memref<80x144xf32, #tpu.memory_space<vmem>>, vector<16xf32>,
          %swap3A_587 = arith.index_cast %add3A_472 : i32 to index
          %swap3A_588 = arith.constant 80 : index
          %swap3A_589 = tpu.vector_load %arg13[%swap3A_587, %swap3A_588] {strides = array<i32>} : memref<80x144xf32, #tpu.memory_space<vmem>>, vector<16xf32>,
          tpu.vector_store %arg13[%swap3A_587, %swap3A_588], %mul3A_563 {strides = array<i32>} : memref<80x144xf32, #tpu.memory_space<vmem>>, vector<16xf32>,
          %swap3A_590 = arith.index_cast %add3A_472 : i32 to index
          %swap3A_591 = arith.constant 96 : index
          %swap3A_592 = tpu.vector_load %arg13[%swap3A_590, %swap3A_591] {strides = array<i32>} : memref<80x144xf32, #tpu.memory_space<vmem>>, vector<16xf32>,
          tpu.vector_store %arg13[%swap3A_590, %swap3A_591], %mul3A_567 {strides = array<i32>} : memref<80x144xf32, #tpu.memory_space<vmem>>, vector<16xf32>,
          %swap3A_593 = arith.index_cast %add3A_472 : i32 to index
          %swap3A_594 = arith.constant 112 : index
          %swap3A_595 = tpu.vector_load %arg13[%swap3A_593, %swap3A_594] {strides = array<i32>} : memref<80x144xf32, #tpu.memory_space<vmem>>, vector<16xf32>,
          tpu.vector_store %arg13[%swap3A_593, %swap3A_594], %mul3A_571 {strides = array<i32>} : memref<80x144xf32, #tpu.memory_space<vmem>>, vector<16xf32>,
          %jit3A_596 = arith.constant 0.000000e+00 : f32
          %broadcast_in_dim3A_597 = vector.broadcast %jit3A_596 : f32 to vector<16xf32>
          %select_n3A_598 = arith.select %eq3A_16, %gather3A_539, %broadcast_in_dim3A_597 : vector<16xi1>, vector<16xf32>
          %swap3A_599 = arith.index_cast %add3A_472 : i32 to index
          %swap3A_600 = arith.constant 128 : index
          %swap3A_601 = tpu.vector_load %arg13[%swap3A_599, %swap3A_600] {strides = array<i32>} : memref<80x144xf32, #tpu.memory_space<vmem>>, vector<16xf32>,
          tpu.vector_store %arg13[%swap3A_599, %swap3A_600], %select_n3A_598 {strides = array<i32>} : memref<80x144xf32, #tpu.memory_space<vmem>>, vector<16xf32>,
        }
        %scan3A_456 = arith.constant 8 : i32
        "tpu.region"() ({
          %run_scoped3A_466 = tpu.sem_alloc : memref<!tpu.dma_semaphore, #tpu.memory_space<semaphore_mem>>
          %dma_start3A_467 = arith.constant 64 : i32
          %dma_start3A_468 = arith.constant 0 : i32
          %dma_start3A_469 = tpu.memref_slice %arg13[%dma_start3A_467, %dma_start3A_468] : memref<80x144xf32, #tpu.memory_space<vmem>> -> memref<16x144xf32, #tpu.memory_space<vmem>>
          %dma_start3A_470 = arith.constant 0 : i32
          %dma_start3A_471 = tpu.memref_slice %arg11[%add3A_342, %dma_start3A_470] : memref<25x16xi32, #tpu.memory_space<vmem>> -> memref<1x16xi32, #tpu.memory_space<vmem>>
          %dma_start3A_472 = tpu.memref_squeeze %dma_start3A_471 : memref<1x16xi32, #tpu.memory_space<vmem>> -> memref<16xi32, #tpu.memory_space<vmem>>
          %dma_start3A_473 = arith.constant 0 : i32
          %dma_start3A_474 = arith.constant 0 : i32
          %dma_start3A_475 = tpu.memref_slice %arg15[%dma_start3A_473, %dma_start3A_474] : memref<10000x144xf32, #tpu.memory_space<vmem_shared>> -> memref<10000x144xf32, #tpu.memory_space<vmem_shared>>
          tpu.enqueue_indirect_dma source(%dma_start3A_469 : memref<16x144xf32, #tpu.memory_space<vmem>>) target(%dma_start3A_475 : memref<10000x144xf32, #tpu.memory_space<vmem_shared>>) offsets(%dma_start3A_472 : memref<16xi32, #tpu.memory_space<vmem>>) semaphore(%run_scoped3A_466 : memref<!tpu.dma_semaphore, #tpu.memory_space<semaphore_mem>>) {add = true}
          %dma_wait3A_476 = arith.constant 64 : i32
          %dma_wait3A_477 = arith.constant 0 : i32
          %dma_wait3A_478 = tpu.memref_slice %arg13[%dma_wait3A_476, %dma_wait3A_477] : memref<80x144xf32, #tpu.memory_space<vmem>> -> memref<16x144xf32, #tpu.memory_space<vmem>>
          %dma_wait3A_479 = arith.constant 0 : i32
          %dma_wait3A_480 = tpu.memref_slice %arg11[%add3A_342, %dma_wait3A_479] : memref<25x16xi32, #tpu.memory_space<vmem>> -> memref<1x16xi32, #tpu.memory_space<vmem>>
          %dma_wait3A_481 = tpu.memref_squeeze %dma_wait3A_480 : memref<1x16xi32, #tpu.memory_space<vmem>> -> memref<16xi32, #tpu.memory_space<vmem>>
          %dma_wait3A_482 = arith.constant 0 : i32
          %dma_wait3A_483 = arith.constant 0 : i32
          %dma_wait3A_484 = tpu.memref_slice %arg15[%dma_wait3A_482, %dma_wait3A_483] : memref<10000x144xf32, #tpu.memory_space<vmem_shared>> -> memref<10000x144xf32, #tpu.memory_space<vmem_shared>>
          tpu.wait_indirect_dma semaphore(%run_scoped3A_466 : memref<!tpu.dma_semaphore, #tpu.memory_space<semaphore_mem>>) src(%dma_wait3A_478 : memref<16x144xf32, #tpu.memory_space<vmem>>) dst(%dma_wait3A_484 : memref<10000x144xf32, #tpu.memory_space<vmem_shared>>)
          tpu.yield
        }) : () -> ()
        %dma_wait3A_457 = arith.constant 0 : i32
        %dma_wait3A_458 = arith.constant 0 : i32
        %dma_wait3A_459 = tpu.memref_slice %arg13[%dma_wait3A_457, %dma_wait3A_458] : memref<80x144xf32, #tpu.memory_space<vmem>> -> memref<64x144xf32, #tpu.memory_space<vmem>>
        %dma_wait3A_460 = arith.constant 0 : i32
        %dma_wait3A_461 = tpu.memref_slice %arg10[%add3A_342, %dma_wait3A_460] : memref<25x64xi32, #tpu.memory_space<vmem>> -> memref<1x64xi32, #tpu.memory_space<vmem>>
        %dma_wait3A_462 = tpu.memref_squeeze %dma_wait3A_461 : memref<1x64xi32, #tpu.memory_space<vmem>> -> memref<64xi32, #tpu.memory_space<vmem>>
        %dma_wait3A_463 = arith.constant 0 : i32
        %dma_wait3A_464 = arith.constant 0 : i32
        %dma_wait3A_465 = tpu.memref_slice %arg15[%dma_wait3A_463, %dma_wait3A_464] : memref<10000x144xf32, #tpu.memory_space<vmem_shared>> -> memref<10000x144xf32, #tpu.memory_space<vmem_shared>>
        tpu.wait_indirect_dma semaphore(%arg18 : memref<!tpu.dma_semaphore, #tpu.memory_space<semaphore_mem>>) src(%dma_wait3A_459 : memref<64x144xf32, #tpu.memory_space<vmem>>) dst(%dma_wait3A_465 : memref<10000x144xf32, #tpu.memory_space<vmem_shared>>)
      }
      %scan3A_49 = arith.constant 12 : i32
      %dma_wait3A = arith.constant 24 : i32
      %dma_wait3A_50 = arith.constant 0 : i32
      %dma_wait3A_51 = tpu.memref_slice %arg9[%dma_wait3A, %dma_wait3A_50] : memref<25x80xi32, #tpu.memory_space<vmem>> -> memref<1x80xi32, #tpu.memory_space<vmem>>
      %dma_wait3A_52 = tpu.memref_squeeze %dma_wait3A_51 : memref<1x80xi32, #tpu.memory_space<vmem>> -> memref<80xi32, #tpu.memory_space<vmem>>
      %dma_wait3A_53 = arith.constant 0 : i32
      %dma_wait3A_54 = arith.constant 0 : i32
      %dma_wait3A_55 = tpu.memref_slice %arg2[%dma_wait3A_53, %dma_wait3A_54] : memref<10000x144xf32, #tpu.memory_space<hbm>> -> memref<10000x144xf32, #tpu.memory_space<hbm>>
      tpu.wait_indirect_dma semaphore(%arg16 : memref<!tpu.dma_semaphore, #tpu.memory_space<semaphore_mem>>) src(%dma_wait3A_55 : memref<10000x144xf32, #tpu.memory_space<hbm>>) dst(%arg12 : memref<80x144xf32, #tpu.memory_space<vmem>>)
      %get3A = arith.constant 24 : i32
      %get3A_56 = arith.index_cast %get3A : i32 to index
      %get3A_57 = arith.constant 0 : index
      %get3A_58 = tpu.vector_load %arg10[%get3A_56, %get3A_57] {strides = array<i32>} : memref<25x64xi32, #tpu.memory_space<vmem>>, vector<16xi32>,
      %add3A_59 = arith.constant 0 : i32
      %add3A_60 = vector.broadcast %add3A_59 : i32 to vector<16xi32>
      %add3A_61 = arith.addi %iota3A, %add3A_60 : vector<16xi32>
      %gather3A = tpu.vector_load_idx %arg12[%add3A_61, %add3A_21] : memref<80x144xf32, #tpu.memory_space<vmem>>[vector<16xi32>, vector<16xi32>], vector<16xf32>,
      %gather3A_62 = tpu.vector_load_idx %arg8[%get3A_58] : memref<10000xf32, #tpu.memory_space<vmem>>[vector<16xi32>], vector<16xf32>,
      %add3A_63 = arith.addf %gather3A, %gather3A_62 : vector<16xf32>
      %gt3A = arith.constant 0.000000e+00 : f32
      %gt3A_64 = vector.broadcast %gt3A : f32 to vector<16xf32>
      %gt3A_65 = arith.cmpf ogt, %add3A_63, %gt3A_64 : vector<16xf32>
      %mul3A_66 = arith.constant 2.000000e-01 : f32
      %mul3A_67 = vector.broadcast %mul3A_66 : f32 to vector<16xf32>
      %mul3A_68 = arith.mulf %mul3A_67, %add3A_63 : vector<16xf32>
      %select_n3A = arith.select %gt3A_65, %add3A_63, %mul3A_68 : vector<16xi1>, vector<16xf32>
      %exp3A = math.exp %select_n3A : vector<16xf32>
      %swap3A = arith.constant 0 : index
      %swap3A_69 = tpu.vector_load %arg14[%swap3A] {strides = array<i32>} : memref<80xf32, #tpu.memory_space<vmem>>, vector<16xf32>,
      tpu.vector_store %arg14[%swap3A], %exp3A {strides = array<i32>} : memref<80xf32, #tpu.memory_space<vmem>>, vector<16xf32>,
      %get3A_70 = arith.constant 24 : i32
      %get3A_71 = arith.index_cast %get3A_70 : i32 to index
      %get3A_72 = arith.constant 16 : index
      %get3A_73 = tpu.vector_load %arg10[%get3A_71, %get3A_72] {strides = array<i32>} : memref<25x64xi32, #tpu.memory_space<vmem>>, vector<16xi32>,
      %add3A_74 = arith.constant 16 : i32
      %add3A_75 = vector.broadcast %add3A_74 : i32 to vector<16xi32>
      %add3A_76 = arith.addi %iota3A, %add3A_75 : vector<16xi32>
      %gather3A_77 = tpu.vector_load_idx %arg12[%add3A_76, %add3A_21] : memref<80x144xf32, #tpu.memory_space<vmem>>[vector<16xi32>, vector<16xi32>], vector<16xf32>,
      %gather3A_78 = tpu.vector_load_idx %arg8[%get3A_73] : memref<10000xf32, #tpu.memory_space<vmem>>[vector<16xi32>], vector<16xf32>,
      %add3A_79 = arith.addf %gather3A_77, %gather3A_78 : vector<16xf32>
      %gt3A_80 = arith.constant 0.000000e+00 : f32
      %gt3A_81 = vector.broadcast %gt3A_80 : f32 to vector<16xf32>
      %gt3A_82 = arith.cmpf ogt, %add3A_79, %gt3A_81 : vector<16xf32>
      %mul3A_83 = arith.constant 2.000000e-01 : f32
      %mul3A_84 = vector.broadcast %mul3A_83 : f32 to vector<16xf32>
      %mul3A_85 = arith.mulf %mul3A_84, %add3A_79 : vector<16xf32>
      %select_n3A_86 = arith.select %gt3A_82, %add3A_79, %mul3A_85 : vector<16xi1>, vector<16xf32>
      %exp3A_87 = math.exp %select_n3A_86 : vector<16xf32>
      %swap3A_88 = arith.constant 16 : index
      %swap3A_89 = tpu.vector_load %arg14[%swap3A_88] {strides = array<i32>} : memref<80xf32, #tpu.memory_space<vmem>>, vector<16xf32>,
      tpu.vector_store %arg14[%swap3A_88], %exp3A_87 {strides = array<i32>} : memref<80xf32, #tpu.memory_space<vmem>>, vector<16xf32>,
      %get3A_90 = arith.constant 24 : i32
      %get3A_91 = arith.index_cast %get3A_90 : i32 to index
      %get3A_92 = arith.constant 32 : index
      %get3A_93 = tpu.vector_load %arg10[%get3A_91, %get3A_92] {strides = array<i32>} : memref<25x64xi32, #tpu.memory_space<vmem>>, vector<16xi32>,
      %add3A_94 = arith.constant 32 : i32
      %add3A_95 = vector.broadcast %add3A_94 : i32 to vector<16xi32>
      %add3A_96 = arith.addi %iota3A, %add3A_95 : vector<16xi32>
      %gather3A_97 = tpu.vector_load_idx %arg12[%add3A_96, %add3A_21] : memref<80x144xf32, #tpu.memory_space<vmem>>[vector<16xi32>, vector<16xi32>], vector<16xf32>,
      %gather3A_98 = tpu.vector_load_idx %arg8[%get3A_93] : memref<10000xf32, #tpu.memory_space<vmem>>[vector<16xi32>], vector<16xf32>,
      %add3A_99 = arith.addf %gather3A_97, %gather3A_98 : vector<16xf32>
      %gt3A_100 = arith.constant 0.000000e+00 : f32
      %gt3A_101 = vector.broadcast %gt3A_100 : f32 to vector<16xf32>
      %gt3A_102 = arith.cmpf ogt, %add3A_99, %gt3A_101 : vector<16xf32>
      %mul3A_103 = arith.constant 2.000000e-01 : f32
      %mul3A_104 = vector.broadcast %mul3A_103 : f32 to vector<16xf32>
      %mul3A_105 = arith.mulf %mul3A_104, %add3A_99 : vector<16xf32>
      %select_n3A_106 = arith.select %gt3A_102, %add3A_99, %mul3A_105 : vector<16xi1>, vector<16xf32>
      %exp3A_107 = math.exp %select_n3A_106 : vector<16xf32>
      %swap3A_108 = arith.constant 32 : index
      %swap3A_109 = tpu.vector_load %arg14[%swap3A_108] {strides = array<i32>} : memref<80xf32, #tpu.memory_space<vmem>>, vector<16xf32>,
      tpu.vector_store %arg14[%swap3A_108], %exp3A_107 {strides = array<i32>} : memref<80xf32, #tpu.memory_space<vmem>>, vector<16xf32>,
      %get3A_110 = arith.constant 24 : i32
      %get3A_111 = arith.index_cast %get3A_110 : i32 to index
      %get3A_112 = arith.constant 48 : index
      %get3A_113 = tpu.vector_load %arg10[%get3A_111, %get3A_112] {strides = array<i32>} : memref<25x64xi32, #tpu.memory_space<vmem>>, vector<16xi32>,
      %add3A_114 = arith.constant 48 : i32
      %add3A_115 = vector.broadcast %add3A_114 : i32 to vector<16xi32>
      %add3A_116 = arith.addi %iota3A, %add3A_115 : vector<16xi32>
      %gather3A_117 = tpu.vector_load_idx %arg12[%add3A_116, %add3A_21] : memref<80x144xf32, #tpu.memory_space<vmem>>[vector<16xi32>, vector<16xi32>], vector<16xf32>,
      %gather3A_118 = tpu.vector_load_idx %arg8[%get3A_113] : memref<10000xf32, #tpu.memory_space<vmem>>[vector<16xi32>], vector<16xf32>,
      %add3A_119 = arith.addf %gather3A_117, %gather3A_118 : vector<16xf32>
      %gt3A_120 = arith.constant 0.000000e+00 : f32
      %gt3A_121 = vector.broadcast %gt3A_120 : f32 to vector<16xf32>
      %gt3A_122 = arith.cmpf ogt, %add3A_119, %gt3A_121 : vector<16xf32>
      %mul3A_123 = arith.constant 2.000000e-01 : f32
      %mul3A_124 = vector.broadcast %mul3A_123 : f32 to vector<16xf32>
      %mul3A_125 = arith.mulf %mul3A_124, %add3A_119 : vector<16xf32>
      %select_n3A_126 = arith.select %gt3A_122, %add3A_119, %mul3A_125 : vector<16xi1>, vector<16xf32>
      %exp3A_127 = math.exp %select_n3A_126 : vector<16xf32>
      %swap3A_128 = arith.constant 48 : index
      %swap3A_129 = tpu.vector_load %arg14[%swap3A_128] {strides = array<i32>} : memref<80xf32, #tpu.memory_space<vmem>>, vector<16xf32>,
      tpu.vector_store %arg14[%swap3A_128], %exp3A_127 {strides = array<i32>} : memref<80xf32, #tpu.memory_space<vmem>>, vector<16xf32>,
      %get3A_130 = arith.constant 24 : i32
      %get3A_131 = arith.index_cast %get3A_130 : i32 to index
      %get3A_132 = arith.constant 0 : index
      %get3A_133 = tpu.vector_load %arg11[%get3A_131, %get3A_132] {strides = array<i32>} : memref<25x16xi32, #tpu.memory_space<vmem>>, vector<16xi32>,
      %add3A_134 = arith.constant 64 : i32
      %add3A_135 = vector.broadcast %add3A_134 : i32 to vector<16xi32>
      %add3A_136 = arith.addi %iota3A, %add3A_135 : vector<16xi32>
      %gather3A_137 = tpu.vector_load_idx %arg12[%add3A_136, %add3A_21] : memref<80x144xf32, #tpu.memory_space<vmem>>[vector<16xi32>, vector<16xi32>], vector<16xf32>,
      %gather3A_138 = tpu.vector_load_idx %arg8[%get3A_133] : memref<10000xf32, #tpu.memory_space<vmem>>[vector<16xi32>], vector<16xf32>,
      %add3A_139 = arith.addf %gather3A_137, %gather3A_138 : vector<16xf32>
      %gt3A_140 = arith.constant 0.000000e+00 : f32
      %gt3A_141 = vector.broadcast %gt3A_140 : f32 to vector<16xf32>
      %gt3A_142 = arith.cmpf ogt, %add3A_139, %gt3A_141 : vector<16xf32>
      %mul3A_143 = arith.constant 2.000000e-01 : f32
      %mul3A_144 = vector.broadcast %mul3A_143 : f32 to vector<16xf32>
      %mul3A_145 = arith.mulf %mul3A_144, %add3A_139 : vector<16xf32>
      %select_n3A_146 = arith.select %gt3A_142, %add3A_139, %mul3A_145 : vector<16xi1>, vector<16xf32>
      %exp3A_147 = math.exp %select_n3A_146 : vector<16xf32>
      %swap3A_148 = arith.constant 64 : index
      %swap3A_149 = tpu.vector_load %arg14[%swap3A_148] {strides = array<i32>} : memref<80xf32, #tpu.memory_space<vmem>>, vector<16xf32>,
      tpu.vector_store %arg14[%swap3A_148], %exp3A_147 {strides = array<i32>} : memref<80xf32, #tpu.memory_space<vmem>>, vector<16xf32>,
      %scan3A_150 = arith.constant 0 : i32
      %scan3A_151 = arith.constant 32 : i32
      %scan3A_152 = arith.addi %scan3A_150, %scan3A_151 : i32
      %scan3A_153 = arith.constant 1 : i32
      scf.for %scan3A_181 = %scan3A_150 to %scan3A_152 step %scan3A_153  : i32 {
        %mul3A_182 = arith.constant 2 : i32
        %mul3A_183 = arith.muli %scan3A_181, %mul3A_182 : i32
        %add3A_184 = arith.constant 0 : i32
        %add3A_185 = arith.addi %add3A_184, %mul3A_183 : i32
        %add3A_186 = arith.constant 1 : i32
        %add3A_187 = arith.addi %add3A_185, %add3A_186 : i32
        %add3A_188 = vector.broadcast %add3A_185 : i32 to vector<16xi32>
        %add3A_189 = arith.addi %broadcast_in_dim3A_18, %add3A_188 : vector<16xi32>
        %gather3A_190 = tpu.vector_load_idx %arg14[%add3A_189] : memref<80xf32, #tpu.memory_space<vmem>>[vector<16xi32>], vector<16xf32>,
        %get3A_191 = arith.index_cast %add3A_185 : i32 to index
        %get3A_192 = arith.constant 0 : index
        %get3A_193 = tpu.vector_load %arg12[%get3A_191, %get3A_192] {strides = array<i32>} : memref<80x144xf32, #tpu.memory_space<vmem>>, vector<16xf32>,
        %mul3A_194 = arith.mulf %get3A_193, %gather3A_190 : vector<16xf32>
        %get3A_195 = arith.index_cast %add3A_185 : i32 to index
        %get3A_196 = arith.constant 16 : index
        %get3A_197 = tpu.vector_load %arg12[%get3A_195, %get3A_196] {strides = array<i32>} : memref<80x144xf32, #tpu.memory_space<vmem>>, vector<16xf32>,
        %mul3A_198 = arith.mulf %get3A_197, %gather3A_190 : vector<16xf32>
        %get3A_199 = arith.index_cast %add3A_185 : i32 to index
        %get3A_200 = arith.constant 32 : index
        %get3A_201 = tpu.vector_load %arg12[%get3A_199, %get3A_200] {strides = array<i32>} : memref<80x144xf32, #tpu.memory_space<vmem>>, vector<16xf32>,
        %mul3A_202 = arith.mulf %get3A_201, %gather3A_190 : vector<16xf32>
        %get3A_203 = arith.index_cast %add3A_185 : i32 to index
        %get3A_204 = arith.constant 48 : index
        %get3A_205 = tpu.vector_load %arg12[%get3A_203, %get3A_204] {strides = array<i32>} : memref<80x144xf32, #tpu.memory_space<vmem>>, vector<16xf32>,
        %mul3A_206 = arith.mulf %get3A_205, %gather3A_190 : vector<16xf32>
        %get3A_207 = arith.index_cast %add3A_185 : i32 to index
        %get3A_208 = arith.constant 64 : index
        %get3A_209 = tpu.vector_load %arg12[%get3A_207, %get3A_208] {strides = array<i32>} : memref<80x144xf32, #tpu.memory_space<vmem>>, vector<16xf32>,
        %mul3A_210 = arith.mulf %get3A_209, %gather3A_190 : vector<16xf32>
        %get3A_211 = arith.index_cast %add3A_185 : i32 to index
        %get3A_212 = arith.constant 80 : index
        %get3A_213 = tpu.vector_load %arg12[%get3A_211, %get3A_212] {strides = array<i32>} : memref<80x144xf32, #tpu.memory_space<vmem>>, vector<16xf32>,
        %mul3A_214 = arith.mulf %get3A_213, %gather3A_190 : vector<16xf32>
        %get3A_215 = arith.index_cast %add3A_185 : i32 to index
        %get3A_216 = arith.constant 96 : index
        %get3A_217 = tpu.vector_load %arg12[%get3A_215, %get3A_216] {strides = array<i32>} : memref<80x144xf32, #tpu.memory_space<vmem>>, vector<16xf32>,
        %mul3A_218 = arith.mulf %get3A_217, %gather3A_190 : vector<16xf32>
        %get3A_219 = arith.index_cast %add3A_185 : i32 to index
        %get3A_220 = arith.constant 112 : index
        %get3A_221 = tpu.vector_load %arg12[%get3A_219, %get3A_220] {strides = array<i32>} : memref<80x144xf32, #tpu.memory_space<vmem>>, vector<16xf32>,
        %mul3A_222 = arith.mulf %get3A_221, %gather3A_190 : vector<16xf32>
        %swap3A_223 = arith.index_cast %add3A_185 : i32 to index
        %swap3A_224 = arith.constant 0 : index
        %swap3A_225 = tpu.vector_load %arg12[%swap3A_223, %swap3A_224] {strides = array<i32>} : memref<80x144xf32, #tpu.memory_space<vmem>>, vector<16xf32>,
        tpu.vector_store %arg12[%swap3A_223, %swap3A_224], %mul3A_194 {strides = array<i32>} : memref<80x144xf32, #tpu.memory_space<vmem>>, vector<16xf32>,
        %swap3A_226 = arith.index_cast %add3A_185 : i32 to index
        %swap3A_227 = arith.constant 16 : index
        %swap3A_228 = tpu.vector_load %arg12[%swap3A_226, %swap3A_227] {strides = array<i32>} : memref<80x144xf32, #tpu.memory_space<vmem>>, vector<16xf32>,
        tpu.vector_store %arg12[%swap3A_226, %swap3A_227], %mul3A_198 {strides = array<i32>} : memref<80x144xf32, #tpu.memory_space<vmem>>, vector<16xf32>,
        %swap3A_229 = arith.index_cast %add3A_185 : i32 to index
        %swap3A_230 = arith.constant 32 : index
        %swap3A_231 = tpu.vector_load %arg12[%swap3A_229, %swap3A_230] {strides = array<i32>} : memref<80x144xf32, #tpu.memory_space<vmem>>, vector<16xf32>,
        tpu.vector_store %arg12[%swap3A_229, %swap3A_230], %mul3A_202 {strides = array<i32>} : memref<80x144xf32, #tpu.memory_space<vmem>>, vector<16xf32>,
        %swap3A_232 = arith.index_cast %add3A_185 : i32 to index
        %swap3A_233 = arith.constant 48 : index
        %swap3A_234 = tpu.vector_load %arg12[%swap3A_232, %swap3A_233] {strides = array<i32>} : memref<80x144xf32, #tpu.memory_space<vmem>>, vector<16xf32>,
        tpu.vector_store %arg12[%swap3A_232, %swap3A_233], %mul3A_206 {strides = array<i32>} : memref<80x144xf32, #tpu.memory_space<vmem>>, vector<16xf32>,
        %swap3A_235 = arith.index_cast %add3A_185 : i32 to index
        %swap3A_236 = arith.constant 64 : index
        %swap3A_237 = tpu.vector_load %arg12[%swap3A_235, %swap3A_236] {strides = array<i32>} : memref<80x144xf32, #tpu.memory_space<vmem>>, vector<16xf32>,
        tpu.vector_store %arg12[%swap3A_235, %swap3A_236], %mul3A_210 {strides = array<i32>} : memref<80x144xf32, #tpu.memory_space<vmem>>, vector<16xf32>,
        %swap3A_238 = arith.index_cast %add3A_185 : i32 to index
        %swap3A_239 = arith.constant 80 : index
        %swap3A_240 = tpu.vector_load %arg12[%swap3A_238, %swap3A_239] {strides = array<i32>} : memref<80x144xf32, #tpu.memory_space<vmem>>, vector<16xf32>,
        tpu.vector_store %arg12[%swap3A_238, %swap3A_239], %mul3A_214 {strides = array<i32>} : memref<80x144xf32, #tpu.memory_space<vmem>>, vector<16xf32>,
        %swap3A_241 = arith.index_cast %add3A_185 : i32 to index
        %swap3A_242 = arith.constant 96 : index
        %swap3A_243 = tpu.vector_load %arg12[%swap3A_241, %swap3A_242] {strides = array<i32>} : memref<80x144xf32, #tpu.memory_space<vmem>>, vector<16xf32>,
        tpu.vector_store %arg12[%swap3A_241, %swap3A_242], %mul3A_218 {strides = array<i32>} : memref<80x144xf32, #tpu.memory_space<vmem>>, vector<16xf32>,
        %swap3A_244 = arith.index_cast %add3A_185 : i32 to index
        %swap3A_245 = arith.constant 112 : index
        %swap3A_246 = tpu.vector_load %arg12[%swap3A_244, %swap3A_245] {strides = array<i32>} : memref<80x144xf32, #tpu.memory_space<vmem>>, vector<16xf32>,
        tpu.vector_store %arg12[%swap3A_244, %swap3A_245], %mul3A_222 {strides = array<i32>} : memref<80x144xf32, #tpu.memory_space<vmem>>, vector<16xf32>,
        %jit3A = arith.constant 0.000000e+00 : f32
        %broadcast_in_dim3A_247 = vector.broadcast %jit3A : f32 to vector<16xf32>
        %select_n3A_248 = arith.select %eq3A_16, %gather3A_190, %broadcast_in_dim3A_247 : vector<16xi1>, vector<16xf32>
        %swap3A_249 = arith.index_cast %add3A_185 : i32 to index
        %swap3A_250 = arith.constant 128 : index
        %swap3A_251 = tpu.vector_load %arg12[%swap3A_249, %swap3A_250] {strides = array<i32>} : memref<80x144xf32, #tpu.memory_space<vmem>>, vector<16xf32>,
        tpu.vector_store %arg12[%swap3A_249, %swap3A_250], %select_n3A_248 {strides = array<i32>} : memref<80x144xf32, #tpu.memory_space<vmem>>, vector<16xf32>,
        %add3A_252 = vector.broadcast %add3A_187 : i32 to vector<16xi32>
        %add3A_253 = arith.addi %broadcast_in_dim3A_18, %add3A_252 : vector<16xi32>
        %gather3A_254 = tpu.vector_load_idx %arg14[%add3A_253] : memref<80xf32, #tpu.memory_space<vmem>>[vector<16xi32>], vector<16xf32>,
        %get3A_255 = arith.index_cast %add3A_187 : i32 to index
        %get3A_256 = arith.constant 0 : index
        %get3A_257 = tpu.vector_load %arg12[%get3A_255, %get3A_256] {strides = array<i32>} : memref<80x144xf32, #tpu.memory_space<vmem>>, vector<16xf32>,
        %mul3A_258 = arith.mulf %get3A_257, %gather3A_254 : vector<16xf32>
        %get3A_259 = arith.index_cast %add3A_187 : i32 to index
        %get3A_260 = arith.constant 16 : index
        %get3A_261 = tpu.vector_load %arg12[%get3A_259, %get3A_260] {strides = array<i32>} : memref<80x144xf32, #tpu.memory_space<vmem>>, vector<16xf32>,
        %mul3A_262 = arith.mulf %get3A_261, %gather3A_254 : vector<16xf32>
        %get3A_263 = arith.index_cast %add3A_187 : i32 to index
        %get3A_264 = arith.constant 32 : index
        %get3A_265 = tpu.vector_load %arg12[%get3A_263, %get3A_264] {strides = array<i32>} : memref<80x144xf32, #tpu.memory_space<vmem>>, vector<16xf32>,
        %mul3A_266 = arith.mulf %get3A_265, %gather3A_254 : vector<16xf32>
        %get3A_267 = arith.index_cast %add3A_187 : i32 to index
        %get3A_268 = arith.constant 48 : index
        %get3A_269 = tpu.vector_load %arg12[%get3A_267, %get3A_268] {strides = array<i32>} : memref<80x144xf32, #tpu.memory_space<vmem>>, vector<16xf32>,
        %mul3A_270 = arith.mulf %get3A_269, %gather3A_254 : vector<16xf32>
        %get3A_271 = arith.index_cast %add3A_187 : i32 to index
        %get3A_272 = arith.constant 64 : index
        %get3A_273 = tpu.vector_load %arg12[%get3A_271, %get3A_272] {strides = array<i32>} : memref<80x144xf32, #tpu.memory_space<vmem>>, vector<16xf32>,
        %mul3A_274 = arith.mulf %get3A_273, %gather3A_254 : vector<16xf32>
        %get3A_275 = arith.index_cast %add3A_187 : i32 to index
        %get3A_276 = arith.constant 80 : index
        %get3A_277 = tpu.vector_load %arg12[%get3A_275, %get3A_276] {strides = array<i32>} : memref<80x144xf32, #tpu.memory_space<vmem>>, vector<16xf32>,
        %mul3A_278 = arith.mulf %get3A_277, %gather3A_254 : vector<16xf32>
        %get3A_279 = arith.index_cast %add3A_187 : i32 to index
        %get3A_280 = arith.constant 96 : index
        %get3A_281 = tpu.vector_load %arg12[%get3A_279, %get3A_280] {strides = array<i32>} : memref<80x144xf32, #tpu.memory_space<vmem>>, vector<16xf32>,
        %mul3A_282 = arith.mulf %get3A_281, %gather3A_254 : vector<16xf32>
        %get3A_283 = arith.index_cast %add3A_187 : i32 to index
        %get3A_284 = arith.constant 112 : index
        %get3A_285 = tpu.vector_load %arg12[%get3A_283, %get3A_284] {strides = array<i32>} : memref<80x144xf32, #tpu.memory_space<vmem>>, vector<16xf32>,
        %mul3A_286 = arith.mulf %get3A_285, %gather3A_254 : vector<16xf32>
        %swap3A_287 = arith.index_cast %add3A_187 : i32 to index
        %swap3A_288 = arith.constant 0 : index
        %swap3A_289 = tpu.vector_load %arg12[%swap3A_287, %swap3A_288] {strides = array<i32>} : memref<80x144xf32, #tpu.memory_space<vmem>>, vector<16xf32>,
        tpu.vector_store %arg12[%swap3A_287, %swap3A_288], %mul3A_258 {strides = array<i32>} : memref<80x144xf32, #tpu.memory_space<vmem>>, vector<16xf32>,
        %swap3A_290 = arith.index_cast %add3A_187 : i32 to index
        %swap3A_291 = arith.constant 16 : index
        %swap3A_292 = tpu.vector_load %arg12[%swap3A_290, %swap3A_291] {strides = array<i32>} : memref<80x144xf32, #tpu.memory_space<vmem>>, vector<16xf32>,
        tpu.vector_store %arg12[%swap3A_290, %swap3A_291], %mul3A_262 {strides = array<i32>} : memref<80x144xf32, #tpu.memory_space<vmem>>, vector<16xf32>,
        %swap3A_293 = arith.index_cast %add3A_187 : i32 to index
        %swap3A_294 = arith.constant 32 : index
        %swap3A_295 = tpu.vector_load %arg12[%swap3A_293, %swap3A_294] {strides = array<i32>} : memref<80x144xf32, #tpu.memory_space<vmem>>, vector<16xf32>,
        tpu.vector_store %arg12[%swap3A_293, %swap3A_294], %mul3A_266 {strides = array<i32>} : memref<80x144xf32, #tpu.memory_space<vmem>>, vector<16xf32>,
        %swap3A_296 = arith.index_cast %add3A_187 : i32 to index
        %swap3A_297 = arith.constant 48 : index
        %swap3A_298 = tpu.vector_load %arg12[%swap3A_296, %swap3A_297] {strides = array<i32>} : memref<80x144xf32, #tpu.memory_space<vmem>>, vector<16xf32>,
        tpu.vector_store %arg12[%swap3A_296, %swap3A_297], %mul3A_270 {strides = array<i32>} : memref<80x144xf32, #tpu.memory_space<vmem>>, vector<16xf32>,
        %swap3A_299 = arith.index_cast %add3A_187 : i32 to index
        %swap3A_300 = arith.constant 64 : index
        %swap3A_301 = tpu.vector_load %arg12[%swap3A_299, %swap3A_300] {strides = array<i32>} : memref<80x144xf32, #tpu.memory_space<vmem>>, vector<16xf32>,
        tpu.vector_store %arg12[%swap3A_299, %swap3A_300], %mul3A_274 {strides = array<i32>} : memref<80x144xf32, #tpu.memory_space<vmem>>, vector<16xf32>,
        %swap3A_302 = arith.index_cast %add3A_187 : i32 to index
        %swap3A_303 = arith.constant 80 : index
        %swap3A_304 = tpu.vector_load %arg12[%swap3A_302, %swap3A_303] {strides = array<i32>} : memref<80x144xf32, #tpu.memory_space<vmem>>, vector<16xf32>,
        tpu.vector_store %arg12[%swap3A_302, %swap3A_303], %mul3A_278 {strides = array<i32>} : memref<80x144xf32, #tpu.memory_space<vmem>>, vector<16xf32>,
        %swap3A_305 = arith.index_cast %add3A_187 : i32 to index
        %swap3A_306 = arith.constant 96 : index
        %swap3A_307 = tpu.vector_load %arg12[%swap3A_305, %swap3A_306] {strides = array<i32>} : memref<80x144xf32, #tpu.memory_space<vmem>>, vector<16xf32>,
        tpu.vector_store %arg12[%swap3A_305, %swap3A_306], %mul3A_282 {strides = array<i32>} : memref<80x144xf32, #tpu.memory_space<vmem>>, vector<16xf32>,
        %swap3A_308 = arith.index_cast %add3A_187 : i32 to index
        %swap3A_309 = arith.constant 112 : index
        %swap3A_310 = tpu.vector_load %arg12[%swap3A_308, %swap3A_309] {strides = array<i32>} : memref<80x144xf32, #tpu.memory_space<vmem>>, vector<16xf32>,
        tpu.vector_store %arg12[%swap3A_308, %swap3A_309], %mul3A_286 {strides = array<i32>} : memref<80x144xf32, #tpu.memory_space<vmem>>, vector<16xf32>,
        %jit3A_311 = arith.constant 0.000000e+00 : f32
        %broadcast_in_dim3A_312 = vector.broadcast %jit3A_311 : f32 to vector<16xf32>
        %select_n3A_313 = arith.select %eq3A_16, %gather3A_254, %broadcast_in_dim3A_312 : vector<16xi1>, vector<16xf32>
        %swap3A_314 = arith.index_cast %add3A_187 : i32 to index
        %swap3A_315 = arith.constant 128 : index
        %swap3A_316 = tpu.vector_load %arg12[%swap3A_314, %swap3A_315] {strides = array<i32>} : memref<80x144xf32, #tpu.memory_space<vmem>>, vector<16xf32>,
        tpu.vector_store %arg12[%swap3A_314, %swap3A_315], %select_n3A_313 {strides = array<i32>} : memref<80x144xf32, #tpu.memory_space<vmem>>, vector<16xf32>,
      }
      %scan3A_154 = arith.constant 32 : i32
      %dma_start3A_155 = arith.constant 24 : i32
      %dma_start3A_156 = arith.constant 0 : i32
      %dma_start3A_157 = arith.constant 0 : i32
      %dma_start3A_158 = tpu.memref_slice %arg12[%dma_start3A_156, %dma_start3A_157] : memref<80x144xf32, #tpu.memory_space<vmem>> -> memref<64x144xf32, #tpu.memory_space<vmem>>
      %dma_start3A_159 = arith.constant 0 : i32
      %dma_start3A_160 = tpu.memref_slice %arg10[%dma_start3A_155, %dma_start3A_159] : memref<25x64xi32, #tpu.memory_space<vmem>> -> memref<1x64xi32, #tpu.memory_space<vmem>>
      %dma_start3A_161 = tpu.memref_squeeze %dma_start3A_160 : memref<1x64xi32, #tpu.memory_space<vmem>> -> memref<64xi32, #tpu.memory_space<vmem>>
      %dma_start3A_162 = arith.constant 0 : i32
      %dma_start3A_163 = arith.constant 0 : i32
      %dma_start3A_164 = tpu.memref_slice %arg15[%dma_start3A_162, %dma_start3A_163] : memref<10000x144xf32, #tpu.memory_space<vmem_shared>> -> memref<10000x144xf32, #tpu.memory_space<vmem_shared>>
      tpu.enqueue_indirect_dma source(%dma_start3A_158 : memref<64x144xf32, #tpu.memory_space<vmem>>) target(%dma_start3A_164 : memref<10000x144xf32, #tpu.memory_space<vmem_shared>>) offsets(%dma_start3A_161 : memref<64xi32, #tpu.memory_space<vmem>>) semaphore(%arg18 : memref<!tpu.dma_semaphore, #tpu.memory_space<semaphore_mem>>) {add = true}
      %scan3A_165 = arith.constant 0 : i32
      %scan3A_166 = arith.constant 8 : i32
      %scan3A_167 = arith.addi %scan3A_165, %scan3A_166 : i32
      %scan3A_168 = arith.constant 1 : i32
      scf.for %scan3A_181 = %scan3A_165 to %scan3A_167 step %scan3A_168  : i32 {
        %mul3A_182 = arith.constant 2 : i32
        %mul3A_183 = arith.muli %scan3A_181, %mul3A_182 : i32
        %add3A_184 = arith.constant 64 : i32
        %add3A_185 = arith.addi %add3A_184, %mul3A_183 : i32
        %add3A_186 = arith.constant 1 : i32
        %add3A_187 = arith.addi %add3A_185, %add3A_186 : i32
        %add3A_188 = vector.broadcast %add3A_185 : i32 to vector<16xi32>
        %add3A_189 = arith.addi %broadcast_in_dim3A_18, %add3A_188 : vector<16xi32>
        %gather3A_190 = tpu.vector_load_idx %arg14[%add3A_189] : memref<80xf32, #tpu.memory_space<vmem>>[vector<16xi32>], vector<16xf32>,
        %get3A_191 = arith.index_cast %add3A_185 : i32 to index
        %get3A_192 = arith.constant 0 : index
        %get3A_193 = tpu.vector_load %arg12[%get3A_191, %get3A_192] {strides = array<i32>} : memref<80x144xf32, #tpu.memory_space<vmem>>, vector<16xf32>,
        %mul3A_194 = arith.mulf %get3A_193, %gather3A_190 : vector<16xf32>
        %get3A_195 = arith.index_cast %add3A_185 : i32 to index
        %get3A_196 = arith.constant 16 : index
        %get3A_197 = tpu.vector_load %arg12[%get3A_195, %get3A_196] {strides = array<i32>} : memref<80x144xf32, #tpu.memory_space<vmem>>, vector<16xf32>,
        %mul3A_198 = arith.mulf %get3A_197, %gather3A_190 : vector<16xf32>
        %get3A_199 = arith.index_cast %add3A_185 : i32 to index
        %get3A_200 = arith.constant 32 : index
        %get3A_201 = tpu.vector_load %arg12[%get3A_199, %get3A_200] {strides = array<i32>} : memref<80x144xf32, #tpu.memory_space<vmem>>, vector<16xf32>,
        %mul3A_202 = arith.mulf %get3A_201, %gather3A_190 : vector<16xf32>
        %get3A_203 = arith.index_cast %add3A_185 : i32 to index
        %get3A_204 = arith.constant 48 : index
        %get3A_205 = tpu.vector_load %arg12[%get3A_203, %get3A_204] {strides = array<i32>} : memref<80x144xf32, #tpu.memory_space<vmem>>, vector<16xf32>,
        %mul3A_206 = arith.mulf %get3A_205, %gather3A_190 : vector<16xf32>
        %get3A_207 = arith.index_cast %add3A_185 : i32 to index
        %get3A_208 = arith.constant 64 : index
        %get3A_209 = tpu.vector_load %arg12[%get3A_207, %get3A_208] {strides = array<i32>} : memref<80x144xf32, #tpu.memory_space<vmem>>, vector<16xf32>,
        %mul3A_210 = arith.mulf %get3A_209, %gather3A_190 : vector<16xf32>
        %get3A_211 = arith.index_cast %add3A_185 : i32 to index
        %get3A_212 = arith.constant 80 : index
        %get3A_213 = tpu.vector_load %arg12[%get3A_211, %get3A_212] {strides = array<i32>} : memref<80x144xf32, #tpu.memory_space<vmem>>, vector<16xf32>,
        %mul3A_214 = arith.mulf %get3A_213, %gather3A_190 : vector<16xf32>
        %get3A_215 = arith.index_cast %add3A_185 : i32 to index
        %get3A_216 = arith.constant 96 : index
        %get3A_217 = tpu.vector_load %arg12[%get3A_215, %get3A_216] {strides = array<i32>} : memref<80x144xf32, #tpu.memory_space<vmem>>, vector<16xf32>,
        %mul3A_218 = arith.mulf %get3A_217, %gather3A_190 : vector<16xf32>
        %get3A_219 = arith.index_cast %add3A_185 : i32 to index
        %get3A_220 = arith.constant 112 : index
        %get3A_221 = tpu.vector_load %arg12[%get3A_219, %get3A_220] {strides = array<i32>} : memref<80x144xf32, #tpu.memory_space<vmem>>, vector<16xf32>,
        %mul3A_222 = arith.mulf %get3A_221, %gather3A_190 : vector<16xf32>
        %swap3A_223 = arith.index_cast %add3A_185 : i32 to index
        %swap3A_224 = arith.constant 0 : index
        %swap3A_225 = tpu.vector_load %arg12[%swap3A_223, %swap3A_224] {strides = array<i32>} : memref<80x144xf32, #tpu.memory_space<vmem>>, vector<16xf32>,
        tpu.vector_store %arg12[%swap3A_223, %swap3A_224], %mul3A_194 {strides = array<i32>} : memref<80x144xf32, #tpu.memory_space<vmem>>, vector<16xf32>,
        %swap3A_226 = arith.index_cast %add3A_185 : i32 to index
        %swap3A_227 = arith.constant 16 : index
        %swap3A_228 = tpu.vector_load %arg12[%swap3A_226, %swap3A_227] {strides = array<i32>} : memref<80x144xf32, #tpu.memory_space<vmem>>, vector<16xf32>,
        tpu.vector_store %arg12[%swap3A_226, %swap3A_227], %mul3A_198 {strides = array<i32>} : memref<80x144xf32, #tpu.memory_space<vmem>>, vector<16xf32>,
        %swap3A_229 = arith.index_cast %add3A_185 : i32 to index
        %swap3A_230 = arith.constant 32 : index
        %swap3A_231 = tpu.vector_load %arg12[%swap3A_229, %swap3A_230] {strides = array<i32>} : memref<80x144xf32, #tpu.memory_space<vmem>>, vector<16xf32>,
        tpu.vector_store %arg12[%swap3A_229, %swap3A_230], %mul3A_202 {strides = array<i32>} : memref<80x144xf32, #tpu.memory_space<vmem>>, vector<16xf32>,
        %swap3A_232 = arith.index_cast %add3A_185 : i32 to index
        %swap3A_233 = arith.constant 48 : index
        %swap3A_234 = tpu.vector_load %arg12[%swap3A_232, %swap3A_233] {strides = array<i32>} : memref<80x144xf32, #tpu.memory_space<vmem>>, vector<16xf32>,
        tpu.vector_store %arg12[%swap3A_232, %swap3A_233], %mul3A_206 {strides = array<i32>} : memref<80x144xf32, #tpu.memory_space<vmem>>, vector<16xf32>,
        %swap3A_235 = arith.index_cast %add3A_185 : i32 to index
        %swap3A_236 = arith.constant 64 : index
        %swap3A_237 = tpu.vector_load %arg12[%swap3A_235, %swap3A_236] {strides = array<i32>} : memref<80x144xf32, #tpu.memory_space<vmem>>, vector<16xf32>,
        tpu.vector_store %arg12[%swap3A_235, %swap3A_236], %mul3A_210 {strides = array<i32>} : memref<80x144xf32, #tpu.memory_space<vmem>>, vector<16xf32>,
        %swap3A_238 = arith.index_cast %add3A_185 : i32 to index
        %swap3A_239 = arith.constant 80 : index
        %swap3A_240 = tpu.vector_load %arg12[%swap3A_238, %swap3A_239] {strides = array<i32>} : memref<80x144xf32, #tpu.memory_space<vmem>>, vector<16xf32>,
        tpu.vector_store %arg12[%swap3A_238, %swap3A_239], %mul3A_214 {strides = array<i32>} : memref<80x144xf32, #tpu.memory_space<vmem>>, vector<16xf32>,
        %swap3A_241 = arith.index_cast %add3A_185 : i32 to index
        %swap3A_242 = arith.constant 96 : index
        %swap3A_243 = tpu.vector_load %arg12[%swap3A_241, %swap3A_242] {strides = array<i32>} : memref<80x144xf32, #tpu.memory_space<vmem>>, vector<16xf32>,
        tpu.vector_store %arg12[%swap3A_241, %swap3A_242], %mul3A_218 {strides = array<i32>} : memref<80x144xf32, #tpu.memory_space<vmem>>, vector<16xf32>,
        %swap3A_244 = arith.index_cast %add3A_185 : i32 to index
        %swap3A_245 = arith.constant 112 : index
        %swap3A_246 = tpu.vector_load %arg12[%swap3A_244, %swap3A_245] {strides = array<i32>} : memref<80x144xf32, #tpu.memory_space<vmem>>, vector<16xf32>,
        tpu.vector_store %arg12[%swap3A_244, %swap3A_245], %mul3A_222 {strides = array<i32>} : memref<80x144xf32, #tpu.memory_space<vmem>>, vector<16xf32>,
        %jit3A = arith.constant 0.000000e+00 : f32
        %broadcast_in_dim3A_247 = vector.broadcast %jit3A : f32 to vector<16xf32>
        %select_n3A_248 = arith.select %eq3A_16, %gather3A_190, %broadcast_in_dim3A_247 : vector<16xi1>, vector<16xf32>
        %swap3A_249 = arith.index_cast %add3A_185 : i32 to index
        %swap3A_250 = arith.constant 128 : index
        %swap3A_251 = tpu.vector_load %arg12[%swap3A_249, %swap3A_250] {strides = array<i32>} : memref<80x144xf32, #tpu.memory_space<vmem>>, vector<16xf32>,
        tpu.vector_store %arg12[%swap3A_249, %swap3A_250], %select_n3A_248 {strides = array<i32>} : memref<80x144xf32, #tpu.memory_space<vmem>>, vector<16xf32>,
        %add3A_252 = vector.broadcast %add3A_187 : i32 to vector<16xi32>
        %add3A_253 = arith.addi %broadcast_in_dim3A_18, %add3A_252 : vector<16xi32>
        %gather3A_254 = tpu.vector_load_idx %arg14[%add3A_253] : memref<80xf32, #tpu.memory_space<vmem>>[vector<16xi32>], vector<16xf32>,
        %get3A_255 = arith.index_cast %add3A_187 : i32 to index
        %get3A_256 = arith.constant 0 : index
        %get3A_257 = tpu.vector_load %arg12[%get3A_255, %get3A_256] {strides = array<i32>} : memref<80x144xf32, #tpu.memory_space<vmem>>, vector<16xf32>,
        %mul3A_258 = arith.mulf %get3A_257, %gather3A_254 : vector<16xf32>
        %get3A_259 = arith.index_cast %add3A_187 : i32 to index
        %get3A_260 = arith.constant 16 : index
        %get3A_261 = tpu.vector_load %arg12[%get3A_259, %get3A_260] {strides = array<i32>} : memref<80x144xf32, #tpu.memory_space<vmem>>, vector<16xf32>,
        %mul3A_262 = arith.mulf %get3A_261, %gather3A_254 : vector<16xf32>
        %get3A_263 = arith.index_cast %add3A_187 : i32 to index
        %get3A_264 = arith.constant 32 : index
        %get3A_265 = tpu.vector_load %arg12[%get3A_263, %get3A_264] {strides = array<i32>} : memref<80x144xf32, #tpu.memory_space<vmem>>, vector<16xf32>,
        %mul3A_266 = arith.mulf %get3A_265, %gather3A_254 : vector<16xf32>
        %get3A_267 = arith.index_cast %add3A_187 : i32 to index
        %get3A_268 = arith.constant 48 : index
        %get3A_269 = tpu.vector_load %arg12[%get3A_267, %get3A_268] {strides = array<i32>} : memref<80x144xf32, #tpu.memory_space<vmem>>, vector<16xf32>,
        %mul3A_270 = arith.mulf %get3A_269, %gather3A_254 : vector<16xf32>
        %get3A_271 = arith.index_cast %add3A_187 : i32 to index
        %get3A_272 = arith.constant 64 : index
        %get3A_273 = tpu.vector_load %arg12[%get3A_271, %get3A_272] {strides = array<i32>} : memref<80x144xf32, #tpu.memory_space<vmem>>, vector<16xf32>,
        %mul3A_274 = arith.mulf %get3A_273, %gather3A_254 : vector<16xf32>
        %get3A_275 = arith.index_cast %add3A_187 : i32 to index
        %get3A_276 = arith.constant 80 : index
        %get3A_277 = tpu.vector_load %arg12[%get3A_275, %get3A_276] {strides = array<i32>} : memref<80x144xf32, #tpu.memory_space<vmem>>, vector<16xf32>,
        %mul3A_278 = arith.mulf %get3A_277, %gather3A_254 : vector<16xf32>
        %get3A_279 = arith.index_cast %add3A_187 : i32 to index
        %get3A_280 = arith.constant 96 : index
        %get3A_281 = tpu.vector_load %arg12[%get3A_279, %get3A_280] {strides = array<i32>} : memref<80x144xf32, #tpu.memory_space<vmem>>, vector<16xf32>,
        %mul3A_282 = arith.mulf %get3A_281, %gather3A_254 : vector<16xf32>
        %get3A_283 = arith.index_cast %add3A_187 : i32 to index
        %get3A_284 = arith.constant 112 : index
        %get3A_285 = tpu.vector_load %arg12[%get3A_283, %get3A_284] {strides = array<i32>} : memref<80x144xf32, #tpu.memory_space<vmem>>, vector<16xf32>,
        %mul3A_286 = arith.mulf %get3A_285, %gather3A_254 : vector<16xf32>
        %swap3A_287 = arith.index_cast %add3A_187 : i32 to index
        %swap3A_288 = arith.constant 0 : index
        %swap3A_289 = tpu.vector_load %arg12[%swap3A_287, %swap3A_288] {strides = array<i32>} : memref<80x144xf32, #tpu.memory_space<vmem>>, vector<16xf32>,
        tpu.vector_store %arg12[%swap3A_287, %swap3A_288], %mul3A_258 {strides = array<i32>} : memref<80x144xf32, #tpu.memory_space<vmem>>, vector<16xf32>,
        %swap3A_290 = arith.index_cast %add3A_187 : i32 to index
        %swap3A_291 = arith.constant 16 : index
        %swap3A_292 = tpu.vector_load %arg12[%swap3A_290, %swap3A_291] {strides = array<i32>} : memref<80x144xf32, #tpu.memory_space<vmem>>, vector<16xf32>,
        tpu.vector_store %arg12[%swap3A_290, %swap3A_291], %mul3A_262 {strides = array<i32>} : memref<80x144xf32, #tpu.memory_space<vmem>>, vector<16xf32>,
        %swap3A_293 = arith.index_cast %add3A_187 : i32 to index
        %swap3A_294 = arith.constant 32 : index
        %swap3A_295 = tpu.vector_load %arg12[%swap3A_293, %swap3A_294] {strides = array<i32>} : memref<80x144xf32, #tpu.memory_space<vmem>>, vector<16xf32>,
        tpu.vector_store %arg12[%swap3A_293, %swap3A_294], %mul3A_266 {strides = array<i32>} : memref<80x144xf32, #tpu.memory_space<vmem>>, vector<16xf32>,
        %swap3A_296 = arith.index_cast %add3A_187 : i32 to index
        %swap3A_297 = arith.constant 48 : index
        %swap3A_298 = tpu.vector_load %arg12[%swap3A_296, %swap3A_297] {strides = array<i32>} : memref<80x144xf32, #tpu.memory_space<vmem>>, vector<16xf32>,
        tpu.vector_store %arg12[%swap3A_296, %swap3A_297], %mul3A_270 {strides = array<i32>} : memref<80x144xf32, #tpu.memory_space<vmem>>, vector<16xf32>,
        %swap3A_299 = arith.index_cast %add3A_187 : i32 to index
        %swap3A_300 = arith.constant 64 : index
        %swap3A_301 = tpu.vector_load %arg12[%swap3A_299, %swap3A_300] {strides = array<i32>} : memref<80x144xf32, #tpu.memory_space<vmem>>, vector<16xf32>,
        tpu.vector_store %arg12[%swap3A_299, %swap3A_300], %mul3A_274 {strides = array<i32>} : memref<80x144xf32, #tpu.memory_space<vmem>>, vector<16xf32>,
        %swap3A_302 = arith.index_cast %add3A_187 : i32 to index
        %swap3A_303 = arith.constant 80 : index
        %swap3A_304 = tpu.vector_load %arg12[%swap3A_302, %swap3A_303] {strides = array<i32>} : memref<80x144xf32, #tpu.memory_space<vmem>>, vector<16xf32>,
        tpu.vector_store %arg12[%swap3A_302, %swap3A_303], %mul3A_278 {strides = array<i32>} : memref<80x144xf32, #tpu.memory_space<vmem>>, vector<16xf32>,
        %swap3A_305 = arith.index_cast %add3A_187 : i32 to index
        %swap3A_306 = arith.constant 96 : index
        %swap3A_307 = tpu.vector_load %arg12[%swap3A_305, %swap3A_306] {strides = array<i32>} : memref<80x144xf32, #tpu.memory_space<vmem>>, vector<16xf32>,
        tpu.vector_store %arg12[%swap3A_305, %swap3A_306], %mul3A_282 {strides = array<i32>} : memref<80x144xf32, #tpu.memory_space<vmem>>, vector<16xf32>,
        %swap3A_308 = arith.index_cast %add3A_187 : i32 to index
        %swap3A_309 = arith.constant 112 : index
        %swap3A_310 = tpu.vector_load %arg12[%swap3A_308, %swap3A_309] {strides = array<i32>} : memref<80x144xf32, #tpu.memory_space<vmem>>, vector<16xf32>,
        tpu.vector_store %arg12[%swap3A_308, %swap3A_309], %mul3A_286 {strides = array<i32>} : memref<80x144xf32, #tpu.memory_space<vmem>>, vector<16xf32>,
        %jit3A_311 = arith.constant 0.000000e+00 : f32
        %broadcast_in_dim3A_312 = vector.broadcast %jit3A_311 : f32 to vector<16xf32>
        %select_n3A_313 = arith.select %eq3A_16, %gather3A_254, %broadcast_in_dim3A_312 : vector<16xi1>, vector<16xf32>
        %swap3A_314 = arith.index_cast %add3A_187 : i32 to index
        %swap3A_315 = arith.constant 128 : index
        %swap3A_316 = tpu.vector_load %arg12[%swap3A_314, %swap3A_315] {strides = array<i32>} : memref<80x144xf32, #tpu.memory_space<vmem>>, vector<16xf32>,
        tpu.vector_store %arg12[%swap3A_314, %swap3A_315], %select_n3A_313 {strides = array<i32>} : memref<80x144xf32, #tpu.memory_space<vmem>>, vector<16xf32>,
      }
      %scan3A_169 = arith.constant 8 : i32
      %run_scoped3A_170 = arith.constant 24 : i32
      "tpu.region"() ({
        %run_scoped3A_181 = tpu.sem_alloc : memref<!tpu.dma_semaphore, #tpu.memory_space<semaphore_mem>>
        %dma_start3A_182 = arith.constant 64 : i32
        %dma_start3A_183 = arith.constant 0 : i32
        %dma_start3A_184 = tpu.memref_slice %arg12[%dma_start3A_182, %dma_start3A_183] : memref<80x144xf32, #tpu.memory_space<vmem>> -> memref<16x144xf32, #tpu.memory_space<vmem>>
        %dma_start3A_185 = arith.constant 0 : i32
        %dma_start3A_186 = tpu.memref_slice %arg11[%run_scoped3A_170, %dma_start3A_185] : memref<25x16xi32, #tpu.memory_space<vmem>> -> memref<1x16xi32, #tpu.memory_space<vmem>>
        %dma_start3A_187 = tpu.memref_squeeze %dma_start3A_186 : memref<1x16xi32, #tpu.memory_space<vmem>> -> memref<16xi32, #tpu.memory_space<vmem>>
        %dma_start3A_188 = arith.constant 0 : i32
        %dma_start3A_189 = arith.constant 0 : i32
        %dma_start3A_190 = tpu.memref_slice %arg15[%dma_start3A_188, %dma_start3A_189] : memref<10000x144xf32, #tpu.memory_space<vmem_shared>> -> memref<10000x144xf32, #tpu.memory_space<vmem_shared>>
        tpu.enqueue_indirect_dma source(%dma_start3A_184 : memref<16x144xf32, #tpu.memory_space<vmem>>) target(%dma_start3A_190 : memref<10000x144xf32, #tpu.memory_space<vmem_shared>>) offsets(%dma_start3A_187 : memref<16xi32, #tpu.memory_space<vmem>>) semaphore(%run_scoped3A_181 : memref<!tpu.dma_semaphore, #tpu.memory_space<semaphore_mem>>) {add = true}
        %dma_wait3A_191 = arith.constant 64 : i32
        %dma_wait3A_192 = arith.constant 0 : i32
        %dma_wait3A_193 = tpu.memref_slice %arg12[%dma_wait3A_191, %dma_wait3A_192] : memref<80x144xf32, #tpu.memory_space<vmem>> -> memref<16x144xf32, #tpu.memory_space<vmem>>
        %dma_wait3A_194 = arith.constant 0 : i32
        %dma_wait3A_195 = tpu.memref_slice %arg11[%run_scoped3A_170, %dma_wait3A_194] : memref<25x16xi32, #tpu.memory_space<vmem>> -> memref<1x16xi32, #tpu.memory_space<vmem>>
        %dma_wait3A_196 = tpu.memref_squeeze %dma_wait3A_195 : memref<1x16xi32, #tpu.memory_space<vmem>> -> memref<16xi32, #tpu.memory_space<vmem>>
        %dma_wait3A_197 = arith.constant 0 : i32
        %dma_wait3A_198 = arith.constant 0 : i32
        %dma_wait3A_199 = tpu.memref_slice %arg15[%dma_wait3A_197, %dma_wait3A_198] : memref<10000x144xf32, #tpu.memory_space<vmem_shared>> -> memref<10000x144xf32, #tpu.memory_space<vmem_shared>>
        tpu.wait_indirect_dma semaphore(%run_scoped3A_181 : memref<!tpu.dma_semaphore, #tpu.memory_space<semaphore_mem>>) src(%dma_wait3A_193 : memref<16x144xf32, #tpu.memory_space<vmem>>) dst(%dma_wait3A_199 : memref<10000x144xf32, #tpu.memory_space<vmem_shared>>)
        tpu.yield
      }) : () -> ()
      %dma_wait3A_171 = arith.constant 24 : i32
      %dma_wait3A_172 = arith.constant 0 : i32
      %dma_wait3A_173 = arith.constant 0 : i32
      %dma_wait3A_174 = tpu.memref_slice %arg12[%dma_wait3A_172, %dma_wait3A_173] : memref<80x144xf32, #tpu.memory_space<vmem>> -> memref<64x144xf32, #tpu.memory_space<vmem>>
      %dma_wait3A_175 = arith.constant 0 : i32
      %dma_wait3A_176 = tpu.memref_slice %arg10[%dma_wait3A_171, %dma_wait3A_175] : memref<25x64xi32, #tpu.memory_space<vmem>> -> memref<1x64xi32, #tpu.memory_space<vmem>>
      %dma_wait3A_177 = tpu.memref_squeeze %dma_wait3A_176 : memref<1x64xi32, #tpu.memory_space<vmem>> -> memref<64xi32, #tpu.memory_space<vmem>>
      %dma_wait3A_178 = arith.constant 0 : i32
      %dma_wait3A_179 = arith.constant 0 : i32
      %dma_wait3A_180 = tpu.memref_slice %arg15[%dma_wait3A_178, %dma_wait3A_179] : memref<10000x144xf32, #tpu.memory_space<vmem_shared>> -> memref<10000x144xf32, #tpu.memory_space<vmem_shared>>
      tpu.wait_indirect_dma semaphore(%arg18 : memref<!tpu.dma_semaphore, #tpu.memory_space<semaphore_mem>>) src(%dma_wait3A_174 : memref<64x144xf32, #tpu.memory_space<vmem>>) dst(%dma_wait3A_180 : memref<10000x144xf32, #tpu.memory_space<vmem_shared>>)
    }
    %scan3A_26 = arith.constant 5 : i32
    %barrier3A_27 = arith.constant 0 : index
    tpu.barrier barrier_id(%barrier3A_27)
    "tpu.region"() ({
      %run_scoped3A_28 = tpu.sem_alloc : memref<!tpu.dma_semaphore, #tpu.memory_space<semaphore_mem>>
      %dma_start3A = arith.constant 0 : i32
      %dma_start3A_29 = tpu.memref_slice %arg7[%arg0, %mul3A_7, %dma_start3A] : memref<2x10000x144xf32, #tpu.memory_space<hbm>> -> memref<1x625x144xf32, #tpu.memory_space<hbm>>
      %dma_start3A_30 = tpu.memref_squeeze %dma_start3A_29 : memref<1x625x144xf32, #tpu.memory_space<hbm>> -> memref<625x144xf32, #tpu.memory_space<hbm>>
      %dma_start3A_31 = arith.constant 0 : i32
      %dma_start3A_32 = tpu.memref_slice %arg15[%mul3A_7, %dma_start3A_31] : memref<10000x144xf32, #tpu.memory_space<vmem_shared>> -> memref<625x144xf32, #tpu.memory_space<vmem_shared>>
      tpu.enqueue_dma source(%dma_start3A_32 : memref<625x144xf32, #tpu.memory_space<vmem_shared>>) target(%dma_start3A_30 : memref<625x144xf32, #tpu.memory_space<hbm>>) target_semaphore(%run_scoped3A_28 : memref<!tpu.dma_semaphore, #tpu.memory_space<semaphore_mem>>)
      %dma_wait3A = arith.constant 0 : i32
      %dma_wait3A_33 = tpu.memref_slice %arg7[%arg0, %mul3A_7, %dma_wait3A] : memref<2x10000x144xf32, #tpu.memory_space<hbm>> -> memref<1x625x144xf32, #tpu.memory_space<hbm>>
      %dma_wait3A_34 = tpu.memref_squeeze %dma_wait3A_33 : memref<1x625x144xf32, #tpu.memory_space<hbm>> -> memref<625x144xf32, #tpu.memory_space<hbm>>
      %dma_wait3A_35 = arith.constant 0 : i32
      %dma_wait3A_36 = tpu.memref_slice %arg15[%mul3A_7, %dma_wait3A_35] : memref<10000x144xf32, #tpu.memory_space<vmem_shared>> -> memref<625x144xf32, #tpu.memory_space<vmem_shared>>
      tpu.wait_dma2 semaphore(%run_scoped3A_28 : memref<!tpu.dma_semaphore, #tpu.memory_space<semaphore_mem>>) src(%dma_wait3A_36 : memref<625x144xf32, #tpu.memory_space<vmem_shared>>) dst(%dma_wait3A_34 : memref<625x144xf32, #tpu.memory_space<hbm>>)
      tpu.yield
    }) : () -> ()
    return
  }
}

module attributes {stable_mosaic.version = 14 : i64} {
  func.func @body(%arg0: memref<10000x128xf32, #tpu.memory_space<vmem>>, %arg1: memref<2x4000x80xi32, #tpu.memory_space<vmem>>, %arg2: memref<128x128xf32, #tpu.memory_space<vmem>>, %arg3: memref<256x1xf32, #tpu.memory_space<vmem>>, %arg4: memref<10000x144xf32, #tpu.memory_space<vmem>>, %arg5: memref<1x10000xf32, #tpu.memory_space<vmem>>, %arg6: memref<4000x64xi32, #tpu.memory_space<vmem>>, %arg7: memref<4000x16xi32, #tpu.memory_space<vmem>>) attributes {dimension_semantics = [], scalar_prefetch = 0 : i64, scratch_operands = 0 : i64, tpu.core_type = #tpu.core_type<tc>} {
    %get3A = arith.constant 0 : index
    %get3A_0 = arith.constant 0 : index
    %get3A_1 = vector.load %arg0[%get3A, %get3A_0] : memref<10000x128xf32, #tpu.memory_space<vmem>>, vector<10000x128xf32>
    %get3A_2 = arith.constant 0 : index
    %get3A_3 = arith.constant 0 : index
    %get3A_4 = vector.load %arg2[%get3A_2, %get3A_3] : memref<128x128xf32, #tpu.memory_space<vmem>>, vector<128x128xf32>
    %dot_general3A = arith.constant dense<0.000000e+00> : vector<10000x128xf32>
    %dot_general3A_5 = tpu.matmul %get3A_1, %get3A_4, %dot_general3A {dimension_numbers = #tpu.dot_dimension_numbers<[1], [0], [0], [1], [0, 0, 1, 1], [], []>, transpose_lhs_hint = false} : vector<10000x128xf32>, vector<128x128xf32>, vector<10000x128xf32> -> vector<10000x128xf32>
    %get3A_6 = arith.constant 0 : index
    %get3A_7 = arith.constant 0 : index
    %get3A_8 = vector.load %arg3[%get3A_6, %get3A_7] : memref<256x1xf32, #tpu.memory_space<vmem>>, vector<128x1xf32>
    %dot_general3A_9 = arith.constant dense<0.000000e+00> : vector<10000x1xf32>
    %dot_general3A_10 = tpu.matmul %dot_general3A_5, %get3A_8, %dot_general3A_9 {dimension_numbers = #tpu.dot_dimension_numbers<[1], [0], [0], [1], [0, 0, 1, 1], [], []>, transpose_lhs_hint = false} : vector<10000x128xf32>, vector<128x1xf32>, vector<10000x1xf32> -> vector<10000x1xf32>
    %broadcast_in_dim3A = vector.shape_cast %dot_general3A_10 : vector<10000x1xf32> to vector<10000x1xf32>
    %broadcast_in_dim3A_11 = vector.broadcast %broadcast_in_dim3A : vector<10000x1xf32> to vector<10000x16xf32>
    %concatenate3A = tpu.concatenate %dot_general3A_5, %broadcast_in_dim3A_11 in 1 : vector<10000x128xf32>, vector<10000x16xf32> -> vector<10000x144xf32>
    %swap3A = arith.constant 0 : index
    %swap3A_12 = arith.constant 0 : index
    %swap3A_13 = vector.load %arg4[%swap3A, %swap3A_12] : memref<10000x144xf32, #tpu.memory_space<vmem>>, vector<10000x144xf32>
    tpu.vector_store %arg4[%swap3A, %swap3A_12], %concatenate3A {strides = array<i32>} : memref<10000x144xf32, #tpu.memory_space<vmem>>, vector<10000x144xf32>,
    %get3A_14 = arith.constant 128 : index
    %get3A_15 = arith.constant 0 : index
    %get3A_16 = vector.load %arg3[%get3A_14, %get3A_15] : memref<256x1xf32, #tpu.memory_space<vmem>>, vector<128x1xf32>
    %dot_general3A_17 = arith.constant dense<0.000000e+00> : vector<1x10000xf32>
    %dot_general3A_18 = tpu.matmul %get3A_16, %dot_general3A_5, %dot_general3A_17 {dimension_numbers = #tpu.dot_dimension_numbers<[0], [1], [1], [0], [0, 1, 1, 0], [], []>, transpose_lhs_hint = false} : vector<128x1xf32>, vector<10000x128xf32>, vector<1x10000xf32> -> vector<1x10000xf32>
    %swap3A_19 = arith.constant 0 : index
    %swap3A_20 = arith.constant 0 : index
    %swap3A_21 = vector.load %arg5[%swap3A_19, %swap3A_20] : memref<1x10000xf32, #tpu.memory_space<vmem>>, vector<1x10000xf32>
    tpu.vector_store %arg5[%swap3A_19, %swap3A_20], %dot_general3A_18 {strides = array<i32>} : memref<1x10000xf32, #tpu.memory_space<vmem>>, vector<1x10000xf32>,
    %get3A_22 = arith.constant 1 : index
    %get3A_23 = arith.constant 0 : index
    %get3A_24 = arith.constant 0 : index
    %get3A_25 = vector.load %arg1[%get3A_22, %get3A_23, %get3A_24] : memref<2x4000x80xi32, #tpu.memory_space<vmem>>, vector<1x4000x80xi32>
    %get3A_26 = vector.shape_cast %get3A_25 : vector<1x4000x80xi32> to vector<4000x80xi32>
    %slice3A = vector.extract_strided_slice %get3A_26 {offsets = [0, 0], sizes = [4000, 64], strides = [1, 1]} : vector<4000x80xi32> to vector<4000x64xi32>
    %swap3A_27 = arith.constant 0 : index
    %swap3A_28 = arith.constant 0 : index
    %swap3A_29 = vector.load %arg6[%swap3A_27, %swap3A_28] : memref<4000x64xi32, #tpu.memory_space<vmem>>, vector<4000x64xi32>
    tpu.vector_store %arg6[%swap3A_27, %swap3A_28], %slice3A {strides = array<i32>} : memref<4000x64xi32, #tpu.memory_space<vmem>>, vector<4000x64xi32>,
    %slice3A_30 = vector.extract_strided_slice %get3A_26 {offsets = [0, 64], sizes = [4000, 16], strides = [1, 1]} : vector<4000x80xi32> to vector<4000x16xi32>
    %swap3A_31 = arith.constant 0 : index
    %swap3A_32 = arith.constant 0 : index
    %swap3A_33 = vector.load %arg7[%swap3A_31, %swap3A_32] : memref<4000x16xi32, #tpu.memory_space<vmem>>, vector<4000x16xi32>
    tpu.vector_store %arg7[%swap3A_31, %swap3A_32], %slice3A_30 {strides = array<i32>} : memref<4000x16xi32, #tpu.memory_space<vmem>>, vector<4000x16xi32>,
    return
  }
}

module attributes {stable_mosaic.version = 14 : i64} {
  func.func @body(%arg0: memref<2x10000x144xf32, #tpu.memory_space<vmem>>, %arg1: memref<10000x128xf32, #tpu.memory_space<vmem>>) attributes {dimension_semantics = [], scalar_prefetch = 0 : i64, scratch_operands = 0 : i64, tpu.core_type = #tpu.core_type<tc>} {
    %get3A = arith.constant 0 : index
    %get3A_0 = arith.constant 0 : index
    %get3A_1 = arith.constant 0 : index
    %get3A_2 = vector.load %arg0[%get3A, %get3A_0, %get3A_1] : memref<2x10000x144xf32, #tpu.memory_space<vmem>>, vector<1x10000x144xf32>
    %get3A_3 = vector.shape_cast %get3A_2 : vector<1x10000x144xf32> to vector<10000x144xf32>
    %get3A_4 = arith.constant 1 : index
    %get3A_5 = arith.constant 0 : index
    %get3A_6 = arith.constant 0 : index
    %get3A_7 = vector.load %arg0[%get3A_4, %get3A_5, %get3A_6] : memref<2x10000x144xf32, #tpu.memory_space<vmem>>, vector<1x10000x144xf32>
    %get3A_8 = vector.shape_cast %get3A_7 : vector<1x10000x144xf32> to vector<10000x144xf32>
    %slice3A = vector.extract_strided_slice %get3A_3 {offsets = [0, 0], sizes = [10000, 128], strides = [1, 1]} : vector<10000x144xf32> to vector<10000x128xf32>
    %slice3A_9 = vector.extract_strided_slice %get3A_8 {offsets = [0, 0], sizes = [10000, 128], strides = [1, 1]} : vector<10000x144xf32> to vector<10000x128xf32>
    %add3A = arith.addf %slice3A, %slice3A_9 : vector<10000x128xf32>
    %slice3A_10 = vector.extract_strided_slice %get3A_3 {offsets = [0, 128], sizes = [10000, 1], strides = [1, 1]} : vector<10000x144xf32> to vector<10000x1xf32>
    %slice3A_11 = vector.extract_strided_slice %get3A_8 {offsets = [0, 128], sizes = [10000, 1], strides = [1, 1]} : vector<10000x144xf32> to vector<10000x1xf32>
    %add3A_12 = arith.addf %slice3A_10, %slice3A_11 : vector<10000x1xf32>
    %add3A_13 = arith.constant 9.99999993E-9 : f32
    %add3A_14 = vector.broadcast %add3A_13 : f32 to vector<10000x1xf32>
    %add3A_15 = arith.addf %add3A_12, %add3A_14 : vector<10000x1xf32>
    %div3A = vector.broadcast %add3A_15 : vector<10000x1xf32> to vector<10000x128xf32>
    %div3A_16 = arith.divf %add3A, %div3A : vector<10000x128xf32>
    %gt3A = arith.constant 0.000000e+00 : f32
    %gt3A_17 = vector.broadcast %gt3A : f32 to vector<10000x128xf32>
    %gt3A_18 = arith.cmpf ogt, %div3A_16, %gt3A_17 : vector<10000x128xf32>
    %exp3A = math.exp %div3A_16 : vector<10000x128xf32>
    %sub3A = arith.constant 1.000000e+00 : f32
    %sub3A_19 = vector.broadcast %sub3A : f32 to vector<10000x128xf32>
    %sub3A_20 = arith.subf %exp3A, %sub3A_19 : vector<10000x128xf32>
    %select_n3A = arith.select %gt3A_18, %div3A_16, %sub3A_20 : vector<10000x128xi1>, vector<10000x128xf32>
    %swap3A = arith.constant 0 : index
    %swap3A_21 = arith.constant 0 : index
    %swap3A_22 = vector.load %arg1[%swap3A, %swap3A_21] : memref<10000x128xf32, #tpu.memory_space<vmem>>, vector<10000x128xf32>
    tpu.vector_store %arg1[%swap3A, %swap3A_21], %select_n3A {strides = array<i32>} : memref<10000x128xf32, #tpu.memory_space<vmem>>, vector<10000x128xf32>,
    return
  }
}

</mosaic_0001>

<sc_bundles>
// kernel: kernel.5.cloned.1.call-start
scs
__scs_entry_jumppad:
0x0: {  	(pc) =	sbr.rel $0x88, $3  }
0x1: {  	(tag) =	ssettag $0x0;
	lr =	simm.s32 $0x1  }
0x2: {  	[smem:$0x3F9D] =	sst lr;
	_ =	strace $0xD0000000  }
0x3: {  	_ = 	snop  }
0x4: {  	_ = 	snop  }
0x5: {  	_ = 	snop  }
0x6: {  	_ = 	snop  }
0x7: {  	_ = 	snop  }
__scs_overlays_trampoline_lowered:
0x8: {  	[smem:$0x3FAC] =	sst s0  }
0x9: {  	[smem:$0x3FAD] =	sst s1  }
0xa: {  	[smem:$0x3FAE] =	sst s2  }
0xb: {  	[smem:$0x3FAF] =	sst s3  }
0xc: {  	[smem:$0x3FB0] =	sst s4  }
0xd: {  	[smem:$0x3FB1] =	sst s5  }
0xe: {  	[smem:$0x3FB2] =	sst s6  }
0xf: {  	[smem:$0x3FB3] =	sst s7  }
0x10: {  	[smem:$0x3FB4] =	sst s8  }
0x11: {  	[smem:$0x3FB5] =	sst s9;
	s0 =	simm.s32 @!p0 $0x0  }
0x12: {  	s1 =	sld [smem:$0x3F9B];
	s0 =	simm.s32 @p0 $0x1  }
0x13: {  	[smem:$0x3FB6] =	sst s0;
	s0 =	simm.s32 @!p1 $0x0  }
0x14: {  	s2 =	sld [smem:$0x3F9A];
	s0 =	simm.s32 @p1 $0x1  }
0x15: {  	[smem:$0x3FB7] =	sst s0;
	s0 =	simm.s32 @!p2 $0x0  }
0x16: {  	s3 =	sld [smem:$0x3FDB];
	s0 =	simm.s32 @p2 $0x1  }
0x17: {  	s4 =	simm.s32 $0x1BF5;
	[smem:$0x3FB9] =	sst s0  }
0x18: {  	s0 =	sld [smem:$0x3F9C];
	_ =	swait.ge [sflag:s4], $0x0  }
0x19: {  	s7 =	sld [smem:$0x3F9D]  }
0x1a: {  	s8 =	sadd.s32 $0xFFFFE003, lr  }
0x1b: {  	s9 =	sadd.s32 $0xFFFFFEF7, lr;
	s5 =	simm.s32 $0xFFFFFFFF;
	p2 =	slt.u32 s8, $0xFFFFF086  }
0x1c: {  	p1 =	slt.u32 s9, $0xF7A;
	s5 =	simm.s32 @!p2 $0x0  }
0x1d: {  	s5 =	simm.s32 @p1 $0x1;
	p0 =	seq.s32 s7, s2  }
0x1e: {  	s7 =	smul.u32 @!p0 $0xF7A, s2;
	p2 =	seq.s32 @!p0 s5, $0x0  }
0x1f: {  	s9 =	smul.u32 $0xF7A, s1;
	s8 =	simm.s32 @!p0 $0x1BF5;
	p2 =	por !p2, p0  }
0x20: {  	[sflag:s8] =	ssyncset.s32 @!p0 $0xFFFFF086;
	s6 =	sadd.s32 @!p0 s3, s7;
	s7 =	simm.s32 @!p0 $0x108  }
0x21: {  	s3 =	sadd.s32 s3, s9;
	s6 =	sadd.s32 @!p0 $0x88, s6;
	s7 =	simm.s32 @p2 $0x1082  }
0x22: {  	[simem:s7], [sflag:s8] =	dma.local @!p0 [hbm:s6], $0xF7A  }
0x23: {  	s9 =	sor.u32 $0xD0000000, s2;
	s6 =	simm.s32 $0x108;
	_ =	swait.ge @!p0 [sflag:s8], $0x0  }
0x24: {  	s3 =	sadd.s32 $0x88, s3;
	s6 =	simm.s32 @!p1 $0x1082;
	[sflag:s4] =	ssyncset.s32 $0xFFFFF086  }
0x25: {  	[simem:s6], [sflag:s4] =	dma.local [hbm:s3], $0xF7A  }
0x26: {  	[smem:$0x3F9D] =	sst s1;
	(tag) =	ssettag s2;
	_ =	strace s9  }
0x27: {  	s1 =	sld [smem:$0x3FAD]  }
0x28: {  	s2 =	sld [smem:$0x3FAE]  }
0x29: {  	s4 =	sld [smem:$0x3FB0]  }
0x2a: {  	p0 =	seq.s32 s5, $0x0;
	s5 =	sld [smem:$0x3FB1]  }
0x2b: {  	s6 =	sld [smem:$0x3FB2]  }
0x2c: {  	s7 =	sld [smem:$0x3FB3]  }
0x2d: {  	s3 =	simm.s32 $0x108;
	s8 =	sld [smem:$0x3FB4]  }
0x2e: {  	s3 =	simm.s32 @!p0 $0x1082;
	s9 =	sld [smem:$0x3FB5]  }
0x2f: {  	lr =	sadd.s32 s0, s3;
	s0 =	sld [smem:$0x3FAC]  }
0x30: {  	s3 =	sld [smem:$0x3FAF]  }
0x31: {  	[smem:$0x3FB8] =	sst s10  }
0x32: {  	s10 =	sld [smem:$0x3FB6];
	_ =	sdelay $0x3  }
0x33: {  	p0 =	seq.s32 s10, $0x1;
	s10 =	sld [smem:$0x3FB8];
	_ =	sdelay $0x3  }
0x34: {  	[smem:$0x3FB8] =	sst s10  }
0x35: {  	s10 =	sld [smem:$0x3FB7];
	_ =	sdelay $0x3  }
0x36: {  	p1 =	seq.s32 s10, $0x1;
	s10 =	sld [smem:$0x3FB8];
	_ =	sdelay $0x3  }
0x37: {  	[smem:$0x3FB8] =	sst s10  }
0x38: {  	s10 =	sld [smem:$0x3FB9]  }
0x39: {  	_ = 	snop;
	(pc) =	sbr.ind lr, $3  }
0x3a: {  	_ = 	snop  }
0x3b: {  	_ = 	snop  }
0x3c: {  	p2 =	seq.s32 s10, $0x1;
	s10 =	sld [smem:$0x3FB8]  }
0x3d: {  	_ =	shalt  }
0x3e: {  	_ =	shalt  }
0x3f: {  	_ =	shalt  }
0x40: {  	_ =	shalt  }
0x41: {  	_ =	shalt  }
0x42: {  	_ =	shalt  }
0x43: {  	_ =	shalt  }
0x44: {  	_ =	shalt  }
0x45: {  	_ =	shalt  }
0x46: {  	_ =	shalt  }
0x47: {  	_ =	shalt  }
0x48: {  	_ =	shalt  }
0x49: {  	_ =	shalt  }
0x4a: {  	_ =	shalt  }
0x4b: {  	_ =	shalt  }
0x4c: {  	_ =	shalt  }
0x4d: {  	_ =	shalt  }
0x4e: {  	_ =	shalt  }
0x4f: {  	_ =	shalt  }
0x50: {  	_ =	shalt  }
0x51: {  	_ =	shalt  }
0x52: {  	_ =	shalt  }
0x53: {  	_ =	shalt  }
0x54: {  	_ =	shalt  }
0x55: {  	_ =	shalt  }
0x56: {  	_ =	shalt  }
0x57: {  	_ =	shalt  }
0x58: {  	_ =	shalt  }
0x59: {  	_ =	shalt  }
0x5a: {  	_ =	shalt  }
0x5b: {  	_ =	shalt  }
0x5c: {  	_ =	shalt  }
0x5d: {  	_ =	shalt  }
0x5e: {  	_ =	shalt  }
0x5f: {  	_ =	shalt  }
0x60: {  	_ =	shalt  }
0x61: {  	_ =	shalt  }
0x62: {  	_ =	shalt  }
0x63: {  	_ =	shalt  }
0x64: {  	_ =	shalt  }
0x65: {  	_ =	shalt  }
0x66: {  	_ =	shalt  }
0x67: {  	_ =	shalt  }
0x68: {  	_ =	shalt  }
0x69: {  	_ =	shalt  }
0x6a: {  	_ =	shalt  }
0x6b: {  	_ =	shalt  }
0x6c: {  	_ =	shalt  }
0x6d: {  	_ =	shalt  }
0x6e: {  	_ =	shalt  }
0x6f: {  	_ =	shalt  }
0x70: {  	_ =	shalt  }
0x71: {  	_ =	shalt  }
0x72: {  	_ =	shalt  }
0x73: {  	_ =	shalt  }
0x74: {  	_ =	shalt  }
0x75: {  	_ =	shalt  }
0x76: {  	_ =	shalt  }
0x77: {  	_ =	shalt  }
0x78: {  	_ =	shalt  }
0x79: {  	_ =	shalt  }
0x7a: {  	_ =	shalt  }
0x7b: {  	_ =	shalt  }
0x7c: {  	_ =	shalt  }
0x7d: {  	_ =	shalt  }
0x7e: {  	_ =	shalt  }
0x7f: {  	_ =	shalt  }
0x80: {  	_ =	shalt  }
0x81: {  	_ =	shalt  }
0x82: {  	_ =	shalt  }
0x83: {  	_ =	shalt  }
0x84: {  	_ =	shalt  }
0x85: {  	_ =	shalt  }
0x86: {  	_ =	shalt  }
0x87: {  	_ =	shalt  }
.Lfunc_end0:
.L_simem_size_0:
called_computation_lowered:
.L_overlay_start_0:
0x88: {  	s2 =	sld [smem:$0x3FD9]  }
0x89: {  	s3 =	sld [smem:$0x3FFE];
	_ =	sdelay $0x1  }
0x8a: {  	s1 =	srdreg.scid  }
0x8b: {  	s0 =	sand.u32 $0x1, s1  }
0x8c: {  	s17 =	sshll.u32 s0, $0xA;
	s2 =	sadd.s32 s3, s2  }
0x8d: {  	s2 =	sadd.s32 s2, s17  }
0x8e: {  	[smem:$0x3FC4] =	sst s2  }
0x8f: {  	_ = 	snop  }
0x90: {  	s2 =	sld [smem:$0x3FD0];
	(tm) =	ssettm $0x1  }
0x91: {  	s18 =	sld [smem:$0x3FFB];
	_ =	sdelay $0x3  }
0x92: {  	_ =	strace s18  }
0x93: {  	s3 =	sld [smem:$0x3FFC];
	_ =	sdelay $0x3  }
0x94: {  	_ =	strace s3  }
0x95: {  	s3 =	sld [smem:$0x3FFD];
	_ =	sdelay $0x3  }
0x96: {  	_ =	strace s3  }
0x97: {  	_ =	strace $0x8FFFFFFF  }
0x98: {  	s19 =	sld [smem:$0x3FDB];
	_ =	sdelay $0x1  }
0x99: {  	s4 =	simm.s32 $_scs_section_size  }
0x9a: {  	s5 =	simm.s32 $_size__tile_overlayer_lowered;
	s6 =	simm.s32 $_tile_overlayer_lowered  }
0x9b: {  	s22 =	simm.s32 $0x1BFF;
	s21 =	sshll.u32 s6, $0x1;
	s3 =	sadd.s32 s4, s19  }
0x9c: {  	s7 =	simm.s32 $0x0;
	s20 =	sshll.u32 s5, $0x1;
	s5 =	sadd.s32 s21, s3  }
0x9d: {  	[timem:s7], [sflag:s22] =	dma.local [hbm:s5], s20  }
0x9e: {  	_ =	swait.ge [sflag:s22], s20  }
0x9f: {  	s4 =	ssub.s32 $0x0, s20;
	[sflag:s22] =	ssyncset.done $0x0  }
0xa0: {  	[sflag:s22] =	ssyncadd.s32 s4;
	_ =	sdelay $0x1  }
0xa1: {  	s23 =	simm.s32 $0x1B8B  }
0xa2: {  	_ =	swait.ge [sflag:s23], $0x1  }
0xa3: {  	[sflag:s23] =	ssyncset.done $0x0  }
0xa4: {  	s25 =	simm.s32 $0x1B8E;
	s24 =	sld [smem:$0x3FFE];
	[sflag:s23] =	ssyncadd.s32 $0xFFFFFFFF  }
0xa5: {  	s26 =	simm.s32 $execute0_lowered;
	[smem:$0x3FD2] =	sst s25  }
0xa6: {  	s5 =	sshll.u32 s26, $0x1;
	_ =	strace $0x80000046;
	[dreg:$0x1] =	wrdreg $0xFFFFFFFF  }
0xa7: {  	s28 =	simm.s32 $_size_execute0_lowered;
	s3 =	sadd.s32 s3, s5;
	[dreg:$0x0] =	wrdreg $0x0  }
0xa8: {  	s5 =	sshll.u32 s28, $0x1;
	[dreg:$0x2] =	wrdreg s3  }
0xa9: {  	[dreg:$0x3] =	wrdreg s5  }
0xaa: {  	[dreg:$0x4] =	wrdreg $0xC0  }
0xab: {  	_ =	task [dreg:s7], $0x5FFFF  }
0xac: {  	[dreg:$0x1] =	wrdreg $0xFFFFFFFF  }
0xad: {  	[dreg:$0x0] =	wrdreg $0x60  }
0xae: {  	[dreg:$0x2] =	wrdreg s24  }
0xaf: {  	[dreg:$0x3] =	wrdreg s2  }
0xb0: {  	[dreg:$0x4] =	wrdreg $0x91000  }
0xb1: {  	[dreg:$0x5] =	wrdreg $0x9  }
0xb2: {  	_ =	task.clear_ibuf [dreg:s7], $0x6FFFF;
	_ =	strace $0x90000046  }
0xb3: {  	s29 =	simm.s32 $0x9;
	_ =	strace $0x80000048  }
0xb4: {  	_ =	swait.ge [sflag:s29], $0x1  }
0xb5: {  	[sflag:s29] =	ssyncadd.s32 $0xFFFFFFFF  }
0xb6: {  	_ =	strace $0x90000048  }
0xb7: {  	_ =	sfence  }
0xb8: {  	s30 =	sld [smem:$0x0];
	_ =	sdelay $0x2  }
0xb9: {  	s31 =	sshll.u32 s1, $0xD;
	s1 =	sshrl.u32 s1, $0x2  }
0xba: {  	s3 =	sand.u32 $0x4000, s31;
	s1 =	sadd.s32 s1, s30  }
0xbb: {  	s0 =	sor.u32 s3, s0;
	s1 =	sshll.u32 s1, $0x11  }
0xbc: {  	s0 =	sor.u32 s1, s0  }
0xbd: {  	s0 =	sadd.s32 $0x8F2B, s0  }
0xbe: {  	[sflag:s0] =	ssyncadd.remote.s32 $0x1  }
0xbf: {  	_ =	sfence.sel $0xFFFF  }
0xc0: {  	[dreg:$0x0] =	wrdreg $0xFFFFFFFF;
	(pc) =	sbr.abs _section_cstart, $3  }
0xc1: {  	[dreg:$0x1] =	wrdreg $0xFFFFFFFF  }
0xc2: {  	_ =	task.clear_ibuf [dreg:s7], $0x2FFFF;
	_ =	strace $0x9FFFFFFF  }
0xc3: {  	(tm) =	ssettm $0x7FFFFFFF  }
tec
execute0_lowered:
.L_overlay_start_1:
0x0: {  	(tag) =	ssettag $0x1  }
0x1: {  	s0 =	rddreg [dreg:$0x0]  }
0x2: {  	s2 =	rddreg [dreg:$0x2];
	s1 =	srdreg.scid;
	s4 =	simm.s32 $0x0  }
0x3: {  	s8 =	stileid.u32;
	s29 =	simm.s32 $0x50;
	s30 =	simm.s32 $0x1  }
0x4: {  	s31 =	simm.s32 $0x63B0;
	s12 =	simm.s32 $0x2;
	s14 =	simm.s32 $0x87B0  }
0x5: {  	s15 =	simm.s32 $0x34E0;
	s1 =	sand.u32 $0x1, s1;
	[smem:$0x7FF] =	sst s4  }
0x6: {  	s16 =	smul.u32 $0x15F90, s8;
	s5 =	sadd.s32 $0x4E600, s0;
	s6 =	sadd.s32 $0xA200, s0  }
0x7: {  	s7 =	sadd.s32 $0x2400, s0;
	s17 =	sshll.u32 s8, $0x1;
	s9 =	smul.u32 $0x57E40, s8  }
0x8: {  	s8 =	sadd.s32 $0x400, s0;
	s4 =	simm.s32 $0x10;
	s3 =	smul.u32 $0x15F900, s1  }
0x9: {  	_ =	strace $0x80000047;
	[dreg:$0x4] =	wrdreg s6;
	s18 =	sor.u32 s1, s17  }
0xa: {  	s1 =	ssub.s32 $0x2, s1;
	s19 =	sshrl.u32 s9, $0x2;
	s9 =	smul.u32 $0x2710, s18  }
0xb: {  	s10 =	sshrl.u32 s1, $0x1;
	s11 =	smul.u32 $0x1F40, s18;
	s6 =	sadd.s32 s19, s2  }
0xc: {  	s1 =	ssub.s32 s1, s10;
	s20 =	sadd.s32 $0x13B00, s6;
	[dreg:$0x5] =	wrdreg s6  }
0xd: {  	s13 =	smul.u32 $0x7D0, s18;
	s1 =	smax.u32 s1, $0x1;
	[dreg:$0x6] =	wrdreg s20  }
0xe: {  	s21 =	sadd.s32 s16, s2;
	s22 =	sadd.s32 $0x2D00, s6;
	[dreg:$0x8] =	wrdreg s1  }
0xf: {  	s18 =	simm.s32 $0x0;
	s23 =	sadd.s32 $0x5A00, s6;
	[dreg:$0x9] =	wrdreg s22  }
0x10: {  	s3 =	sadd.s32 s16, s3;
	s24 =	sadd.s32 $0x8700, s6;
	[dreg:$0xa] =	wrdreg s23  }
0x11: {  	s16 =	simm.s32 $0x36A0;
	s25 =	sadd.s32 $0xB400, s6;
	[dreg:$0xb] =	wrdreg s24  }
0x12: {  	s10 =	simm.s32 $0x0;
	s26 =	sadd.s32 $0xE100, s6;
	[dreg:$0xc] =	wrdreg s25  }
0x13: {  	v0 =	vlaneseq.u32;
	s3 =	sshrl.u32 s3, $0x3;
	s28 =	sadd.s32 $0x10E00, s6;
	[dreg:$0xd] =	wrdreg s26  }
0x14: {  	v5 =	vmul.u32 $0x90, v0;
	s6 =	simm.s32 $0x3;
	s0 =	sadd.s32 s3, s0;
	[dreg:$0xe] =	wrdreg s28  }
0x15: {  	vm0 =	vmmov $0x1;
	s22 =	simm.s32 $0x4;
	s23 =	simm.s32 $0x36B0;
	s0 =	sadd.s32 $0x7A600, s0  }
0x16: {  	v0 =	vimm.f32 $0.0e+00;
	v1 =	vadd.s32 $0x80, v5;
	v2 =	vadd.s32 $0x980, v5;
	s24 =	simm.s32 $0x2710;
	[dreg:$0x7] =	wrdreg s0;
	s0 =	sshrl.u32 s21, $0x3  }
0x17: {  	v3 =	vadd.s32 $0x1280, v5;
	v4 =	vadd.s32 $0x1B80, v5;
	v5 =	vadd.s32 $0x2480, v5;
	s3 =	simm.s32 $0x5AB0;
	[dreg:$0xf] =	wrdreg s0;
	s0 =	simm.s32 $0x90B0  }
.LBB2_1:
0x18: {  	[dreg:$0x10] =	wrdreg s10  }
0x19: {  	s1 =	simm.s32 $0x0;
	s28 =	rddreg [dreg:$0x4]  }
0x1a: {  	[tilespmem:s1], [sflag:$0x4] =	stream.linear.gather [hbm4b:s28+s1], $0x2710, $0x38;
	[tilespmem:$0x1F090] =	vst v63  }
0x1b: {  	_ =	swait.ge [sflag:s22], $0x2710  }
0x1c: {  	[sflag:s22] =	ssyncset.done $0x0  }
0x1d: {  	s10 =	simm.s32 $0x240;
	s1 =	simm.s32 $0x0;
	[sflag:s22] =	ssyncadd.s32 $0xFFFFD8F0  }
.LBB2_2:
0x1e: {  	p0 =	sne.s32 s10, $0xB1C0;
	[tilespmem:s1+$0x3730] =	vst v0  }
0x1f: {  	[tilespmem:s1+$0x36B0] =	vst v0  }
0x20: {  	[tilespmem:s1+$0x36C0] =	vst v0  }
0x21: {  	[tilespmem:s1+$0x36D0] =	vst v0  }
.Ltmp0:
0x22: {  	[tilespmem:s1+$0x36E0] =	vst v0;
	(pc) =	sbr.rel @p0 .LBB2_2-.Ltmp0, $4  }
0x23: {  	[tilespmem:s1+$0x36F0] =	vst v0  }
0x24: {  	[tilespmem:s1+$0x3700] =	vst v0  }
0x25: {  	[tilespmem:s1+$0x3710] =	vst v0  }
0x26: {  	[tilespmem:s1+$0x3720] =	vst v0;
	s1 =	sshra.s32 s10, $0x2;
	s10 =	sadd.s32 $0x240, s10  }
0x27: {  	[tilespmem:s1+$0x3730] =	vst v0  }
0x28: {  	[tilespmem:s1+$0x36B0] =	vst v0  }
0x29: {  	[tilespmem:s1+$0x36C0] =	vst v0  }
0x2a: {  	[tilespmem:s1+$0x36D0] =	vst v0  }
0x2b: {  	[tilespmem:s1+$0x36E0] =	vst v0  }
0x2c: {  	[tilespmem:s1+$0x36F0] =	vst v0  }
0x2d: {  	[tilespmem:s1+$0x3700] =	vst v0  }
0x2e: {  	[tilespmem:s1+$0x3710] =	vst v0  }
0x2f: {  	[tilespmem:s1+$0x3720] =	vst v0;
	s10 =	rddreg [dreg:$0x5]  }
0x30: {  	[spmem:s10] =	stream.linear.scatter [tilespmem:s23], [sflag:$0x4], $0x2D00, $0x38;
	[tilespmem:$0x1F090] =	vst v63  }
0x31: {  	_ =	swait.ge [sflag:s22], $0x2D00  }
0x32: {  	[sflag:s22] =	ssyncset.done $0x0  }
0x33: {  	s17 =	rddreg [dreg:$0x9];
	[sflag:s22] =	ssyncadd.s32 $0xFFFFD300  }
0x34: {  	[spmem:s17] =	stream.linear.scatter [tilespmem:s23], [sflag:$0x4], $0x2D00, $0x38;
	[tilespmem:$0x1F090] =	vst v63  }
0x35: {  	_ =	swait.ge [sflag:s22], $0x2D00  }
0x36: {  	[sflag:s22] =	ssyncset.done $0x0  }
0x37: {  	s19 =	rddreg [dreg:$0xa];
	[sflag:s22] =	ssyncadd.s32 $0xFFFFD300  }
0x38: {  	[spmem:s19] =	stream.linear.scatter [tilespmem:s23], [sflag:$0x4], $0x2D00, $0x38;
	[tilespmem:$0x1F090] =	vst v63  }
0x39: {  	_ =	swait.ge [sflag:s22], $0x2D00  }
0x3a: {  	[sflag:s22] =	ssyncset.done $0x0  }
0x3b: {  	s20 =	rddreg [dreg:$0xb];
	[sflag:s22] =	ssyncadd.s32 $0xFFFFD300  }
0x3c: {  	[spmem:s20] =	stream.linear.scatter [tilespmem:s23], [sflag:$0x4], $0x2D00, $0x38;
	[tilespmem:$0x1F090] =	vst v63  }
0x3d: {  	_ =	swait.ge [sflag:s22], $0x2D00  }
0x3e: {  	[sflag:s22] =	ssyncset.done $0x0  }
0x3f: {  	s21 =	rddreg [dreg:$0xc];
	[sflag:s22] =	ssyncadd.s32 $0xFFFFD300  }
0x40: {  	[spmem:s21] =	stream.linear.scatter [tilespmem:s23], [sflag:$0x4], $0x2D00, $0x38;
	[tilespmem:$0x1F090] =	vst v63  }
0x41: {  	_ =	swait.ge [sflag:s22], $0x2D00  }
0x42: {  	[sflag:s22] =	ssyncset.done $0x0  }
0x43: {  	s25 =	rddreg [dreg:$0xd];
	[sflag:s22] =	ssyncadd.s32 $0xFFFFD300  }
0x44: {  	[spmem:s25] =	stream.linear.scatter [tilespmem:s23], [sflag:$0x4], $0x2D00, $0x38;
	[tilespmem:$0x1F090] =	vst v63  }
0x45: {  	_ =	swait.ge [sflag:s22], $0x2D00  }
0x46: {  	[sflag:s22] =	ssyncset.done $0x0  }
0x47: {  	s26 =	rddreg [dreg:$0xe];
	[sflag:s22] =	ssyncadd.s32 $0xFFFFD300  }
0x48: {  	[spmem:s26] =	stream.linear.scatter [tilespmem:s23], [sflag:$0x4], $0x2D00, $0x38;
	[tilespmem:$0x1F090] =	vst v63  }
0x49: {  	_ =	swait.ge [sflag:s22], $0x2D00  }
0x4a: {  	[sflag:s22] =	ssyncset.done $0x0  }
0x4b: {  	s28 =	rddreg [dreg:$0x6];
	[sflag:s22] =	ssyncadd.s32 $0xFFFFD300  }
0x4c: {  	[spmem:s28] =	stream.linear.scatter [tilespmem:s23], [sflag:$0x4], $0x2490, $0x38;
	[tilespmem:$0x1F090] =	vst v63  }
0x4d: {  	_ =	swait.ge [sflag:s22], $0x2490  }
0x4e: {  	[sflag:s22] =	ssyncset.done $0x0  }
0x4f: {  	[sflag:s22] =	ssyncadd.s32 $0xFFFFDB70  }
0x50: {  	s19 =	simm.s32 $0x0;
	[bflag:$0x0] =	sbarrier.arrive $0xFFFF  }
.LBB2_4:
0x51: {  	s1 =	smul.u32 $0x7D0, s19;
	_ =	sdelay $0x1  }
0x52: {  	s1 =	sadd.s32 s9, s1  }
0x53: {  	s10 =	rddreg [dreg:$0x1];
	s1 =	sshrl.u32 s1, $0x3  }
0x54: {  	s20 =	smul.u32 $0x640, s19;
	s1 =	sadd.s32 s10, s1  }
0x55: {  	[tilespmem:s24], [sflag:$0x4] =	stream.linear.gather [hbm4b:s1+s18], $0x7D0, $0x38;
	[tilespmem:$0x1F090] =	vst v63  }
0x56: {  	s21 =	sadd.s32 s11, s20;
	_ =	swait.ge [sflag:s22], $0x7D0  }
0x57: {  	s25 =	smul.u32 $0x190, s19;
	s1 =	sshrl.u32 s21, $0x3;
	[sflag:s22] =	ssyncset.done $0x0  }
0x58: {  	s17 =	simm.s32 $0x2EE0;
	s1 =	sadd.s32 s7, s1;
	[sflag:s22] =	ssyncadd.s32 $0xFFFFF830  }
0x59: {  	[tilespmem:s17], [sflag:$0x4] =	stream.linear.gather [hbm4b:s1+s18], $0x640, $0x38;
	[tilespmem:$0x1F090] =	vst v63  }
0x5a: {  	s26 =	sadd.s32 s13, s25;
	_ =	swait.ge [sflag:s22], $0x640  }
0x5b: {  	s1 =	sshrl.u32 s26, $0x3;
	[sflag:s22] =	ssyncset.done $0x0  }
0x5c: {  	s28 =	simm.s32 $0x3520;
	s1 =	sadd.s32 s8, s1;
	[sflag:s22] =	ssyncadd.s32 $0xFFFFF9C0  }
0x5d: {  	[tilespmem:s28], [sflag:$0x4] =	stream.linear.gather [hbm4b:s1+s18], $0x190, $0x38;
	[tilespmem:$0x1F090] =	vst v63  }
0x5e: {  	_ =	swait.ge [sflag:s22], $0x190  }
0x5f: {  	[sflag:s22] =	ssyncset.done $0x0  }
0x60: {  	s20 =	simm.s32 $0x0;
	[sflag:s22] =	ssyncadd.s32 $0xFFFFFE70  }
0x61: {  	[tilespmem:s23], [sflag:$0x1] =	stream.indirect.gather [hbm4b:s5+s29], $0x90, s24, s29, $0xb8;
	[tilespmem:$0x1F090] =	vst v63  }
.LBB2_5:
0x62: {  	s21 =	sshllo.u32 s20, $0x1  }
0x63: {  	s1 =	smul.u32 $0x140, s21  }
0x64: {  	_ =	swait.ge [sflag:s30], $0x2D00  }
0x65: {  	[sflag:s30] =	ssyncset.done $0x0;
	s1 =	sshra.s32 s1, $0x2  }
0x66: {  	s28 =	sshll.u32 s20, $0x7;
	[sflag:s30] =	ssyncadd.s32 $0xFFFFD300;
	s1 =	sadd.s32 $0x2710, s1  }
0x67: {  	[tilespmem:s31], [sflag:$0x2] =	stream.indirect.gather [hbm4b:s5+s29], $0x90, s1, s29, $0xb8;
	[tilespmem:$0x1F090] =	vst v63  }
0x68: {  	v6 =	vld [tilespmem:s28+$0x2EE0];
	_ =	sdelay $0x6  }
0x69: {  	s10 =	simm.s32 $0x0;
	v7 =	vld.idx.msk [tilespmem:v1+s23+$0x0], $0xffff  }
0x6a: {  	v6 =	vld.idx.msk [tilespmem:v6+s10+$0x0], $0xffff;
	_ =	sdelay $0x4  }
0x6b: {  	v6 =	vadd.f32 v6, v7;
	_ =	sdelay $0x1  }
0x6c: {  	v7 =	vmul.f32 $2.000000030e-01, v6  }
0x6d: {  	vm1 =	vgt.f32 v6, $0.0e+00  }
0x6e: {  	v6 =	vsel vm1, v6, v7  }
0x6f: {  	v6 =	vmul.f32 $1.442695020e+00, v6;
	_ =	sdelay $0x1  }
0x70: {  	(erf) = vpow2.f32 v6;
	_ =	sdelay $0x8  }
0x71: {  	v6 =	vpop (erf)  }
0x72: {  	[tilespmem:$0x90B0] =	vst v6  }
0x73: {  	v6 =	vld [tilespmem:s28+$0x2EF0];
	_ =	sdelay $0x6  }
0x74: {  	v7 =	vld.idx.msk [tilespmem:v2+s23+$0x0], $0xffff  }
0x75: {  	v6 =	vld.idx.msk [tilespmem:v6+s10+$0x0], $0xffff;
	_ =	sdelay $0x4  }
0x76: {  	v6 =	vadd.f32 v6, v7;
	_ =	sdelay $0x1  }
0x77: {  	v7 =	vmul.f32 $2.000000030e-01, v6  }
0x78: {  	vm1 =	vgt.f32 v6, $0.0e+00  }
0x79: {  	v6 =	vsel vm1, v6, v7  }
0x7a: {  	v6 =	vmul.f32 $1.442695020e+00, v6;
	_ =	sdelay $0x1  }
0x7b: {  	(erf) = vpow2.f32 v6;
	_ =	sdelay $0x8  }
0x7c: {  	v6 =	vpop (erf)  }
0x7d: {  	[tilespmem:$0x90C0] =	vst v6  }
0x7e: {  	v6 =	vld [tilespmem:s28+$0x2F00];
	_ =	sdelay $0x6  }
0x7f: {  	v7 =	vld.idx.msk [tilespmem:v3+s23+$0x0], $0xffff  }
0x80: {  	v6 =	vld.idx.msk [tilespmem:v6+s10+$0x0], $0xffff;
	_ =	sdelay $0x4  }
0x81: {  	v6 =	vadd.f32 v6, v7;
	_ =	sdelay $0x1  }
0x82: {  	v7 =	vmul.f32 $2.000000030e-01, v6  }
0x83: {  	vm1 =	vgt.f32 v6, $0.0e+00  }
0x84: {  	v6 =	vsel vm1, v6, v7  }
0x85: {  	v6 =	vmul.f32 $1.442695020e+00, v6;
	_ =	sdelay $0x1  }
0x86: {  	(erf) = vpow2.f32 v6;
	_ =	sdelay $0x8  }
0x87: {  	v6 =	vpop (erf)  }
0x88: {  	[tilespmem:$0x90D0] =	vst v6  }
0x89: {  	v6 =	vld [tilespmem:s28+$0x2F10];
	_ =	sdelay $0x6  }
0x8a: {  	v7 =	vld.idx.msk [tilespmem:v4+s23+$0x0], $0xffff  }
0x8b: {  	v6 =	vld.idx.msk [tilespmem:v6+s10+$0x0], $0xffff;
	_ =	sdelay $0x4  }
0x8c: {  	v6 =	vadd.f32 v6, v7;
	_ =	sdelay $0x1  }
0x8d: {  	v7 =	vmul.f32 $2.000000030e-01, v6  }
0x8e: {  	vm1 =	vgt.f32 v6, $0.0e+00  }
0x8f: {  	v6 =	vsel vm1, v6, v7  }
0x90: {  	v6 =	vmul.f32 $1.442695020e+00, v6;
	_ =	sdelay $0x1  }
0x91: {  	(erf) = vpow2.f32 v6;
	_ =	sdelay $0x8  }
0x92: {  	v6 =	vpop (erf)  }
0x93: {  	s25 =	sshrl.u32 s28, $0x2;
	[tilespmem:$0x90E0] =	vst v6  }
0x94: {  	v6 =	vld [tilespmem:s25+$0x3520];
	_ =	sdelay $0x6  }
0x95: {  	v7 =	vld.idx.msk [tilespmem:v5+s23+$0x0], $0xffff  }
0x96: {  	v6 =	vld.idx.msk [tilespmem:v6+s10+$0x0], $0xffff;
	_ =	sdelay $0x4  }
0x97: {  	v6 =	vadd.f32 v6, v7;
	_ =	sdelay $0x1  }
0x98: {  	v7 =	vmul.f32 $2.000000030e-01, v6  }
0x99: {  	vm1 =	vgt.f32 v6, $0.0e+00  }
0x9a: {  	v6 =	vsel vm1, v6, v7  }
0x9b: {  	v6 =	vmul.f32 $1.442695020e+00, v6;
	_ =	sdelay $0x1  }
0x9c: {  	(erf) = vpow2.f32 v6;
	_ =	sdelay $0x3  }
0x9d: {  	v6 =	vmov s10  }
0x9e: {  	v6 =	vand.u32 $0xFFFFFFFE, v6  }
0x9f: {  	v8 =	vbroadcast v6, $0x0;
	_ =	sdelay $0x2  }
0xa0: {  	v7 =	vpop (erf)  }
0xa1: {  	s10 =	simm.s32 $0x3740;
	[tilespmem:$0x90F0] =	vst v7  }
0xa2: {  	v10 =	vld [tilespmem:s10+$0xFFFFFFE0]  }
0xa3: {  	v8 =	vld.idx.msk [tilespmem:v8+s0+$0x0], $0xffff  }
0xa4: {  	v11 =	vld [tilespmem:s10+$0xFFFFFF70]  }
0xa5: {  	v12 =	vld [tilespmem:s10+$0xFFFFFF90]  }
0xa6: {  	v15 =	vld [tilespmem:s10+$0xFFFFFFD0]  }
0xa7: {  	v13 =	vld [tilespmem:s10+$0xFFFFFFA0]  }
0xa8: {  	v14 =	vld [tilespmem:s10+$0xFFFFFF80];
	v10 =	vmul.f32 v10, v8;
	v16 =	vnsel vm0, $0x0, v8  }
0xa9: {  	v17 =	vld [tilespmem:s10+$0xFFFFFFB0];
	v11 =	vmul.f32 v11, v8;
	[tilespmem:s10+$0xFFFFFFF0] =	vst v16  }
0xaa: {  	v9 =	vld [tilespmem:s10+$0xFFFFFFC0];
	v12 =	vmul.f32 v12, v8;
	[tilespmem:s10+$0xFFFFFFE0] =	vst v10  }
0xab: {  	v62 =	vmul.f32 v15, v8;
	[tilespmem:s10+$0xFFFFFF70] =	vst v11  }
0xac: {  	s17 =	simm.s32 $0x1;
	v10 =	vmul.f32 v13, v8;
	[tilespmem:s10+$0xFFFFFF90] =	vst v12  }
0xad: {  	v63 =	vmov s17;
	v11 =	vmul.f32 v14, v8;
	[tilespmem:s10+$0xFFFFFFD0] =	vst v62  }
0xae: {  	v6 =	vld [tilespmem:s10+$0x0];
	[tilespmem:s10+$0xFFFFFFA0] =	vst v10;
	v10 =	vmul.f32 v17, v8  }
0xaf: {  	v7 =	vld [tilespmem:s10+$0x10];
	[tilespmem:s10+$0xFFFFFF80] =	vst v11;
	v8 =	vmul.f32 v9, v8  }
0xb0: {  	v9 =	vld [tilespmem:s10+$0x40];
	[tilespmem:s10+$0xFFFFFFB0] =	vst v10  }
0xb1: {  	s26 =	simm.s32 $0x3740;
	v10 =	vld [tilespmem:s10+$0x20];
	[tilespmem:s10+$0xFFFFFFC0] =	vst v8  }
0xb2: {  	s17 =	sadd.s32 $0x2EE0, s28;
	s1 =	simm.s32 $0x2;
	s25 =	sadd.s32 $0x3520, s25;
	v8 =	vld.idx.msk [tilespmem:v63+s0+$0x0], $0xffff  }
.LBB2_6:
0xb3: {  	p0 =	sne.s32 s1, $0x3E  }
0xb4: {  	v11 =	vld [tilespmem:s10+$0x70];
	s26 =	sadd.s32 $0x120, s26;
	s28 =	smov.u32 s1;
	s1 =	sadd.s32 $0x2, s1  }
0xb5: {  	v12 =	vld [tilespmem:s10+$0x30]  }
0xb6: {  	v13 =	vld [tilespmem:s10+$0x50]  }
0xb7: {  	v14 =	vld [tilespmem:s10+$0x60];
	_ =	sdelay $0x1  }
0xb8: {  	v6 =	vmul.f32 v6, v8;
	v7 =	vmul.f32 v7, v8;
	v15 =	vnsel vm0, $0x0, v8  }
0xb9: {  	v10 =	vmul.f32 v10, v8;
	v12 =	vmul.f32 v12, v8;
	[tilespmem:s10+$0x80] =	vst v15  }
0xba: {  	v9 =	vmul.f32 v9, v8;
	v15 =	vmov s28;
	v13 =	vmul.f32 v13, v8;
	[tilespmem:s10+$0x0] =	vst v6  }
0xbb: {  	v15 =	vand.u32 $0xFFFFFFFE, v15;
	v6 =	vld [tilespmem:s26+$0x0];
	v14 =	vmul.f32 v14, v8;
	v8 =	vmul.f32 v11, v8;
	[tilespmem:s10+$0x20] =	vst v10  }
0xbc: {  	v10 =	vbroadcast v15, $0x0;
	[tilespmem:s10+$0x10] =	vst v7  }
0xbd: {  	v7 =	vld [tilespmem:s26+$0x10];
	[tilespmem:s10+$0x40] =	vst v9  }
0xbe: {  	v9 =	vld [tilespmem:s26+$0xFFFFFFC0];
	[tilespmem:s10+$0x30] =	vst v12  }
0xbf: {  	v11 =	vld [tilespmem:s26+$0xFFFFFFA0];
	[tilespmem:s10+$0x50] =	vst v13  }
0xc0: {  	v12 =	vld [tilespmem:s26+$0xFFFFFFD0];
	[tilespmem:s10+$0x70] =	vst v8  }
0xc1: {  	v8 =	vld [tilespmem:s26+$0xFFFFFFE0];
	[tilespmem:s10+$0x60] =	vst v14;
	s10 =	smov.u32 s26  }
0xc2: {  	v10 =	vld.idx.msk [tilespmem:v10+s0+$0x0], $0xffff  }
0xc3: {  	v13 =	vld [tilespmem:s26+$0xFFFFFF70]  }
0xc4: {  	v14 =	vld [tilespmem:s26+$0xFFFFFF90]  }
0xc5: {  	v15 =	vld [tilespmem:s26+$0xFFFFFF80]  }
0xc6: {  	v16 =	vld [tilespmem:s26+$0xFFFFFFB0];
	_ =	sdelay $0x1  }
0xc7: {  	v8 =	vmul.f32 v8, v10;
	v17 =	vnsel vm0, $0x0, v10;
	v13 =	vmul.f32 v13, v10  }
0xc8: {  	v12 =	vmul.f32 v12, v10;
	v14 =	vmul.f32 v14, v10;
	[tilespmem:s26+$0xFFFFFFF0] =	vst v17  }
0xc9: {  	v11 =	vmul.f32 v11, v10;
	v15 =	vmul.f32 v15, v10;
	[tilespmem:s26+$0xFFFFFFE0] =	vst v8  }
0xca: {  	v9 =	vmul.f32 v9, v10;
	v8 =	vmul.f32 v16, v10;
	[tilespmem:s26+$0xFFFFFF70] =	vst v13  }
0xcb: {  	s28 =	sadd.s32 $0x1, s28;
	[tilespmem:s26+$0xFFFFFF90] =	vst v14  }
0xcc: {  	[tilespmem:s26+$0xFFFFFFA0] =	vst v11;
	v11 =	vmov s28  }
.Ltmp1:
0xcd: {  	[tilespmem:s26+$0xFFFFFF80] =	vst v15;
	(pc) =	sbr.rel @p0 .LBB2_6-.Ltmp1, $4  }
0xce: {  	[tilespmem:s26+$0xFFFFFFD0] =	vst v12  }
0xcf: {  	[tilespmem:s26+$0xFFFFFFB0] =	vst v8;
	v10 =	vld [tilespmem:s26+$0x20]  }
0xd0: {  	[tilespmem:s26+$0xFFFFFFC0] =	vst v9;
	v9 =	vld [tilespmem:s26+$0x40]  }
0xd1: {  	v8 =	vld.idx.msk [tilespmem:v11+s0+$0x0], $0xffff  }
0xd2: {  	_ =	sdelay $0x1  }
0xd3: {  	v11 =	vld [tilespmem:s10+$0x70]  }
0xd4: {  	v12 =	vld [tilespmem:s10+$0x30]  }
0xd5: {  	v13 =	vld [tilespmem:s10+$0x50];
	v6 =	vmul.f32 v6, v8  }
0xd6: {  	v14 =	vld [tilespmem:s10+$0x60]  }
0xd7: {  	[tilespmem:s10+$0x0] =	vst v6;
	v6 =	vmul.f32 v9, v8  }
0xd8: {  	v7 =	vmul.f32 v7, v8  }
0xd9: {  	[tilespmem:s10+$0x40] =	vst v6;
	v6 =	vmul.f32 v11, v8  }
0xda: {  	s1 =	simm.s32 $0x40;
	v15 =	vnsel vm0, $0x0, v8;
	v10 =	vmul.f32 v10, v8;
	v9 =	vmul.f32 v12, v8;
	[tilespmem:s10+$0x10] =	vst v7  }
0xdb: {  	v7 =	vmul.f32 v13, v8;
	v8 =	vmul.f32 v14, v8;
	[tilespmem:s10+$0x70] =	vst v6;
	v6 =	vmov s1  }
0xdc: {  	[tilespmem:s10+$0x80] =	vst v15;
	v6 =	vand.u32 $0xFFFFFFFE, v6  }
0xdd: {  	[tilespmem:s10+$0x60] =	vst v8;
	v8 =	vbroadcast v6, $0x0  }
0xde: {  	[tilespmem:s10+$0x20] =	vst v10  }
0xdf: {  	[tilespmem:s10+$0x30] =	vst v9  }
0xe0: {  	[tilespmem:s10+$0x50] =	vst v7;
	s10 =	simm.s32 $0x5AB0  }
0xe1: {  	[spmem:s2] =	stream.indirect.scatter.add.f32 [tilespmem:s23], [sflag:$0x3], $0x90, s17, s1, $0xb8;
	[tilespmem:$0x1F090] =	vst v63  }
0xe2: {  	v10 =	vld [tilespmem:s10+$0x70]  }
0xe3: {  	v8 =	vld.idx.msk [tilespmem:v8+s0+$0x0], $0xffff  }
0xe4: {  	v11 =	vld [tilespmem:s10+$0x0]  }
0xe5: {  	v59 =	vld [tilespmem:s10+$0x20]  }
0xe6: {  	v15 =	vld [tilespmem:s10+$0x60]  }
0xe7: {  	v60 =	vld [tilespmem:s10+$0x30]  }
0xe8: {  	v61 =	vld [tilespmem:s10+$0x10];
	v10 =	vmul.f32 v10, v8;
	v16 =	vnsel vm0, $0x0, v8  }
0xe9: {  	v17 =	vld [tilespmem:s10+$0x40];
	v11 =	vmul.f32 v11, v8;
	[tilespmem:s10+$0x80] =	vst v16  }
0xea: {  	v9 =	vld [tilespmem:s10+$0x50];
	v12 =	vmul.f32 v59, v8;
	[tilespmem:s10+$0x70] =	vst v10  }
0xeb: {  	v62 =	vmul.f32 v15, v8;
	[tilespmem:s10+$0x0] =	vst v11  }
0xec: {  	s28 =	simm.s32 $0x41;
	v10 =	vmul.f32 v60, v8;
	[tilespmem:s10+$0x20] =	vst v12  }
0xed: {  	v63 =	vmov s28;
	v11 =	vmul.f32 v61, v8;
	[tilespmem:s10+$0x60] =	vst v62  }
0xee: {  	v6 =	vld [tilespmem:s10+$0x90];
	[tilespmem:s10+$0x30] =	vst v10;
	v10 =	vmul.f32 v17, v8  }
0xef: {  	v7 =	vld [tilespmem:s10+$0xA0];
	[tilespmem:s10+$0x10] =	vst v11;
	v8 =	vmul.f32 v9, v8  }
0xf0: {  	v9 =	vld [tilespmem:s10+$0xD0];
	[tilespmem:s10+$0x40] =	vst v10  }
0xf1: {  	v10 =	vld [tilespmem:s10+$0xB0];
	[tilespmem:s10+$0x50] =	vst v8  }
0xf2: {  	s1 =	simm.s32 $0x42;
	s17 =	simm.s32 $0x5AB0;
	v8 =	vld.idx.msk [tilespmem:v63+s0+$0x0], $0xffff  }
.LBB2_8:
0xf3: {  	p0 =	sne.s32 s1, $0x4E  }
0xf4: {  	v11 =	vld [tilespmem:s10+$0x100];
	s17 =	sadd.s32 $0x120, s17;
	s26 =	smov.u32 s1;
	s1 =	sadd.s32 $0x2, s1  }
0xf5: {  	v12 =	vld [tilespmem:s10+$0xC0]  }
0xf6: {  	v13 =	vld [tilespmem:s10+$0xE0]  }
0xf7: {  	v14 =	vld [tilespmem:s10+$0xF0];
	_ =	sdelay $0x1  }
0xf8: {  	v6 =	vmul.f32 v6, v8;
	v7 =	vmul.f32 v7, v8;
	v15 =	vnsel vm0, $0x0, v8  }
0xf9: {  	v10 =	vmul.f32 v10, v8;
	v12 =	vmul.f32 v12, v8;
	[tilespmem:s10+$0x110] =	vst v15  }
0xfa: {  	v9 =	vmul.f32 v9, v8;
	v15 =	vmov s26;
	v13 =	vmul.f32 v13, v8;
	[tilespmem:s10+$0x90] =	vst v6  }
0xfb: {  	v15 =	vand.u32 $0xFFFFFFFE, v15;
	v6 =	vld [tilespmem:s17+$0x90];
	v14 =	vmul.f32 v14, v8;
	v8 =	vmul.f32 v11, v8;
	[tilespmem:s10+$0xB0] =	vst v10  }
0xfc: {  	v10 =	vbroadcast v15, $0x0;
	[tilespmem:s10+$0xA0] =	vst v7  }
0xfd: {  	v7 =	vld [tilespmem:s17+$0xA0];
	[tilespmem:s10+$0xD0] =	vst v9  }
0xfe: {  	v9 =	vld [tilespmem:s17+$0x50];
	[tilespmem:s10+$0xC0] =	vst v12  }
0xff: {  	v11 =	vld [tilespmem:s17+$0x30];
	[tilespmem:s10+$0xE0] =	vst v13  }
0x100: {  	v12 =	vld [tilespmem:s17+$0x60];
	[tilespmem:s10+$0x100] =	vst v8  }
0x101: {  	v8 =	vld [tilespmem:s17+$0x70];
	[tilespmem:s10+$0xF0] =	vst v14;
	s10 =	smov.u32 s17  }
0x102: {  	v10 =	vld.idx.msk [tilespmem:v10+s0+$0x0], $0xffff  }
0x103: {  	v13 =	vld [tilespmem:s17+$0x0]  }
0x104: {  	v14 =	vld [tilespmem:s17+$0x20]  }
0x105: {  	v15 =	vld [tilespmem:s17+$0x10]  }
0x106: {  	v16 =	vld [tilespmem:s17+$0x40];
	_ =	sdelay $0x1  }
0x107: {  	v8 =	vmul.f32 v8, v10;
	v17 =	vnsel vm0, $0x0, v10;
	v13 =	vmul.f32 v13, v10  }
0x108: {  	v12 =	vmul.f32 v12, v10;
	v14 =	vmul.f32 v14, v10;
	[tilespmem:s17+$0x80] =	vst v17  }
0x109: {  	v11 =	vmul.f32 v11, v10;
	v15 =	vmul.f32 v15, v10;
	[tilespmem:s17+$0x70] =	vst v8  }
0x10a: {  	v9 =	vmul.f32 v9, v10;
	v8 =	vmul.f32 v16, v10;
	[tilespmem:s17+$0x0] =	vst v13  }
0x10b: {  	s26 =	sadd.s32 $0x1, s26;
	[tilespmem:s17+$0x20] =	vst v14  }
0x10c: {  	[tilespmem:s17+$0x30] =	vst v11;
	v11 =	vmov s26  }
.Ltmp2:
0x10d: {  	[tilespmem:s17+$0x10] =	vst v15;
	(pc) =	sbr.rel @p0 .LBB2_8-.Ltmp2, $4  }
0x10e: {  	[tilespmem:s17+$0x60] =	vst v12  }
0x10f: {  	[tilespmem:s17+$0x40] =	vst v8;
	v10 =	vld [tilespmem:s17+$0xB0]  }
0x110: {  	[tilespmem:s17+$0x50] =	vst v9;
	v9 =	vld [tilespmem:s17+$0xD0]  }
0x111: {  	v8 =	vld.idx.msk [tilespmem:v11+s0+$0x0], $0xffff  }
0x112: {  	_ =	sdelay $0x2  }
0x113: {  	v12 =	vld [tilespmem:s10+$0xC0]  }
0x114: {  	v13 =	vld [tilespmem:s10+$0xE0];
	v6 =	vmul.f32 v6, v8;
	v15 =	vnsel vm0, $0x0, v8  }
0x115: {  	v11 =	vld [tilespmem:s10+$0x100];
	v10 =	vmul.f32 v10, v8;
	[tilespmem:s10+$0x110] =	vst v15  }
0x116: {  	v14 =	vld [tilespmem:s10+$0xF0];
	v7 =	vmul.f32 v7, v8;
	[tilespmem:s10+$0x90] =	vst v6  }
0x117: {  	v6 =	vmul.f32 v9, v8;
	[tilespmem:s10+$0xB0] =	vst v10  }
0x118: {  	v9 =	vmul.f32 v12, v8;
	[tilespmem:s10+$0xA0] =	vst v7  }
0x119: {  	v7 =	vmul.f32 v13, v8;
	[tilespmem:s10+$0xD0] =	vst v6  }
0x11a: {  	v6 =	vmul.f32 v11, v8;
	[tilespmem:s10+$0xC0] =	vst v9  }
0x11b: {  	v8 =	vmul.f32 v14, v8;
	[tilespmem:s10+$0xE0] =	vst v7  }
0x11c: {  	[tilespmem:s10+$0x100] =	vst v6  }
0x11d: {  	[tilespmem:s10+$0xF0] =	vst v8  }
0x11e: {  	[spmem:s2] =	stream.indirect.scatter.add.f32 [tilespmem:s3], [sflag:$0x4], $0x90, s25, s4, $0xb8;
	[tilespmem:$0x1F090] =	vst v63  }
0x11f: {  	_ =	swait.ge [sflag:s22], $0x900  }
0x120: {  	[sflag:s22] =	ssyncset.done $0x0  }
0x121: {  	[sflag:s22] =	ssyncadd.s32 $0xFFFFF700  }
0x122: {  	_ =	swait.ge [sflag:s6], $0x2400  }
0x123: {  	[sflag:s6] =	ssyncset.done $0x0  }
0x124: {  	s1 =	smul.u32 $0x280, s20;
	[sflag:s6] =	ssyncadd.s32 $0xFFFFDC00  }
0x125: {  	_ =	swait.ge [sflag:s12], $0x2D00  }
0x126: {  	s1 =	sshra.s32 s1, $0x2;
	[sflag:s12] =	ssyncset.done $0x0  }
0x127: {  	s26 =	sshll.u32 s21, $0x6;
	s1 =	sadd.s32 $0x27B0, s1;
	[sflag:s12] =	ssyncadd.s32 $0xFFFFD300  }
0x128: {  	[tilespmem:s23], [sflag:$0x1] =	stream.indirect.gather [hbm4b:s5+s29], $0x90, s1, s29, $0xb8;
	[tilespmem:$0x1F090] =	vst v63  }
0x129: {  	v6 =	vld [tilespmem:s26+$0x2EE0];
	_ =	sdelay $0x6  }
0x12a: {  	s28 =	simm.s32 $0x0;
	v7 =	vld.idx.msk [tilespmem:v1+s31+$0x0], $0xffff  }
0x12b: {  	v6 =	vld.idx.msk [tilespmem:v6+s28+$0x0], $0xffff;
	_ =	sdelay $0x4  }
0x12c: {  	v6 =	vadd.f32 v6, v7;
	_ =	sdelay $0x1  }
0x12d: {  	v7 =	vmul.f32 $2.000000030e-01, v6  }
0x12e: {  	vm1 =	vgt.f32 v6, $0.0e+00  }
0x12f: {  	v6 =	vsel vm1, v6, v7  }
0x130: {  	v6 =	vmul.f32 $1.442695020e+00, v6;
	_ =	sdelay $0x1  }
0x131: {  	(erf) = vpow2.f32 v6;
	_ =	sdelay $0x8  }
0x132: {  	v6 =	vpop (erf)  }
0x133: {  	[tilespmem:$0x90B0] =	vst v6  }
0x134: {  	v6 =	vld [tilespmem:s26+$0x2EF0];
	_ =	sdelay $0x6  }
0x135: {  	v7 =	vld.idx.msk [tilespmem:v2+s31+$0x0], $0xffff  }
0x136: {  	v6 =	vld.idx.msk [tilespmem:v6+s28+$0x0], $0xffff;
	_ =	sdelay $0x4  }
0x137: {  	v6 =	vadd.f32 v6, v7;
	_ =	sdelay $0x1  }
0x138: {  	v7 =	vmul.f32 $2.000000030e-01, v6  }
0x139: {  	vm1 =	vgt.f32 v6, $0.0e+00  }
0x13a: {  	v6 =	vsel vm1, v6, v7  }
0x13b: {  	v6 =	vmul.f32 $1.442695020e+00, v6;
	_ =	sdelay $0x1  }
0x13c: {  	(erf) = vpow2.f32 v6;
	_ =	sdelay $0x8  }
0x13d: {  	v6 =	vpop (erf)  }
0x13e: {  	[tilespmem:$0x90C0] =	vst v6  }
0x13f: {  	v6 =	vld [tilespmem:s26+$0x2F00];
	_ =	sdelay $0x6  }
0x140: {  	v7 =	vld.idx.msk [tilespmem:v3+s31+$0x0], $0xffff  }
0x141: {  	v6 =	vld.idx.msk [tilespmem:v6+s28+$0x0], $0xffff;
	_ =	sdelay $0x4  }
0x142: {  	v6 =	vadd.f32 v6, v7;
	_ =	sdelay $0x1  }
0x143: {  	v7 =	vmul.f32 $2.000000030e-01, v6  }
0x144: {  	vm1 =	vgt.f32 v6, $0.0e+00  }
0x145: {  	v6 =	vsel vm1, v6, v7  }
0x146: {  	v6 =	vmul.f32 $1.442695020e+00, v6;
	_ =	sdelay $0x1  }
0x147: {  	(erf) = vpow2.f32 v6;
	_ =	sdelay $0x8  }
0x148: {  	v6 =	vpop (erf)  }
0x149: {  	[tilespmem:$0x90D0] =	vst v6  }
0x14a: {  	v6 =	vld [tilespmem:s26+$0x2F10];
	_ =	sdelay $0x6  }
0x14b: {  	v7 =	vld.idx.msk [tilespmem:v4+s31+$0x0], $0xffff  }
0x14c: {  	v6 =	vld.idx.msk [tilespmem:v6+s28+$0x0], $0xffff;
	_ =	sdelay $0x4  }
0x14d: {  	v6 =	vadd.f32 v6, v7;
	_ =	sdelay $0x1  }
0x14e: {  	v7 =	vmul.f32 $2.000000030e-01, v6  }
0x14f: {  	vm1 =	vgt.f32 v6, $0.0e+00  }
0x150: {  	v6 =	vsel vm1, v6, v7  }
0x151: {  	v6 =	vmul.f32 $1.442695020e+00, v6;
	_ =	sdelay $0x1  }
0x152: {  	(erf) = vpow2.f32 v6;
	_ =	sdelay $0x8  }
0x153: {  	v6 =	vpop (erf)  }
0x154: {  	s21 =	sshrl.u32 s26, $0x2;
	[tilespmem:$0x90E0] =	vst v6  }
0x155: {  	v6 =	vld [tilespmem:s21+$0x3520];
	_ =	sdelay $0x6  }
0x156: {  	v7 =	vld.idx.msk [tilespmem:v5+s31+$0x0], $0xffff  }
0x157: {  	v6 =	vld.idx.msk [tilespmem:v6+s28+$0x0], $0xffff;
	_ =	sdelay $0x4  }
0x158: {  	v6 =	vadd.f32 v6, v7;
	_ =	sdelay $0x1  }
0x159: {  	v7 =	vmul.f32 $2.000000030e-01, v6  }
0x15a: {  	vm1 =	vgt.f32 v6, $0.0e+00  }
0x15b: {  	v6 =	vsel vm1, v6, v7  }
0x15c: {  	v6 =	vmul.f32 $1.442695020e+00, v6;
	_ =	sdelay $0x1  }
0x15d: {  	(erf) = vpow2.f32 v6;
	_ =	sdelay $0x3  }
0x15e: {  	v6 =	vmov s28  }
0x15f: {  	v6 =	vand.u32 $0xFFFFFFFE, v6  }
0x160: {  	v8 =	vbroadcast v6, $0x0;
	_ =	sdelay $0x2  }
0x161: {  	v7 =	vpop (erf)  }
0x162: {  	s10 =	simm.s32 $0x6440;
	[tilespmem:$0x90F0] =	vst v7  }
0x163: {  	v10 =	vld [tilespmem:s10+$0xFFFFFFE0]  }
0x164: {  	v8 =	vld.idx.msk [tilespmem:v8+s0+$0x0], $0xffff  }
0x165: {  	v11 =	vld [tilespmem:s10+$0xFFFFFF70]  }
0x166: {  	v58 =	vld [tilespmem:s10+$0xFFFFFF90]  }
0x167: {  	v61 =	vld [tilespmem:s10+$0xFFFFFFD0]  }
0x168: {  	v59 =	vld [tilespmem:s10+$0xFFFFFFA0]  }
0x169: {  	v60 =	vld [tilespmem:s10+$0xFFFFFF80];
	v10 =	vmul.f32 v10, v8;
	v16 =	vnsel vm0, $0x0, v8  }
0x16a: {  	v17 =	vld [tilespmem:s10+$0xFFFFFFB0];
	v11 =	vmul.f32 v11, v8;
	[tilespmem:s10+$0xFFFFFFF0] =	vst v16  }
0x16b: {  	v9 =	vld [tilespmem:s10+$0xFFFFFFC0];
	v12 =	vmul.f32 v58, v8;
	[tilespmem:s10+$0xFFFFFFE0] =	vst v10  }
0x16c: {  	v62 =	vmul.f32 v61, v8;
	[tilespmem:s10+$0xFFFFFF70] =	vst v11  }
0x16d: {  	s17 =	simm.s32 $0x1;
	v10 =	vmul.f32 v59, v8;
	[tilespmem:s10+$0xFFFFFF90] =	vst v12  }
0x16e: {  	v63 =	vmov s17;
	v11 =	vmul.f32 v60, v8;
	[tilespmem:s10+$0xFFFFFFD0] =	vst v62  }
0x16f: {  	v6 =	vld [tilespmem:s10+$0x0];
	[tilespmem:s10+$0xFFFFFFA0] =	vst v10;
	v10 =	vmul.f32 v17, v8  }
0x170: {  	v7 =	vld [tilespmem:s10+$0x10];
	[tilespmem:s10+$0xFFFFFF80] =	vst v11;
	v8 =	vmul.f32 v9, v8  }
0x171: {  	v9 =	vld [tilespmem:s10+$0x40];
	[tilespmem:s10+$0xFFFFFFB0] =	vst v10  }
0x172: {  	s17 =	sadd.s32 $0x2EE0, s26;
	v10 =	vld [tilespmem:s10+$0x20];
	[tilespmem:s10+$0xFFFFFFC0] =	vst v8  }
0x173: {  	s25 =	simm.s32 $0x6440;
	s1 =	simm.s32 $0x2;
	s21 =	sadd.s32 $0x3520, s21;
	v8 =	vld.idx.msk [tilespmem:v63+s0+$0x0], $0xffff  }
.LBB2_10:
0x174: {  	p0 =	sne.s32 s1, $0x3E  }
0x175: {  	v11 =	vld [tilespmem:s10+$0x70];
	s25 =	sadd.s32 $0x120, s25;
	s26 =	smov.u32 s1;
	s1 =	sadd.s32 $0x2, s1  }
0x176: {  	v12 =	vld [tilespmem:s10+$0x30]  }
0x177: {  	v13 =	vld [tilespmem:s10+$0x50]  }
0x178: {  	v14 =	vld [tilespmem:s10+$0x60];
	_ =	sdelay $0x1  }
0x179: {  	v6 =	vmul.f32 v6, v8;
	v7 =	vmul.f32 v7, v8;
	v15 =	vnsel vm0, $0x0, v8  }
0x17a: {  	v10 =	vmul.f32 v10, v8;
	v12 =	vmul.f32 v12, v8;
	[tilespmem:s10+$0x80] =	vst v15  }
0x17b: {  	v9 =	vmul.f32 v9, v8;
	v15 =	vmov s26;
	v13 =	vmul.f32 v13, v8;
	[tilespmem:s10+$0x0] =	vst v6  }
0x17c: {  	v15 =	vand.u32 $0xFFFFFFFE, v15;
	v6 =	vld [tilespmem:s25+$0x0];
	v14 =	vmul.f32 v14, v8;
	v8 =	vmul.f32 v11, v8;
	[tilespmem:s10+$0x20] =	vst v10  }
0x17d: {  	v10 =	vbroadcast v15, $0x0;
	[tilespmem:s10+$0x10] =	vst v7  }
0x17e: {  	v7 =	vld [tilespmem:s25+$0x10];
	[tilespmem:s10+$0x40] =	vst v9  }
0x17f: {  	v9 =	vld [tilespmem:s25+$0xFFFFFFC0];
	[tilespmem:s10+$0x30] =	vst v12  }
0x180: {  	v11 =	vld [tilespmem:s25+$0xFFFFFFA0];
	[tilespmem:s10+$0x50] =	vst v13  }
0x181: {  	v12 =	vld [tilespmem:s25+$0xFFFFFFD0];
	[tilespmem:s10+$0x70] =	vst v8  }
0x182: {  	v8 =	vld [tilespmem:s25+$0xFFFFFFE0];
	[tilespmem:s10+$0x60] =	vst v14;
	s10 =	smov.u32 s25  }
0x183: {  	v10 =	vld.idx.msk [tilespmem:v10+s0+$0x0], $0xffff  }
0x184: {  	v13 =	vld [tilespmem:s25+$0xFFFFFF70]  }
0x185: {  	v14 =	vld [tilespmem:s25+$0xFFFFFF90]  }
0x186: {  	v15 =	vld [tilespmem:s25+$0xFFFFFF80]  }
0x187: {  	v16 =	vld [tilespmem:s25+$0xFFFFFFB0];
	_ =	sdelay $0x1  }
0x188: {  	v8 =	vmul.f32 v8, v10;
	v17 =	vnsel vm0, $0x0, v10;
	v13 =	vmul.f32 v13, v10  }
0x189: {  	v12 =	vmul.f32 v12, v10;
	v14 =	vmul.f32 v14, v10;
	[tilespmem:s25+$0xFFFFFFF0] =	vst v17  }
0x18a: {  	v11 =	vmul.f32 v11, v10;
	v15 =	vmul.f32 v15, v10;
	[tilespmem:s25+$0xFFFFFFE0] =	vst v8  }
0x18b: {  	v9 =	vmul.f32 v9, v10;
	v8 =	vmul.f32 v16, v10;
	[tilespmem:s25+$0xFFFFFF70] =	vst v13  }
0x18c: {  	s26 =	sadd.s32 $0x1, s26;
	[tilespmem:s25+$0xFFFFFF90] =	vst v14  }
0x18d: {  	[tilespmem:s25+$0xFFFFFFA0] =	vst v11;
	v11 =	vmov s26  }
.Ltmp3:
0x18e: {  	[tilespmem:s25+$0xFFFFFF80] =	vst v15;
	(pc) =	sbr.rel @p0 .LBB2_10-.Ltmp3, $4  }
0x18f: {  	[tilespmem:s25+$0xFFFFFFD0] =	vst v12  }
0x190: {  	[tilespmem:s25+$0xFFFFFFB0] =	vst v8;
	v10 =	vld [tilespmem:s25+$0x20]  }
0x191: {  	[tilespmem:s25+$0xFFFFFFC0] =	vst v9;
	v9 =	vld [tilespmem:s25+$0x40]  }
0x192: {  	v8 =	vld.idx.msk [tilespmem:v11+s0+$0x0], $0xffff  }
0x193: {  	_ =	sdelay $0x1  }
0x194: {  	v11 =	vld [tilespmem:s10+$0x70]  }
0x195: {  	v12 =	vld [tilespmem:s10+$0x30]  }
0x196: {  	v13 =	vld [tilespmem:s10+$0x50];
	v6 =	vmul.f32 v6, v8  }
0x197: {  	v14 =	vld [tilespmem:s10+$0x60]  }
0x198: {  	[tilespmem:s10+$0x0] =	vst v6;
	v6 =	vmul.f32 v9, v8  }
0x199: {  	v7 =	vmul.f32 v7, v8  }
0x19a: {  	[tilespmem:s10+$0x40] =	vst v6;
	v6 =	vmul.f32 v11, v8  }
0x19b: {  	s1 =	simm.s32 $0x40;
	v15 =	vnsel vm0, $0x0, v8;
	v10 =	vmul.f32 v10, v8;
	v9 =	vmul.f32 v12, v8;
	[tilespmem:s10+$0x10] =	vst v7  }
0x19c: {  	v7 =	vmul.f32 v13, v8;
	v8 =	vmul.f32 v14, v8;
	[tilespmem:s10+$0x70] =	vst v6;
	v6 =	vmov s1  }
0x19d: {  	[tilespmem:s10+$0x80] =	vst v15;
	v6 =	vand.u32 $0xFFFFFFFE, v6  }
0x19e: {  	[tilespmem:s10+$0x60] =	vst v8;
	v8 =	vbroadcast v6, $0x0  }
0x19f: {  	[tilespmem:s10+$0x20] =	vst v10  }
0x1a0: {  	[tilespmem:s10+$0x30] =	vst v9  }
0x1a1: {  	[tilespmem:s10+$0x50] =	vst v7;
	s10 =	simm.s32 $0x87B0  }
0x1a2: {  	[spmem:s2] =	stream.indirect.scatter.add.f32 [tilespmem:s31], [sflag:$0x3], $0x90, s17, s1, $0xb8;
	[tilespmem:$0x1F090] =	vst v63  }
0x1a3: {  	v10 =	vld [tilespmem:s10+$0x70]  }
0x1a4: {  	v8 =	vld.idx.msk [tilespmem:v8+s0+$0x0], $0xffff  }
0x1a5: {  	v11 =	vld [tilespmem:s10+$0x0]  }
0x1a6: {  	v59 =	vld [tilespmem:s10+$0x20]  }
0x1a7: {  	v15 =	vld [tilespmem:s10+$0x60]  }
0x1a8: {  	v60 =	vld [tilespmem:s10+$0x30]  }
0x1a9: {  	v61 =	vld [tilespmem:s10+$0x10];
	v10 =	vmul.f32 v10, v8;
	v16 =	vnsel vm0, $0x0, v8  }
0x1aa: {  	v17 =	vld [tilespmem:s10+$0x40];
	v11 =	vmul.f32 v11, v8;
	[tilespmem:s10+$0x80] =	vst v16  }
0x1ab: {  	v9 =	vld [tilespmem:s10+$0x50];
	v12 =	vmul.f32 v59, v8;
	[tilespmem:s10+$0x70] =	vst v10  }
0x1ac: {  	v62 =	vmul.f32 v15, v8;
	[tilespmem:s10+$0x0] =	vst v11  }
0x1ad: {  	s28 =	simm.s32 $0x41;
	v10 =	vmul.f32 v60, v8;
	[tilespmem:s10+$0x20] =	vst v12  }
0x1ae: {  	v63 =	vmov s28;
	v11 =	vmul.f32 v61, v8;
	[tilespmem:s10+$0x60] =	vst v62  }
0x1af: {  	v6 =	vld [tilespmem:s10+$0x90];
	[tilespmem:s10+$0x30] =	vst v10;
	v10 =	vmul.f32 v17, v8  }
0x1b0: {  	v7 =	vld [tilespmem:s10+$0xA0];
	[tilespmem:s10+$0x10] =	vst v11;
	v8 =	vmul.f32 v9, v8  }
0x1b1: {  	v9 =	vld [tilespmem:s10+$0xD0];
	[tilespmem:s10+$0x40] =	vst v10  }
0x1b2: {  	v10 =	vld [tilespmem:s10+$0xB0];
	[tilespmem:s10+$0x50] =	vst v8  }
0x1b3: {  	s1 =	simm.s32 $0x42;
	s17 =	simm.s32 $0x87B0;
	v8 =	vld.idx.msk [tilespmem:v63+s0+$0x0], $0xffff  }
.LBB2_12:
0x1b4: {  	p0 =	sne.s32 s1, $0x4E  }
0x1b5: {  	v11 =	vld [tilespmem:s10+$0x100];
	s17 =	sadd.s32 $0x120, s17;
	s25 =	smov.u32 s1;
	s1 =	sadd.s32 $0x2, s1  }
0x1b6: {  	v12 =	vld [tilespmem:s10+$0xC0]  }
0x1b7: {  	v13 =	vld [tilespmem:s10+$0xE0]  }
0x1b8: {  	v14 =	vld [tilespmem:s10+$0xF0];
	_ =	sdelay $0x1  }
0x1b9: {  	v6 =	vmul.f32 v6, v8;
	v7 =	vmul.f32 v7, v8;
	v15 =	vnsel vm0, $0x0, v8  }
0x1ba: {  	v10 =	vmul.f32 v10, v8;
	v12 =	vmul.f32 v12, v8;
	[tilespmem:s10+$0x110] =	vst v15  }
0x1bb: {  	v9 =	vmul.f32 v9, v8;
	v15 =	vmov s25;
	v13 =	vmul.f32 v13, v8;
	[tilespmem:s10+$0x90] =	vst v6  }
0x1bc: {  	v15 =	vand.u32 $0xFFFFFFFE, v15;
	v6 =	vld [tilespmem:s17+$0x90];
	v14 =	vmul.f32 v14, v8;
	v8 =	vmul.f32 v11, v8;
	[tilespmem:s10+$0xB0] =	vst v10  }
0x1bd: {  	v10 =	vbroadcast v15, $0x0;
	[tilespmem:s10+$0xA0] =	vst v7  }
0x1be: {  	v7 =	vld [tilespmem:s17+$0xA0];
	[tilespmem:s10+$0xD0] =	vst v9  }
0x1bf: {  	v9 =	vld [tilespmem:s17+$0x50];
	[tilespmem:s10+$0xC0] =	vst v12  }
0x1c0: {  	v11 =	vld [tilespmem:s17+$0x30];
	[tilespmem:s10+$0xE0] =	vst v13  }
0x1c1: {  	v12 =	vld [tilespmem:s17+$0x60];
	[tilespmem:s10+$0x100] =	vst v8  }
0x1c2: {  	v8 =	vld [tilespmem:s17+$0x70];
	[tilespmem:s10+$0xF0] =	vst v14;
	s10 =	smov.u32 s17  }
0x1c3: {  	v10 =	vld.idx.msk [tilespmem:v10+s0+$0x0], $0xffff  }
0x1c4: {  	v13 =	vld [tilespmem:s17+$0x0]  }
0x1c5: {  	v14 =	vld [tilespmem:s17+$0x20]  }
0x1c6: {  	v15 =	vld [tilespmem:s17+$0x10]  }
0x1c7: {  	v16 =	vld [tilespmem:s17+$0x40];
	_ =	sdelay $0x1  }
0x1c8: {  	v8 =	vmul.f32 v8, v10;
	v17 =	vnsel vm0, $0x0, v10;
	v13 =	vmul.f32 v13, v10  }
0x1c9: {  	v12 =	vmul.f32 v12, v10;
	v14 =	vmul.f32 v14, v10;
	[tilespmem:s17+$0x80] =	vst v17  }
0x1ca: {  	v11 =	vmul.f32 v11, v10;
	v15 =	vmul.f32 v15, v10;
	[tilespmem:s17+$0x70] =	vst v8  }
0x1cb: {  	v9 =	vmul.f32 v9, v10;
	v8 =	vmul.f32 v16, v10;
	[tilespmem:s17+$0x0] =	vst v13  }
0x1cc: {  	s25 =	sadd.s32 $0x1, s25;
	[tilespmem:s17+$0x20] =	vst v14  }
0x1cd: {  	[tilespmem:s17+$0x30] =	vst v11;
	v11 =	vmov s25  }
.Ltmp4:
0x1ce: {  	[tilespmem:s17+$0x10] =	vst v15;
	(pc) =	sbr.rel @p0 .LBB2_12-.Ltmp4, $4  }
0x1cf: {  	[tilespmem:s17+$0x60] =	vst v12  }
0x1d0: {  	[tilespmem:s17+$0x40] =	vst v8;
	v10 =	vld [tilespmem:s17+$0xB0]  }
0x1d1: {  	[tilespmem:s17+$0x50] =	vst v9;
	v9 =	vld [tilespmem:s17+$0xD0]  }
0x1d2: {  	v8 =	vld.idx.msk [tilespmem:v11+s0+$0x0], $0xffff  }
0x1d3: {  	_ =	sdelay $0x1  }
0x1d4: {  	v12 =	vld [tilespmem:s10+$0xC0]  }
0x1d5: {  	v14 =	vld [tilespmem:s10+$0xF0]  }
0x1d6: {  	v6 =	vmul.f32 v6, v8;
	v15 =	vnsel vm0, $0x0, v8  }
0x1d7: {  	v13 =	vld [tilespmem:s10+$0xE0];
	v10 =	vmul.f32 v10, v8;
	[tilespmem:s10+$0x110] =	vst v15  }
0x1d8: {  	v11 =	vld [tilespmem:s10+$0x100];
	v7 =	vmul.f32 v7, v8;
	[tilespmem:s10+$0x90] =	vst v6  }
0x1d9: {  	v62 =	vmul.f32 v12, v8;
	[tilespmem:s10+$0xB0] =	vst v10  }
0x1da: {  	v63 =	vmul.f32 v14, v8;
	[tilespmem:s10+$0xA0] =	vst v7  }
0x1db: {  	v6 =	vmul.f32 v9, v8;
	[tilespmem:s10+$0xC0] =	vst v62  }
0x1dc: {  	v7 =	vmul.f32 v13, v8;
	[tilespmem:s10+$0xF0] =	vst v63  }
0x1dd: {  	[tilespmem:s10+$0xD0] =	vst v6;
	v6 =	vmul.f32 v11, v8  }
0x1de: {  	[tilespmem:s10+$0xE0] =	vst v7  }
0x1df: {  	s20 =	sadd.s32 $0x1, s20;
	[tilespmem:s10+$0x100] =	vst v6  }
0x1e0: {  	[spmem:s2] =	stream.indirect.scatter.add.f32 [tilespmem:s14], [sflag:$0x4], $0x90, s21, s4, $0xb8;
	[tilespmem:$0x1F090] =	vst v63  }
0x1e1: {  	p0 =	sne.s32 s20, $0xC;
	_ =	swait.ge [sflag:s22], $0x900  }
.Ltmp5:
0x1e2: {  	[sflag:s22] =	ssyncset.done $0x0;
	(pc) =	sbr.rel @p0 .LBB2_5-.Ltmp5, $4  }
0x1e3: {  	[sflag:s22] =	ssyncadd.s32 $0xFFFFF700  }
0x1e4: {  	_ =	swait.ge [sflag:s6], $0x2400  }
0x1e5: {  	[sflag:s6] =	ssyncset.done $0x0  }
0x1e6: {  	[sflag:s6] =	ssyncadd.s32 $0xFFFFDC00  }
0x1e7: {  	_ =	swait.ge [sflag:s30], $0x2D00  }
0x1e8: {  	[sflag:s30] =	ssyncset.done $0x0  }
0x1e9: {  	[sflag:s30] =	ssyncadd.s32 $0xFFFFD300  }
0x1ea: {  	v6 =	vld [tilespmem:$0x34E0];
	_ =	sdelay $0x6  }
0x1eb: {  	s1 =	simm.s32 $0x0;
	v7 =	vld.idx.msk [tilespmem:v1+s23+$0x0], $0xffff  }
0x1ec: {  	v6 =	vld.idx.msk [tilespmem:v6+s1+$0x0], $0xffff;
	_ =	sdelay $0x4  }
0x1ed: {  	v6 =	vadd.f32 v6, v7;
	_ =	sdelay $0x1  }
0x1ee: {  	v7 =	vmul.f32 $2.000000030e-01, v6  }
0x1ef: {  	vm1 =	vgt.f32 v6, $0.0e+00  }
0x1f0: {  	v6 =	vsel vm1, v6, v7  }
0x1f1: {  	v6 =	vmul.f32 $1.442695020e+00, v6;
	_ =	sdelay $0x1  }
0x1f2: {  	(erf) = vpow2.f32 v6;
	_ =	sdelay $0x3  }
0x1f3: {  	v6 =	vld [tilespmem:$0x34F0];
	_ =	sdelay $0x4  }
0x1f4: {  	v7 =	vpop (erf)  }
0x1f5: {  	[tilespmem:$0x90B0] =	vst v7  }
0x1f6: {  	v7 =	vld.idx.msk [tilespmem:v2+s23+$0x0], $0xffff  }
0x1f7: {  	v6 =	vld.idx.msk [tilespmem:v6+s1+$0x0], $0xffff;
	_ =	sdelay $0x4  }
0x1f8: {  	v6 =	vadd.f32 v6, v7;
	_ =	sdelay $0x1  }
0x1f9: {  	v7 =	vmul.f32 $2.000000030e-01, v6  }
0x1fa: {  	vm1 =	vgt.f32 v6, $0.0e+00  }
0x1fb: {  	v6 =	vsel vm1, v6, v7  }
0x1fc: {  	v6 =	vmul.f32 $1.442695020e+00, v6;
	_ =	sdelay $0x1  }
0x1fd: {  	(erf) = vpow2.f32 v6;
	_ =	sdelay $0x3  }
0x1fe: {  	v6 =	vld [tilespmem:$0x3500];
	_ =	sdelay $0x4  }
0x1ff: {  	v7 =	vpop (erf)  }
0x200: {  	[tilespmem:$0x90C0] =	vst v7  }
0x201: {  	v7 =	vld.idx.msk [tilespmem:v3+s23+$0x0], $0xffff  }
0x202: {  	v6 =	vld.idx.msk [tilespmem:v6+s1+$0x0], $0xffff;
	_ =	sdelay $0x4  }
0x203: {  	v6 =	vadd.f32 v6, v7;
	_ =	sdelay $0x1  }
0x204: {  	v7 =	vmul.f32 $2.000000030e-01, v6  }
0x205: {  	vm1 =	vgt.f32 v6, $0.0e+00  }
0x206: {  	v6 =	vsel vm1, v6, v7  }
0x207: {  	v6 =	vmul.f32 $1.442695020e+00, v6;
	_ =	sdelay $0x1  }
0x208: {  	(erf) = vpow2.f32 v6;
	_ =	sdelay $0x3  }
0x209: {  	v6 =	vld [tilespmem:$0x3510];
	_ =	sdelay $0x4  }
0x20a: {  	v7 =	vpop (erf)  }
0x20b: {  	[tilespmem:$0x90D0] =	vst v7  }
0x20c: {  	v7 =	vld.idx.msk [tilespmem:v4+s23+$0x0], $0xffff  }
0x20d: {  	v6 =	vld.idx.msk [tilespmem:v6+s1+$0x0], $0xffff;
	_ =	sdelay $0x4  }
0x20e: {  	v6 =	vadd.f32 v6, v7;
	_ =	sdelay $0x1  }
0x20f: {  	v7 =	vmul.f32 $2.000000030e-01, v6  }
0x210: {  	vm1 =	vgt.f32 v6, $0.0e+00  }
0x211: {  	v6 =	vsel vm1, v6, v7  }
0x212: {  	v6 =	vmul.f32 $1.442695020e+00, v6;
	_ =	sdelay $0x1  }
0x213: {  	(erf) = vpow2.f32 v6;
	_ =	sdelay $0x3  }
0x214: {  	v6 =	vld [tilespmem:$0x36A0];
	_ =	sdelay $0x4  }
0x215: {  	v7 =	vpop (erf)  }
0x216: {  	[tilespmem:$0x90E0] =	vst v7  }
0x217: {  	v7 =	vld.idx.msk [tilespmem:v5+s23+$0x0], $0xffff  }
0x218: {  	v6 =	vld.idx.msk [tilespmem:v6+s1+$0x0], $0xffff;
	_ =	sdelay $0x4  }
0x219: {  	v6 =	vadd.f32 v6, v7;
	_ =	sdelay $0x1  }
0x21a: {  	v7 =	vmul.f32 $2.000000030e-01, v6  }
0x21b: {  	vm1 =	vgt.f32 v6, $0.0e+00  }
0x21c: {  	v6 =	vsel vm1, v6, v7  }
0x21d: {  	v6 =	vmul.f32 $1.442695020e+00, v6;
	_ =	sdelay $0x1  }
0x21e: {  	(erf) = vpow2.f32 v6;
	_ =	sdelay $0x3  }
0x21f: {  	v6 =	vmov s1  }
0x220: {  	v6 =	vand.u32 $0xFFFFFFFE, v6  }
0x221: {  	v8 =	vbroadcast v6, $0x0;
	_ =	sdelay $0x2  }
0x222: {  	v7 =	vpop (erf)  }
0x223: {  	s10 =	simm.s32 $0x3740;
	[tilespmem:$0x90F0] =	vst v7  }
0x224: {  	v10 =	vld [tilespmem:s10+$0xFFFFFFE0]  }
0x225: {  	v8 =	vld.idx.msk [tilespmem:v8+s0+$0x0], $0xffff  }
0x226: {  	v11 =	vld [tilespmem:s10+$0xFFFFFF70]  }
0x227: {  	v12 =	vld [tilespmem:s10+$0xFFFFFF90]  }
0x228: {  	v15 =	vld [tilespmem:s10+$0xFFFFFFD0]  }
0x229: {  	v13 =	vld [tilespmem:s10+$0xFFFFFFA0]  }
0x22a: {  	v14 =	vld [tilespmem:s10+$0xFFFFFF80];
	v10 =	vmul.f32 v10, v8;
	v16 =	vnsel vm0, $0x0, v8  }
0x22b: {  	v17 =	vld [tilespmem:s10+$0xFFFFFFB0];
	v11 =	vmul.f32 v11, v8;
	[tilespmem:s10+$0xFFFFFFF0] =	vst v16  }
0x22c: {  	v9 =	vld [tilespmem:s10+$0xFFFFFFC0];
	v12 =	vmul.f32 v12, v8;
	[tilespmem:s10+$0xFFFFFFE0] =	vst v10  }
0x22d: {  	v62 =	vmul.f32 v15, v8;
	[tilespmem:s10+$0xFFFFFF70] =	vst v11  }
0x22e: {  	s28 =	simm.s32 $0x1;
	v10 =	vmul.f32 v13, v8;
	[tilespmem:s10+$0xFFFFFF90] =	vst v12  }
0x22f: {  	v63 =	vmov s28;
	v11 =	vmul.f32 v14, v8;
	[tilespmem:s10+$0xFFFFFFD0] =	vst v62  }
0x230: {  	v6 =	vld [tilespmem:s10+$0x0];
	[tilespmem:s10+$0xFFFFFFA0] =	vst v10;
	v10 =	vmul.f32 v17, v8  }
0x231: {  	v7 =	vld [tilespmem:s10+$0x10];
	[tilespmem:s10+$0xFFFFFF80] =	vst v11;
	v8 =	vmul.f32 v9, v8  }
0x232: {  	v9 =	vld [tilespmem:s10+$0x40];
	[tilespmem:s10+$0xFFFFFFB0] =	vst v10  }
0x233: {  	v10 =	vld [tilespmem:s10+$0x20];
	[tilespmem:s10+$0xFFFFFFC0] =	vst v8  }
0x234: {  	s17 =	simm.s32 $0x3740;
	s1 =	simm.s32 $0x2;
	v8 =	vld.idx.msk [tilespmem:v63+s0+$0x0], $0xffff  }
.LBB2_15:
0x235: {  	p0 =	sne.s32 s1, $0x3E  }
0x236: {  	v11 =	vld [tilespmem:s10+$0x70];
	s17 =	sadd.s32 $0x120, s17;
	s20 =	smov.u32 s1;
	s1 =	sadd.s32 $0x2, s1  }
0x237: {  	v12 =	vld [tilespmem:s10+$0x30]  }
0x238: {  	v13 =	vld [tilespmem:s10+$0x50]  }
0x239: {  	v14 =	vld [tilespmem:s10+$0x60];
	_ =	sdelay $0x1  }
0x23a: {  	v6 =	vmul.f32 v6, v8;
	v7 =	vmul.f32 v7, v8;
	v15 =	vnsel vm0, $0x0, v8  }
0x23b: {  	v10 =	vmul.f32 v10, v8;
	v12 =	vmul.f32 v12, v8;
	[tilespmem:s10+$0x80] =	vst v15  }
0x23c: {  	v9 =	vmul.f32 v9, v8;
	v15 =	vmov s20;
	v13 =	vmul.f32 v13, v8;
	[tilespmem:s10+$0x0] =	vst v6  }
0x23d: {  	v15 =	vand.u32 $0xFFFFFFFE, v15;
	v6 =	vld [tilespmem:s17+$0x0];
	v14 =	vmul.f32 v14, v8;
	v8 =	vmul.f32 v11, v8;
	[tilespmem:s10+$0x20] =	vst v10  }
0x23e: {  	v10 =	vbroadcast v15, $0x0;
	[tilespmem:s10+$0x10] =	vst v7  }
0x23f: {  	v7 =	vld [tilespmem:s17+$0x10];
	[tilespmem:s10+$0x40] =	vst v9  }
0x240: {  	v9 =	vld [tilespmem:s17+$0xFFFFFFC0];
	[tilespmem:s10+$0x30] =	vst v12  }
0x241: {  	v11 =	vld [tilespmem:s17+$0xFFFFFFA0];
	[tilespmem:s10+$0x50] =	vst v13  }
0x242: {  	v12 =	vld [tilespmem:s17+$0xFFFFFFD0];
	[tilespmem:s10+$0x70] =	vst v8  }
0x243: {  	v8 =	vld [tilespmem:s17+$0xFFFFFFE0];
	[tilespmem:s10+$0x60] =	vst v14;
	s10 =	smov.u32 s17  }
0x244: {  	v10 =	vld.idx.msk [tilespmem:v10+s0+$0x0], $0xffff  }
0x245: {  	v13 =	vld [tilespmem:s17+$0xFFFFFF70]  }
0x246: {  	v14 =	vld [tilespmem:s17+$0xFFFFFF90]  }
0x247: {  	v15 =	vld [tilespmem:s17+$0xFFFFFF80]  }
0x248: {  	v16 =	vld [tilespmem:s17+$0xFFFFFFB0];
	_ =	sdelay $0x1  }
0x249: {  	v8 =	vmul.f32 v8, v10;
	v17 =	vnsel vm0, $0x0, v10;
	v13 =	vmul.f32 v13, v10  }
0x24a: {  	v12 =	vmul.f32 v12, v10;
	v14 =	vmul.f32 v14, v10;
	[tilespmem:s17+$0xFFFFFFF0] =	vst v17  }
0x24b: {  	v11 =	vmul.f32 v11, v10;
	v15 =	vmul.f32 v15, v10;
	[tilespmem:s17+$0xFFFFFFE0] =	vst v8  }
0x24c: {  	v9 =	vmul.f32 v9, v10;
	v8 =	vmul.f32 v16, v10;
	[tilespmem:s17+$0xFFFFFF70] =	vst v13  }
0x24d: {  	s20 =	sadd.s32 $0x1, s20;
	[tilespmem:s17+$0xFFFFFF90] =	vst v14  }
0x24e: {  	[tilespmem:s17+$0xFFFFFFA0] =	vst v11;
	v11 =	vmov s20  }
.Ltmp6:
0x24f: {  	[tilespmem:s17+$0xFFFFFF80] =	vst v15;
	(pc) =	sbr.rel @p0 .LBB2_15-.Ltmp6, $4  }
0x250: {  	[tilespmem:s17+$0xFFFFFFD0] =	vst v12  }
0x251: {  	[tilespmem:s17+$0xFFFFFFB0] =	vst v8;
	v10 =	vld [tilespmem:s17+$0x20]  }
0x252: {  	[tilespmem:s17+$0xFFFFFFC0] =	vst v9;
	v9 =	vld [tilespmem:s17+$0x40]  }
0x253: {  	v8 =	vld.idx.msk [tilespmem:v11+s0+$0x0], $0xffff  }
0x254: {  	_ =	sdelay $0x1  }
0x255: {  	v11 =	vld [tilespmem:s10+$0x70]  }
0x256: {  	v12 =	vld [tilespmem:s10+$0x30]  }
0x257: {  	v13 =	vld [tilespmem:s10+$0x50];
	v6 =	vmul.f32 v6, v8  }
0x258: {  	v14 =	vld [tilespmem:s10+$0x60]  }
0x259: {  	[tilespmem:s10+$0x0] =	vst v6;
	v6 =	vmul.f32 v9, v8  }
0x25a: {  	v7 =	vmul.f32 v7, v8  }
0x25b: {  	[tilespmem:s10+$0x40] =	vst v6;
	v6 =	vmul.f32 v11, v8  }
0x25c: {  	s1 =	simm.s32 $0x40;
	v15 =	vnsel vm0, $0x0, v8;
	v10 =	vmul.f32 v10, v8;
	v9 =	vmul.f32 v12, v8;
	[tilespmem:s10+$0x10] =	vst v7  }
0x25d: {  	v7 =	vmul.f32 v13, v8;
	v8 =	vmul.f32 v14, v8;
	[tilespmem:s10+$0x70] =	vst v6;
	v6 =	vmov s1  }
0x25e: {  	[tilespmem:s10+$0x80] =	vst v15;
	v6 =	vand.u32 $0xFFFFFFFE, v6  }
0x25f: {  	[tilespmem:s10+$0x60] =	vst v8;
	v8 =	vbroadcast v6, $0x0  }
0x260: {  	[tilespmem:s10+$0x20] =	vst v10  }
0x261: {  	[tilespmem:s10+$0x30] =	vst v9  }
0x262: {  	[tilespmem:s10+$0x50] =	vst v7;
	s10 =	simm.s32 $0x5AB0  }
0x263: {  	[spmem:s2] =	stream.indirect.scatter.add.f32 [tilespmem:s23], [sflag:$0x3], $0x90, s15, s1, $0xb8;
	[tilespmem:$0x1F090] =	vst v63  }
0x264: {  	v10 =	vld [tilespmem:s10+$0x70]  }
0x265: {  	v8 =	vld.idx.msk [tilespmem:v8+s0+$0x0], $0xffff  }
0x266: {  	v11 =	vld [tilespmem:s10+$0x0]  }
0x267: {  	v59 =	vld [tilespmem:s10+$0x20]  }
0x268: {  	v15 =	vld [tilespmem:s10+$0x60]  }
0x269: {  	v60 =	vld [tilespmem:s10+$0x30]  }
0x26a: {  	v61 =	vld [tilespmem:s10+$0x10];
	v10 =	vmul.f32 v10, v8;
	v16 =	vnsel vm0, $0x0, v8  }
0x26b: {  	v17 =	vld [tilespmem:s10+$0x40];
	v11 =	vmul.f32 v11, v8;
	[tilespmem:s10+$0x80] =	vst v16  }
0x26c: {  	v9 =	vld [tilespmem:s10+$0x50];
	v12 =	vmul.f32 v59, v8;
	[tilespmem:s10+$0x70] =	vst v10  }
0x26d: {  	v62 =	vmul.f32 v15, v8;
	[tilespmem:s10+$0x0] =	vst v11  }
0x26e: {  	s28 =	simm.s32 $0x41;
	v10 =	vmul.f32 v60, v8;
	[tilespmem:s10+$0x20] =	vst v12  }
0x26f: {  	v63 =	vmov s28;
	v11 =	vmul.f32 v61, v8;
	[tilespmem:s10+$0x60] =	vst v62  }
0x270: {  	v6 =	vld [tilespmem:s10+$0x90];
	[tilespmem:s10+$0x30] =	vst v10;
	v10 =	vmul.f32 v17, v8  }
0x271: {  	v7 =	vld [tilespmem:s10+$0xA0];
	[tilespmem:s10+$0x10] =	vst v11;
	v8 =	vmul.f32 v9, v8  }
0x272: {  	v9 =	vld [tilespmem:s10+$0xD0];
	[tilespmem:s10+$0x40] =	vst v10  }
0x273: {  	v10 =	vld [tilespmem:s10+$0xB0];
	[tilespmem:s10+$0x50] =	vst v8  }
0x274: {  	s17 =	simm.s32 $0x5AB0;
	s1 =	simm.s32 $0x42;
	v8 =	vld.idx.msk [tilespmem:v63+s0+$0x0], $0xffff  }
.LBB2_17:
0x275: {  	p0 =	sne.s32 s1, $0x4E  }
0x276: {  	v11 =	vld [tilespmem:s10+$0x100];
	s17 =	sadd.s32 $0x120, s17;
	s20 =	smov.u32 s1;
	s1 =	sadd.s32 $0x2, s1  }
0x277: {  	v12 =	vld [tilespmem:s10+$0xC0]  }
0x278: {  	v13 =	vld [tilespmem:s10+$0xE0]  }
0x279: {  	v14 =	vld [tilespmem:s10+$0xF0];
	_ =	sdelay $0x1  }
0x27a: {  	v6 =	vmul.f32 v6, v8;
	v7 =	vmul.f32 v7, v8;
	v15 =	vnsel vm0, $0x0, v8  }
0x27b: {  	v10 =	vmul.f32 v10, v8;
	v12 =	vmul.f32 v12, v8;
	[tilespmem:s10+$0x110] =	vst v15  }
0x27c: {  	v9 =	vmul.f32 v9, v8;
	v15 =	vmov s20;
	v13 =	vmul.f32 v13, v8;
	[tilespmem:s10+$0x90] =	vst v6  }
0x27d: {  	v15 =	vand.u32 $0xFFFFFFFE, v15;
	v6 =	vld [tilespmem:s17+$0x90];
	v14 =	vmul.f32 v14, v8;
	v8 =	vmul.f32 v11, v8;
	[tilespmem:s10+$0xB0] =	vst v10  }
0x27e: {  	v10 =	vbroadcast v15, $0x0;
	[tilespmem:s10+$0xA0] =	vst v7  }
0x27f: {  	v7 =	vld [tilespmem:s17+$0xA0];
	[tilespmem:s10+$0xD0] =	vst v9  }
0x280: {  	v9 =	vld [tilespmem:s17+$0x50];
	[tilespmem:s10+$0xC0] =	vst v12  }
0x281: {  	v11 =	vld [tilespmem:s17+$0x30];
	[tilespmem:s10+$0xE0] =	vst v13  }
0x282: {  	v12 =	vld [tilespmem:s17+$0x60];
	[tilespmem:s10+$0x100] =	vst v8  }
0x283: {  	v8 =	vld [tilespmem:s17+$0x70];
	[tilespmem:s10+$0xF0] =	vst v14;
	s10 =	smov.u32 s17  }
0x284: {  	v10 =	vld.idx.msk [tilespmem:v10+s0+$0x0], $0xffff  }
0x285: {  	v13 =	vld [tilespmem:s17+$0x0]  }
0x286: {  	v14 =	vld [tilespmem:s17+$0x20]  }
0x287: {  	v15 =	vld [tilespmem:s17+$0x10]  }
0x288: {  	v16 =	vld [tilespmem:s17+$0x40];
	_ =	sdelay $0x1  }
0x289: {  	v8 =	vmul.f32 v8, v10;
	v17 =	vnsel vm0, $0x0, v10;
	v13 =	vmul.f32 v13, v10  }
0x28a: {  	v12 =	vmul.f32 v12, v10;
	v14 =	vmul.f32 v14, v10;
	[tilespmem:s17+$0x80] =	vst v17  }
0x28b: {  	v11 =	vmul.f32 v11, v10;
	v15 =	vmul.f32 v15, v10;
	[tilespmem:s17+$0x70] =	vst v8  }
0x28c: {  	v9 =	vmul.f32 v9, v10;
	v8 =	vmul.f32 v16, v10;
	[tilespmem:s17+$0x0] =	vst v13  }
0x28d: {  	s20 =	sadd.s32 $0x1, s20;
	[tilespmem:s17+$0x20] =	vst v14  }
0x28e: {  	[tilespmem:s17+$0x30] =	vst v11;
	v11 =	vmov s20  }
.Ltmp7:
0x28f: {  	[tilespmem:s17+$0x10] =	vst v15;
	(pc) =	sbr.rel @p0 .LBB2_17-.Ltmp7, $4  }
0x290: {  	[tilespmem:s17+$0x60] =	vst v12  }
0x291: {  	[tilespmem:s17+$0x40] =	vst v8;
	v10 =	vld [tilespmem:s17+$0xB0]  }
0x292: {  	[tilespmem:s17+$0x50] =	vst v9;
	v9 =	vld [tilespmem:s17+$0xD0]  }
0x293: {  	v8 =	vld.idx.msk [tilespmem:v11+s0+$0x0], $0xffff  }
0x294: {  	_ =	sdelay $0x1  }
0x295: {  	v12 =	vld [tilespmem:s10+$0xC0]  }
0x296: {  	v14 =	vld [tilespmem:s10+$0xF0]  }
0x297: {  	v6 =	vmul.f32 v6, v8;
	v15 =	vnsel vm0, $0x0, v8  }
0x298: {  	v13 =	vld [tilespmem:s10+$0xE0];
	v10 =	vmul.f32 v10, v8;
	[tilespmem:s10+$0x110] =	vst v15  }
0x299: {  	v11 =	vld [tilespmem:s10+$0x100];
	v7 =	vmul.f32 v7, v8;
	[tilespmem:s10+$0x90] =	vst v6  }
0x29a: {  	v62 =	vmul.f32 v12, v8;
	[tilespmem:s10+$0xB0] =	vst v10  }
0x29b: {  	v63 =	vmul.f32 v14, v8;
	[tilespmem:s10+$0xA0] =	vst v7  }
0x29c: {  	v6 =	vmul.f32 v9, v8;
	[tilespmem:s10+$0xC0] =	vst v62  }
0x29d: {  	v7 =	vmul.f32 v13, v8;
	[tilespmem:s10+$0xF0] =	vst v63  }
0x29e: {  	[tilespmem:s10+$0xD0] =	vst v6;
	v6 =	vmul.f32 v11, v8  }
0x29f: {  	[tilespmem:s10+$0xE0] =	vst v7  }
0x2a0: {  	s19 =	sadd.s32 $0x1, s19;
	[tilespmem:s10+$0x100] =	vst v6  }
0x2a1: {  	[spmem:s2] =	stream.indirect.scatter.add.f32 [tilespmem:s3], [sflag:$0x4], $0x90, s16, s4, $0xb8;
	[tilespmem:$0x1F090] =	vst v63  }
0x2a2: {  	p0 =	sne.s32 s19, $0x5;
	_ =	swait.ge [sflag:s22], $0x900  }
.Ltmp8:
0x2a3: {  	[sflag:s22] =	ssyncset.done $0x0;
	(pc) =	sbr.rel @p0 .LBB2_4-.Ltmp8, $4  }
0x2a4: {  	[sflag:s22] =	ssyncadd.s32 $0xFFFFF700  }
0x2a5: {  	_ =	swait.ge [sflag:s6], $0x2400  }
0x2a6: {  	[sflag:s6] =	ssyncset.done $0x0  }
0x2a7: {  	[sflag:s6] =	ssyncadd.s32 $0xFFFFDC00  }
0x2a8: {  	s1 =	stileid.u32;
	[bflag:$0x0] =	sbarrier.arrive $0xFFFF  }
0x2a9: {  	s1 =	sshll.u32 s1, $0x6;
	s10 =	rddreg [dreg:$0x7]  }
0x2aa: {  	s17 =	rddreg [dreg:$0xf];
	s1 =	sor.u32 $0x1C04, s1  }
0x2ab: {  	[hbm:s10], [sflag:s1] =	dma.local [spmem:s17], $0x2BF2  }
0x2ac: {  	_ =	swait.ge [sflag:s22], $0x2BF2  }
0x2ad: {  	s26 =	rddreg [dreg:$0x10]  }
0x2ae: {  	s28 =	rddreg [dreg:$0x8];
	s10 =	sadd.s32 $0x1, s26  }
0x2af: {  	p0 =	sne.s32 s10, s28  }
.Ltmp9:
0x2b0: {  	_ = 	snop;
	(pc) =	sbr.rel @p0 .LBB2_1-.Ltmp9, $3  }
0x2b1: {  	_ =	sdelay $0x1  }
0x2b2: {  	[sflag:s22] =	ssyncset.done $0x0  }
0x2b3: {  	[sflag:s22] =	ssyncadd.s32 $0xFFFFD40E  }
0x2b4: {  	_ =	sfence.sel $0x180000  }
0x2b5: {  	[bflag:$0x0] =	sbarrier.arrive $0xFFFF  }
0x2b6: {  	_ =	strace $0x90000047  }
0x2b7: {  	s0 =	stileid.u32;
	[bflag:$0x2] =	sbarrier.arrive $0xFFFF  }
0x2b8: {  	p0 =	sne.s32 s0, $0x0;
	s0 =	rddreg [dreg:$0x3]  }
0x2b9: {  	s0 =	sadd.s32 @!p0 $0x100000, s0  }
0x2ba: {  	[sflag:s0] =	ssyncadd.tile.s32 @!p0 $0x1;
	_ =	shalt  }
.Lfunc_end2:
_tile_overlayer_lowered:
.L_overlay_start_2:
0x2bb: {  	(tag) =	ssettag $0x2  }
0x2bc: {  	s0 =	rddreg [dreg:$0x0];
	s2 =	stileid.u32  }
0x2bd: {  	s1 =	rddreg [dreg:$0x1];
	p0 =	sne.s32 s2, $0x0  }
0x2be: {  	s3 =	rddreg [dreg:$0x2];
	[bflag:$0x3] =	sbarrier.arrive $0xFFFF;
	s2 =	simm.s32 @!p0 $0x1C04  }
0x2bf: {  	[timem:s3], [sflag:s2] =	dma.local @!p0 [hbm:s0], s1  }
0x2c0: {  	s0 =	simm.s32 @!p0 $0x4  }
0x2c1: {  	_ =	swait.ge @!p0 [sflag:s0], s1  }
0x2c2: {  	s1 =	ssub.s32 @!p0 $0x0, s1;
	[sflag:s0] =	ssyncset.done @!p0 $0x0  }
0x2c3: {  	[sflag:s0] =	ssyncadd.s32 @!p0 s1  }
0x2c4: {  	[bflag:$0x3] =	sbarrier.arrive $0xFFFF  }
0x2c5: {  	_ =	shalt  }

</sc_bundles>
